<compile_context>
chip_gen: v7x
topology: tpu7x:2x2x1
jax: 0.10.2.dev20260603
libtpu: 0.0.44.dev20260713+nightly
codegen_flags: <defaults>
</compile_context>

<pallas_src>
import functools
import jax
import jax.numpy as jnp
from jax import lax
from jax.experimental import pallas as pl
from jax.experimental.pallas import tpu as pltpu
from jax.experimental.pallas import tpu_sc as plsc

N = 10000
E = 320000
FT = 128
H = 8
DH = FT // H
HP = 16

NC = 2
NS = 16
NW = NC * NS
EP = E // NW
C = 40
NCH = EP // C
SR = 640
SRL = N - (NS - 1) * SR

_mesh = plsc.VectorSubcoreMesh(core_axis_name="c", subcore_axis_name="s")


def _split_rows(s, do):
    @pl.when(s < NS - 1)
    def _():
        do(s * SR, SR)

    @pl.when(s == NS - 1)
    def _():
        do((NS - 1) * SR, SRL)


def _node_prep_body(nft_ref, w1t_ref, w3t_ref, wa_ref, a2s_ref, a2d_ref,
                    psrc_ref, pdst_ref, nsw_ref, ndw_ref):
    x = nft_ref[...]
    psrc = jnp.dot(x, w1t_ref[...], preferred_element_type=jnp.float32)
    pdst = jnp.dot(x, w3t_ref[...], preferred_element_type=jnp.float32)
    psrc_ref[...] = psrc
    pdst_ref[...] = pdst
    nsw_ref[...] = (jnp.dot(x, wa_ref[...], preferred_element_type=jnp.float32)
                    + jnp.dot(psrc, a2s_ref[...], preferred_element_type=jnp.float32))
    ndw_ref[...] = jnp.dot(pdst, a2d_ref[...], preferred_element_type=jnp.float32)


def _edge_prep_body(eft_ref, w2t_ref, b_ref, a2_ref, pe_ref, e2_ref):
    pe = jnp.dot(eft_ref[...], w2t_ref[...],
                 preferred_element_type=jnp.float32) + b_ref[...]
    pe_ref[...] = pe
    e2_ref[...] = jnp.dot(pe, a2_ref[...], preferred_element_type=jnp.float32)


def _final_body(accp_ref, dpart_ref, r_ref, pdst_ref, nft_ref, out_ref):
    d = jnp.dot(dpart_ref[0] + dpart_ref[1], r_ref[...],
                preferred_element_type=jnp.float32)
    inv = jnp.where(d > 0.0, 1.0 / d, 0.0)
    pd = jnp.where(d > 0.0, pdst_ref[...], 0.0)
    out_ref[...] = jnp.maximum(
        (accp_ref[0] + accp_ref[1]) * inv + pd + nft_ref[...], 0.0)


def _sc_edges(src_h, dst_h, psrc_h, nsw_h, ndw_h, pe_h, e2_h,
              p_h, accp_h,
              idx_s, idx_d, gs, gn, gd, pev, e2v, wbuf, acc,
              sem_g0, sem_g1, sem_s0, sem_s1):
    sems_g = (sem_g0, sem_g1)
    sems_s = (sem_s0, sem_s1)
    c = lax.axis_index("c")
    s = lax.axis_index("s")
    wid = s * NC + c
    base_w = wid * EP

    wb0 = wbuf.at[0]

    def zrow(i, carry):
        def zcol(h, hc):
            wb0[i, pl.ds(h * HP, HP)] = jnp.zeros((HP,), jnp.float32)
            return hc
        lax.fori_loop(0, FT // HP, zcol, 0)
        return carry
    lax.fori_loop(0, C, zrow, 0)

    def stage(off, size):
        def zcopy(j, carry):
            pltpu.sync_copy(wb0, acc.at[pl.ds(off + j * C, C), :])
            return carry
        lax.fori_loop(0, size // C, zcopy, 0)
    _split_rows(s, stage)
    plsc.subcore_barrier()

    def issue_gathers(k, b):
        off = base_w + k * C
        pltpu.sync_copy(src_h.at[pl.ds(off, C)], idx_s.at[b])
        pltpu.sync_copy(dst_h.at[pl.ds(off, C)], idx_d.at[b])
        pltpu.async_copy(psrc_h.at[idx_s.at[b]], gs.at[b], sems_g[b])
        pltpu.async_copy(nsw_h.at[idx_s.at[b]], gn.at[b], sems_g[b])
        pltpu.async_copy(ndw_h.at[idx_d.at[b]], gd.at[b], sems_g[b])
        pltpu.async_copy(pe_h.at[pl.ds(off, C), :], pev.at[b], sems_g[b])
        pltpu.async_copy(e2_h.at[pl.ds(off, C), :], e2v.at[b], sems_g[b])

    def wait_gathers(k, b):
        off = base_w + k * C
        pltpu.make_async_copy(psrc_h.at[idx_s.at[b]], gs.at[b], sems_g[b]).wait()
        pltpu.make_async_copy(nsw_h.at[idx_s.at[b]], gn.at[b], sems_g[b]).wait()
        pltpu.make_async_copy(ndw_h.at[idx_d.at[b]], gd.at[b], sems_g[b]).wait()
        pltpu.make_async_copy(pe_h.at[pl.ds(off, C), :], pev.at[b], sems_g[b]).wait()
        pltpu.make_async_copy(e2_h.at[pl.ds(off, C), :], e2v.at[b], sems_g[b]).wait()

    def issue_scatters(k, b):
        off = base_w + k * C
        pltpu.sync_copy(e2v.at[b], p_h.at[pl.ds(off, C), :])
        pltpu.sync_copy(wbuf.at[b], acc.at[idx_d.at[b]], add=True)

    def compute(b):
        gsb, gnb, gdb = gs.at[b], gn.at[b], gd.at[b]
        pevb, e2b, wbb = pev.at[b], e2v.at[b], wbuf.at[b]

        def erow(i, icarry):
            a = gnb[i, :] + gdb[i, :] + e2b[i, :]
            a = jnp.where(a >= 0.0, a, a * 0.01)
            p = jnp.exp(a)
            e2b[i, :] = p
            for h in range(H):
                w = (gsb[i, pl.ds(h * DH, DH)] + pevb[i, pl.ds(h * DH, DH)]) * p[h]
                wbb[i, pl.ds(h * DH, DH)] = w
            return icarry
        lax.fori_loop(0, C, erow, 0)

    issue_gathers(0, 0)

    def pair(kk, carry):
        for b in range(2):
            k = kk * 2 + b
            o = 1 - b

            @pl.when(k + 1 < NCH)
            def _():
                issue_gathers(k + 1, o)

            wait_gathers(k, b)
            compute(b)
            issue_scatters(k, b)
        return carry
    lax.fori_loop(0, NCH // 2, pair, 0)

    plsc.subcore_barrier()

    def writeback(off, size):
        pltpu.sync_copy(acc.at[pl.ds(off, size), :],
                        accp_h.at[c, pl.ds(off, size), :])
    _split_rows(s, writeback)


C2 = 80
NCH2 = EP // C2


def _sc_denom(dst_h, p_h,
              dpart_h,
              idx_d, pv, dsh, sem):
    c = lax.axis_index("c")
    s = lax.axis_index("s")
    wid = s * NC + c
    base_w = wid * EP

    def zrow(i, carry):
        pv[i, :] = jnp.zeros((HP,), jnp.float32)
        return carry
    lax.fori_loop(0, C2, zrow, 0)

    def stage(off, size):
        def zcopy(j, carry):
            pltpu.sync_copy(pv, dsh.at[pl.ds(off + j * C2, C2), :])
            return carry
        lax.fori_loop(0, size // C2, zcopy, 0)
    _split_rows(s, stage)
    plsc.subcore_barrier()

    def chunk(k, carry):
        off = base_w + k * C2
        pltpu.sync_copy(dst_h.at[pl.ds(off, C2)], idx_d)
        pltpu.sync_copy(p_h.at[pl.ds(off, C2), :], pv)
        pltpu.sync_copy(pv, dsh.at[idx_d], add=True)
        return carry
    lax.fori_loop(0, NCH2, chunk, 0)

    plsc.subcore_barrier()

    @pl.when(s == 0)
    def _():
        pltpu.sync_copy(dsh, dpart_h.at[c])


@jax.jit
def kernel(nft, eft, edge_index, W_pe, b_pe, W_a1, attn2):
    f32 = jnp.float32
    src = edge_index[0]
    dst = edge_index[1]
    W1T = W_pe[:, :FT].T
    W2T = W_pe[:, FT:2 * FT].T
    W3T = W_pe[:, 2 * FT:].T
    a2sq = attn2[0]
    A2 = (a2sq[:, :, None] * jnp.eye(H, dtype=f32)[:, None, :]).reshape(FT, H)
    zpad = jnp.zeros((FT, FT - H), f32)
    A2w = jnp.concatenate([A2, zpad], axis=1)
    Wa1w = jnp.concatenate([W_a1.T, zpad], axis=1)
    A2p = A2w[:, :HP]
    b2 = b_pe[None, :]

    bn = 2000
    psrc, pdst, nsw, ndw = pl.pallas_call(
        _node_prep_body,
        grid=(N // bn,),
        in_specs=[
            pl.BlockSpec((bn, FT), lambda i: (i, 0)),
            pl.BlockSpec((FT, FT), lambda i: (0, 0)),
            pl.BlockSpec((FT, FT), lambda i: (0, 0)),
            pl.BlockSpec((FT, FT), lambda i: (0, 0)),
            pl.BlockSpec((FT, FT), lambda i: (0, 0)),
            pl.BlockSpec((FT, FT), lambda i: (0, 0)),
        ],
        out_specs=[
            pl.BlockSpec((bn, FT), lambda i: (i, 0)),
            pl.BlockSpec((bn, FT), lambda i: (i, 0)),
            pl.BlockSpec((bn, FT), lambda i: (i, 0)),
            pl.BlockSpec((bn, FT), lambda i: (i, 0)),
        ],
        out_shape=[
            jax.ShapeDtypeStruct((N, FT), f32),
            jax.ShapeDtypeStruct((N, FT), f32),
            jax.ShapeDtypeStruct((N, FT), f32),
            jax.ShapeDtypeStruct((N, FT), f32),
        ],
    )(nft, W1T, W3T, Wa1w, A2w, A2w)

    be = 2000
    pe, e216 = pl.pallas_call(
        _edge_prep_body,
        grid=(E // be,),
        in_specs=[
            pl.BlockSpec((be, FT), lambda i: (i, 0)),
            pl.BlockSpec((FT, FT), lambda i: (0, 0)),
            pl.BlockSpec((1, FT), lambda i: (0, 0)),
            pl.BlockSpec((FT, HP), lambda i: (0, 0)),
        ],
        out_specs=[
            pl.BlockSpec((be, FT), lambda i: (i, 0)),
            pl.BlockSpec((be, HP), lambda i: (i, 0)),
        ],
        out_shape=[
            jax.ShapeDtypeStruct((E, FT), f32),
            jax.ShapeDtypeStruct((E, HP), f32),
        ],
    )(eft, W2T, b2, A2p)

    p_exp, accp = pl.kernel(
        _sc_edges,
        out_type=[
            jax.ShapeDtypeStruct((E, HP), f32),
            jax.ShapeDtypeStruct((NC, N, FT), f32),
        ],
        mesh=_mesh,
        compiler_params=pltpu.CompilerParams(use_tc_tiling_on_sc=False),
        scratch_types=[
            pltpu.VMEM((2, C), jnp.int32),
            pltpu.VMEM((2, C), jnp.int32),
            pltpu.VMEM((2, C, FT), f32),
            pltpu.VMEM((2, C, HP), f32),
            pltpu.VMEM((2, C, HP), f32),
            pltpu.VMEM((2, C, FT), f32),
            pltpu.VMEM((2, C, HP), f32),
            pltpu.VMEM((2, C, FT), f32),
            pltpu.VMEM_SHARED((N, FT), f32),
            pltpu.SemaphoreType.DMA,
            pltpu.SemaphoreType.DMA,
            pltpu.SemaphoreType.DMA,
            pltpu.SemaphoreType.DMA,
        ],
    )(src, dst, psrc, nsw[:, :HP], ndw[:, :HP], pe, e216)

    dpart = pl.kernel(
        _sc_denom,
        out_type=jax.ShapeDtypeStruct((NC, N, HP), f32),
        mesh=_mesh,
        compiler_params=pltpu.CompilerParams(use_tc_tiling_on_sc=False),
        scratch_types=[
            pltpu.VMEM((C2,), jnp.int32),
            pltpu.VMEM((C2, HP), f32),
            pltpu.VMEM_SHARED((N, HP), f32),
            pltpu.SemaphoreType.DMA,
        ],
    )(dst, p_exp)

    R = jnp.concatenate(
        [jnp.kron(jnp.eye(H, dtype=f32), jnp.ones((1, DH), f32)),
         jnp.zeros((HP - H, FT), f32)], axis=0)

    bf = 2000
    out = pl.pallas_call(
        _final_body,
        grid=(N // bf,),
        in_specs=[
            pl.BlockSpec((NC, bf, FT), lambda i: (0, i, 0)),
            pl.BlockSpec((NC, bf, HP), lambda i: (0, i, 0)),
            pl.BlockSpec((HP, FT), lambda i: (0, 0)),
            pl.BlockSpec((bf, FT), lambda i: (i, 0)),
            pl.BlockSpec((bf, FT), lambda i: (i, 0)),
        ],
        out_specs=pl.BlockSpec((bf, FT), lambda i: (i, 0)),
        out_shape=jax.ShapeDtypeStruct((N, FT), f32),
    )(accp, dpart, R, pdst, nft)
    return out

# --- scband reference (transcript-rebuilt; emitter-appended) ---
"""Pipeline reference for scband-gat-29240137351559 (READ-ONLY COPY).

The authoritative reference and input builder live on the scoring server;
editing this copy changes nothing except your own understanding.
"""

import jax, jax.numpy as jnp
import numpy as np

N = 10000
E = 320000
FT = 128
H = 8
DH = FT // H


def setup_inputs(seed: int = 0):
    key = jax.random.key(seed)
    k0, k1, k2, k3, k4, k5 = jax.random.split(key, 6)
    nft = jax.random.normal(k0, (N, FT), dtype=jnp.float32)
    eft = jax.random.normal(k1, (E, FT), dtype=jnp.float32)
    edge_index = jax.random.randint(k2, (2, E), 0, N, dtype=jnp.int32)
    W_pe = jax.random.normal(k3, (FT, 3 * FT), dtype=jnp.float32) * 0.05
    b_pe = jnp.zeros((FT,), dtype=jnp.float32)
    W_a1 = jax.random.normal(k4, (H, FT), dtype=jnp.float32) * 0.05
    attn2 = jax.random.normal(k5, (1, H, DH), dtype=jnp.float32) * 0.05
    return {"nft": nft, "eft": eft, "edge_index": edge_index, "W_pe": W_pe, "b_pe": b_pe, "W_a1": W_a1, "attn2": attn2}


def reference(nft, eft, edge_index, W_pe, b_pe, W_a1, attn2):
    src = edge_index[0]
    dst = edge_index[1]
    # gather endpoint node features (g.edges()[0], g.edges()[1])
    h_s = jnp.take(nft, src, axis=0)
    h_d = jnp.take(nft, dst, axis=0)
    # path encoding: Linear(3*ft_dim -> ft_dim), reshaped to heads
    cat = jnp.concatenate([h_s, eft, h_d], axis=1)
    epaths = (cat @ W_pe.T + b_pe).reshape(E, H, DH)
    # attention logits
    a1 = h_s @ W_a1.T                      # [E, H] (attn1, no bias)
    a2 = jnp.sum(epaths * attn2, axis=-1)  # [E, H]
    a = jax.nn.leaky_relu((a1 + a2)[..., None], negative_slope=0.01)  # [E, H, 1]
    # edge_softmax: softmax over incoming edges of each dst node
    m = jax.lax.stop_gradient(jax.ops.segment_max(a, dst, num_segments=N))
    a_exp = jnp.exp(a - jnp.take(m, dst, axis=0))
    denom = jax.ops.segment_sum(a_exp, dst, num_segments=N)
    att = a_exp / jnp.take(denom, dst, axis=0)
    # attn_drop = 0.0 -> identity. message passing: ft = eft * a_value, sum by dst
    ft = epaths * att
    nnft = jax.ops.segment_sum(ft, dst, num_segments=N)
    return jax.nn.relu(nnft.reshape(N, FT) + nft)

if __name__ == "__main__":
    import jax
    _d = setup_inputs()
    print(jax.jit(kernel)(*tuple(_d.values())))

</pallas_src>

<mosaic_0001>
#map = affine_map<(d0, d1) -> (0)>
#map1 = affine_map<(d0, d1) -> (0, 0)>
#map2 = affine_map<(d0, d1) -> (0, 0, 0)>
module attributes {stable_mosaic.version = 14 : i64} {
  func.func @_sc_edges(%arg0: i32, %arg1: i32, %arg2: memref<320000xi32, #tpu.memory_space<hbm>>, %arg3: memref<320000xi32, #tpu.memory_space<hbm>>, %arg4: memref<10000x128xf32, #tpu.memory_space<hbm>>, %arg5: memref<10000x16xf32, #tpu.memory_space<hbm>>, %arg6: memref<10000x16xf32, #tpu.memory_space<hbm>>, %arg7: memref<320000x128xf32, #tpu.memory_space<hbm>>, %arg8: memref<320000x16xf32, #tpu.memory_space<hbm>>, %arg9: memref<320000x16xf32, #tpu.memory_space<hbm>>, %arg10: memref<2x10000x128xf32, #tpu.memory_space<hbm>>, %arg11: memref<2x40xi32, #tpu.memory_space<vmem>>, %arg12: memref<2x40xi32, #tpu.memory_space<vmem>>, %arg13: memref<2x40x128xf32, #tpu.memory_space<vmem>>, %arg14: memref<2x40x16xf32, #tpu.memory_space<vmem>>, %arg15: memref<2x40x16xf32, #tpu.memory_space<vmem>>, %arg16: memref<2x40x128xf32, #tpu.memory_space<vmem>>, %arg17: memref<2x40x16xf32, #tpu.memory_space<vmem>>, %arg18: memref<2x40x128xf32, #tpu.memory_space<vmem>>, %arg19: memref<10000x128xf32, #tpu.memory_space<vmem_shared>>, %arg20: memref<!tpu.dma_semaphore, #tpu.memory_space<semaphore_mem>>, %arg21: memref<!tpu.dma_semaphore, #tpu.memory_space<semaphore_mem>>, %arg22: memref<!tpu.dma_semaphore, #tpu.memory_space<semaphore_mem>>, %arg23: memref<!tpu.dma_semaphore, #tpu.memory_space<semaphore_mem>>) attributes {dimension_semantics = [#tpu.dimension_semantics<core_parallel>, #tpu.dimension_semantics<subcore_parallel>], iteration_bounds = array<i64: 2, 16>, scalar_prefetch = 0 : i64, scratch_operands = 13 : i64, tpu.core_type = #tpu.core_type<sc_vector_subcore>, window_params = [{transform_indices = #map}, {transform_indices = #map}, {transform_indices = #map1}, {transform_indices = #map1}, {transform_indices = #map1}, {transform_indices = #map1}, {transform_indices = #map1}, {transform_indices = #map1}, {transform_indices = #map2}]} {
    %mul3A = arith.constant 2 : i32
    %mul3A_0 = arith.muli %arg1, %mul3A : i32
    %add3A = arith.addi %mul3A_0, %arg0 : i32
    %mul3A_1 = arith.constant 10000 : i32
    %mul3A_2 = arith.muli %add3A, %mul3A_1 : i32
    %scan3A = arith.constant 0 : i32
    %scan3A_3 = arith.constant 0 : i32
    %scan3A_4 = arith.constant 0 : i32
    %scan3A_5 = arith.constant 40 : i32
    %scan3A_6 = arith.addi %scan3A_4, %scan3A_5 : i32
    %scan3A_7 = arith.constant 1 : i32
    scf.for %scan3A_98 = %scan3A_4 to %scan3A_6 step %scan3A_7  : i32 {
      %scan3A_99 = arith.constant 0 : i32
      %scan3A_100 = arith.constant 0 : i32
      %scan3A_101 = arith.constant 8 : i32
      %scan3A_102 = arith.addi %scan3A_100, %scan3A_101 : i32
      %scan3A_103 = arith.constant 1 : i32
      scf.for %scan3A_105 = %scan3A_100 to %scan3A_102 step %scan3A_103  : i32 {
        %broadcast_in_dim3A = arith.constant 0.000000e+00 : f32
        %broadcast_in_dim3A_106 = vector.broadcast %broadcast_in_dim3A : f32 to vector<16xf32>
        %mul3A_107 = arith.constant 16 : i32
        %mul3A_108 = arith.muli %scan3A_105, %mul3A_107 : i32
        %swap3A = arith.constant 0 : i32
        %swap3A_109 = arith.constant 0 : i32
        %swap3A_110 = tpu.memref_slice %arg18[%scan3A_3, %swap3A, %swap3A_109] : memref<2x40x128xf32, #tpu.memory_space<vmem>> -> memref<1x40x128xf32, #tpu.memory_space<vmem>>
        %swap3A_111 = tpu.memref_squeeze %swap3A_110 : memref<1x40x128xf32, #tpu.memory_space<vmem>> -> memref<40x128xf32, #tpu.memory_space<vmem>>
        %swap3A_112 = arith.index_cast %scan3A_98 : i32 to index
        %swap3A_113 = arith.index_cast %mul3A_108 : i32 to index
        %swap3A_114 = tpu.vector_load %swap3A_111[%swap3A_112, %swap3A_113] {strides = array<i32>} : memref<40x128xf32, #tpu.memory_space<vmem>>, vector<1x16xf32>,
        %swap3A_115 = vector.shape_cast %swap3A_114 : vector<1x16xf32> to vector<16xf32>
        %swap3A_116 = vector.shape_cast %broadcast_in_dim3A_106 : vector<16xf32> to vector<1x16xf32>
        tpu.vector_store %swap3A_111[%swap3A_112, %swap3A_113], %swap3A_116 {strides = array<i32>} : memref<40x128xf32, #tpu.memory_space<vmem>>, vector<1x16xf32>,
      }
      %scan3A_104 = arith.constant 8 : i32
    }
    %scan3A_8 = arith.constant 40 : i32
    %lt3A = arith.constant 15 : i32
    %lt3A_9 = arith.cmpi slt, %arg1, %lt3A : i32
    %convert_element_type3A = arith.extui %lt3A_9 : i1 to i32
    %cond3A = arith.constant 0 : i32
    %cond3A_10 = arith.constant 0 : i32
    %cond3A_11 = arith.cmpi ne, %convert_element_type3A, %cond3A_10 : i32
    scf.if %cond3A_11 {
      %mul3A_98 = arith.constant 640 : i32
      %mul3A_99 = arith.muli %arg1, %mul3A_98 : i32
      %scan3A_100 = arith.constant 0 : i32
      %scan3A_101 = arith.constant 0 : i32
      %scan3A_102 = arith.constant 16 : i32
      %scan3A_103 = arith.addi %scan3A_101, %scan3A_102 : i32
      %scan3A_104 = arith.constant 1 : i32
      scf.for %scan3A_106 = %scan3A_101 to %scan3A_103 step %scan3A_104  : i32 {
        %mul3A_107 = arith.constant 40 : i32
        %mul3A_108 = arith.muli %scan3A_106, %mul3A_107 : i32
        %add3A_109 = arith.addi %mul3A_99, %mul3A_108 : i32
        "tpu.region"() ({
          %run_scoped3A_110 = tpu.sem_alloc : memref<!tpu.dma_semaphore, #tpu.memory_space<semaphore_mem>>
          %dma_start3A_111 = arith.constant 0 : i32
          %dma_start3A_112 = arith.constant 0 : i32
          %dma_start3A_113 = tpu.memref_slice %arg18[%cond3A, %dma_start3A_111, %dma_start3A_112] : memref<2x40x128xf32, #tpu.memory_space<vmem>> -> memref<1x40x128xf32, #tpu.memory_space<vmem>>
          %dma_start3A_114 = tpu.memref_squeeze %dma_start3A_113 : memref<1x40x128xf32, #tpu.memory_space<vmem>> -> memref<40x128xf32, #tpu.memory_space<vmem>>
          %dma_start3A_115 = arith.constant 0 : i32
          %dma_start3A_116 = tpu.memref_slice %arg19[%add3A_109, %dma_start3A_115] : memref<10000x128xf32, #tpu.memory_space<vmem_shared>> -> memref<40x128xf32, #tpu.memory_space<vmem_shared>>
          %dma_start3A_117 = arith.constant 0 : i32
          %dma_start3A_118 = tpu.memref_slice %arg19[%add3A_109, %dma_start3A_117] : memref<10000x128xf32, #tpu.memory_space<vmem_shared>> -> memref<40x128xf32, #tpu.memory_space<vmem_shared>>
          %dma_start3A_119 = arith.constant 0 : i32
          %dma_start3A_120 = arith.constant 0 : i32
          %dma_start3A_121 = tpu.memref_slice %arg18[%cond3A, %dma_start3A_119, %dma_start3A_120] : memref<2x40x128xf32, #tpu.memory_space<vmem>> -> memref<1x40x128xf32, #tpu.memory_space<vmem>>
          %dma_start3A_122 = tpu.memref_squeeze %dma_start3A_121 : memref<1x40x128xf32, #tpu.memory_space<vmem>> -> memref<40x128xf32, #tpu.memory_space<vmem>>
          tpu.enqueue_dma source(%dma_start3A_122 : memref<40x128xf32, #tpu.memory_space<vmem>>) target(%dma_start3A_118 : memref<40x128xf32, #tpu.memory_space<vmem_shared>>) target_semaphore(%run_scoped3A_110 : memref<!tpu.dma_semaphore, #tpu.memory_space<semaphore_mem>>)
          %dma_wait3A = arith.constant 0 : i32
          %dma_wait3A_123 = arith.constant 0 : i32
          %dma_wait3A_124 = tpu.memref_slice %arg18[%cond3A, %dma_wait3A, %dma_wait3A_123] : memref<2x40x128xf32, #tpu.memory_space<vmem>> -> memref<1x40x128xf32, #tpu.memory_space<vmem>>
          %dma_wait3A_125 = tpu.memref_squeeze %dma_wait3A_124 : memref<1x40x128xf32, #tpu.memory_space<vmem>> -> memref<40x128xf32, #tpu.memory_space<vmem>>
          %dma_wait3A_126 = arith.constant 0 : i32
          %dma_wait3A_127 = tpu.memref_slice %arg19[%add3A_109, %dma_wait3A_126] : memref<10000x128xf32, #tpu.memory_space<vmem_shared>> -> memref<40x128xf32, #tpu.memory_space<vmem_shared>>
          %dma_wait3A_128 = arith.constant 0 : i32
          %dma_wait3A_129 = tpu.memref_slice %arg19[%add3A_109, %dma_wait3A_128] : memref<10000x128xf32, #tpu.memory_space<vmem_shared>> -> memref<40x128xf32, #tpu.memory_space<vmem_shared>>
          %dma_wait3A_130 = arith.constant 0 : i32
          %dma_wait3A_131 = arith.constant 0 : i32
          %dma_wait3A_132 = tpu.memref_slice %arg18[%cond3A, %dma_wait3A_130, %dma_wait3A_131] : memref<2x40x128xf32, #tpu.memory_space<vmem>> -> memref<1x40x128xf32, #tpu.memory_space<vmem>>
          %dma_wait3A_133 = tpu.memref_squeeze %dma_wait3A_132 : memref<1x40x128xf32, #tpu.memory_space<vmem>> -> memref<40x128xf32, #tpu.memory_space<vmem>>
          tpu.wait_dma2 semaphore(%run_scoped3A_110 : memref<!tpu.dma_semaphore, #tpu.memory_space<semaphore_mem>>) src(%dma_wait3A_133 : memref<40x128xf32, #tpu.memory_space<vmem>>) dst(%dma_wait3A_129 : memref<40x128xf32, #tpu.memory_space<vmem_shared>>)
          tpu.yield
        }) : () -> ()
      }
      %scan3A_105 = arith.constant 16 : i32
    } else {
    }
    %eq3A = arith.constant 15 : i32
    %eq3A_12 = arith.cmpi eq, %arg1, %eq3A : i32
    %convert_element_type3A_13 = arith.extui %eq3A_12 : i1 to i32
    %cond3A_14 = arith.constant 0 : i32
    %cond3A_15 = arith.constant 0 : i32
    %cond3A_16 = arith.cmpi ne, %convert_element_type3A_13, %cond3A_15 : i32
    scf.if %cond3A_16 {
      %scan3A_98 = arith.constant 0 : i32
      %scan3A_99 = arith.constant 0 : i32
      %scan3A_100 = arith.constant 10 : i32
      %scan3A_101 = arith.addi %scan3A_99, %scan3A_100 : i32
      %scan3A_102 = arith.constant 1 : i32
      scf.for %scan3A_104 = %scan3A_99 to %scan3A_101 step %scan3A_102  : i32 {
        %mul3A_105 = arith.constant 40 : i32
        %mul3A_106 = arith.muli %scan3A_104, %mul3A_105 : i32
        %add3A_107 = arith.constant 9600 : i32
        %add3A_108 = arith.addi %add3A_107, %mul3A_106 : i32
        "tpu.region"() ({
          %run_scoped3A_109 = tpu.sem_alloc : memref<!tpu.dma_semaphore, #tpu.memory_space<semaphore_mem>>
          %dma_start3A_110 = arith.constant 0 : i32
          %dma_start3A_111 = arith.constant 0 : i32
          %dma_start3A_112 = tpu.memref_slice %arg18[%cond3A_14, %dma_start3A_110, %dma_start3A_111] : memref<2x40x128xf32, #tpu.memory_space<vmem>> -> memref<1x40x128xf32, #tpu.memory_space<vmem>>
          %dma_start3A_113 = tpu.memref_squeeze %dma_start3A_112 : memref<1x40x128xf32, #tpu.memory_space<vmem>> -> memref<40x128xf32, #tpu.memory_space<vmem>>
          %dma_start3A_114 = arith.constant 0 : i32
          %dma_start3A_115 = tpu.memref_slice %arg19[%add3A_108, %dma_start3A_114] : memref<10000x128xf32, #tpu.memory_space<vmem_shared>> -> memref<40x128xf32, #tpu.memory_space<vmem_shared>>
          %dma_start3A_116 = arith.constant 0 : i32
          %dma_start3A_117 = tpu.memref_slice %arg19[%add3A_108, %dma_start3A_116] : memref<10000x128xf32, #tpu.memory_space<vmem_shared>> -> memref<40x128xf32, #tpu.memory_space<vmem_shared>>
          %dma_start3A_118 = arith.constant 0 : i32
          %dma_start3A_119 = arith.constant 0 : i32
          %dma_start3A_120 = tpu.memref_slice %arg18[%cond3A_14, %dma_start3A_118, %dma_start3A_119] : memref<2x40x128xf32, #tpu.memory_space<vmem>> -> memref<1x40x128xf32, #tpu.memory_space<vmem>>
          %dma_start3A_121 = tpu.memref_squeeze %dma_start3A_120 : memref<1x40x128xf32, #tpu.memory_space<vmem>> -> memref<40x128xf32, #tpu.memory_space<vmem>>
          tpu.enqueue_dma source(%dma_start3A_121 : memref<40x128xf32, #tpu.memory_space<vmem>>) target(%dma_start3A_117 : memref<40x128xf32, #tpu.memory_space<vmem_shared>>) target_semaphore(%run_scoped3A_109 : memref<!tpu.dma_semaphore, #tpu.memory_space<semaphore_mem>>)
          %dma_wait3A = arith.constant 0 : i32
          %dma_wait3A_122 = arith.constant 0 : i32
          %dma_wait3A_123 = tpu.memref_slice %arg18[%cond3A_14, %dma_wait3A, %dma_wait3A_122] : memref<2x40x128xf32, #tpu.memory_space<vmem>> -> memref<1x40x128xf32, #tpu.memory_space<vmem>>
          %dma_wait3A_124 = tpu.memref_squeeze %dma_wait3A_123 : memref<1x40x128xf32, #tpu.memory_space<vmem>> -> memref<40x128xf32, #tpu.memory_space<vmem>>
          %dma_wait3A_125 = arith.constant 0 : i32
          %dma_wait3A_126 = tpu.memref_slice %arg19[%add3A_108, %dma_wait3A_125] : memref<10000x128xf32, #tpu.memory_space<vmem_shared>> -> memref<40x128xf32, #tpu.memory_space<vmem_shared>>
          %dma_wait3A_127 = arith.constant 0 : i32
          %dma_wait3A_128 = tpu.memref_slice %arg19[%add3A_108, %dma_wait3A_127] : memref<10000x128xf32, #tpu.memory_space<vmem_shared>> -> memref<40x128xf32, #tpu.memory_space<vmem_shared>>
          %dma_wait3A_129 = arith.constant 0 : i32
          %dma_wait3A_130 = arith.constant 0 : i32
          %dma_wait3A_131 = tpu.memref_slice %arg18[%cond3A_14, %dma_wait3A_129, %dma_wait3A_130] : memref<2x40x128xf32, #tpu.memory_space<vmem>> -> memref<1x40x128xf32, #tpu.memory_space<vmem>>
          %dma_wait3A_132 = tpu.memref_squeeze %dma_wait3A_131 : memref<1x40x128xf32, #tpu.memory_space<vmem>> -> memref<40x128xf32, #tpu.memory_space<vmem>>
          tpu.wait_dma2 semaphore(%run_scoped3A_109 : memref<!tpu.dma_semaphore, #tpu.memory_space<semaphore_mem>>) src(%dma_wait3A_132 : memref<40x128xf32, #tpu.memory_space<vmem>>) dst(%dma_wait3A_128 : memref<40x128xf32, #tpu.memory_space<vmem_shared>>)
          tpu.yield
        }) : () -> ()
      }
      %scan3A_103 = arith.constant 10 : i32
    } else {
    }
    %barrier3A = arith.constant 0 : index
    tpu.barrier barrier_id(%barrier3A)
    %add3A_17 = arith.constant 0 : i32
    %add3A_18 = arith.addi %mul3A_2, %add3A_17 : i32
    %run_scoped3A = arith.constant 0 : i32
    "tpu.region"() ({
      %run_scoped3A_98 = tpu.sem_alloc : memref<!tpu.dma_semaphore, #tpu.memory_space<semaphore_mem>>
      %dma_start3A_99 = arith.constant 0 : i32
      %dma_start3A_100 = tpu.memref_slice %arg11[%run_scoped3A, %dma_start3A_99] : memref<2x40xi32, #tpu.memory_space<vmem>> -> memref<1x40xi32, #tpu.memory_space<vmem>>
      %dma_start3A_101 = tpu.memref_squeeze %dma_start3A_100 : memref<1x40xi32, #tpu.memory_space<vmem>> -> memref<40xi32, #tpu.memory_space<vmem>>
      %dma_start3A_102 = tpu.memref_slice %arg2[%add3A_18] : memref<320000xi32, #tpu.memory_space<hbm>> -> memref<40xi32, #tpu.memory_space<hbm>>
      %dma_start3A_103 = arith.constant 0 : i32
      %dma_start3A_104 = tpu.memref_slice %arg11[%run_scoped3A, %dma_start3A_103] : memref<2x40xi32, #tpu.memory_space<vmem>> -> memref<1x40xi32, #tpu.memory_space<vmem>>
      %dma_start3A_105 = tpu.memref_squeeze %dma_start3A_104 : memref<1x40xi32, #tpu.memory_space<vmem>> -> memref<40xi32, #tpu.memory_space<vmem>>
      %dma_start3A_106 = tpu.memref_slice %arg2[%add3A_18] : memref<320000xi32, #tpu.memory_space<hbm>> -> memref<40xi32, #tpu.memory_space<hbm>>
      tpu.enqueue_dma source(%dma_start3A_106 : memref<40xi32, #tpu.memory_space<hbm>>) target(%dma_start3A_105 : memref<40xi32, #tpu.memory_space<vmem>>) target_semaphore(%run_scoped3A_98 : memref<!tpu.dma_semaphore, #tpu.memory_space<semaphore_mem>>)
      %dma_wait3A = arith.constant 0 : i32
      %dma_wait3A_107 = tpu.memref_slice %arg11[%run_scoped3A, %dma_wait3A] : memref<2x40xi32, #tpu.memory_space<vmem>> -> memref<1x40xi32, #tpu.memory_space<vmem>>
      %dma_wait3A_108 = tpu.memref_squeeze %dma_wait3A_107 : memref<1x40xi32, #tpu.memory_space<vmem>> -> memref<40xi32, #tpu.memory_space<vmem>>
      %dma_wait3A_109 = tpu.memref_slice %arg2[%add3A_18] : memref<320000xi32, #tpu.memory_space<hbm>> -> memref<40xi32, #tpu.memory_space<hbm>>
      %dma_wait3A_110 = arith.constant 0 : i32
      %dma_wait3A_111 = tpu.memref_slice %arg11[%run_scoped3A, %dma_wait3A_110] : memref<2x40xi32, #tpu.memory_space<vmem>> -> memref<1x40xi32, #tpu.memory_space<vmem>>
      %dma_wait3A_112 = tpu.memref_squeeze %dma_wait3A_111 : memref<1x40xi32, #tpu.memory_space<vmem>> -> memref<40xi32, #tpu.memory_space<vmem>>
      %dma_wait3A_113 = tpu.memref_slice %arg2[%add3A_18] : memref<320000xi32, #tpu.memory_space<hbm>> -> memref<40xi32, #tpu.memory_space<hbm>>
      tpu.wait_dma2 semaphore(%run_scoped3A_98 : memref<!tpu.dma_semaphore, #tpu.memory_space<semaphore_mem>>) src(%dma_wait3A_113 : memref<40xi32, #tpu.memory_space<hbm>>) dst(%dma_wait3A_112 : memref<40xi32, #tpu.memory_space<vmem>>)
      tpu.yield
    }) : () -> ()
    %run_scoped3A_19 = arith.constant 0 : i32
    "tpu.region"() ({
      %run_scoped3A_98 = tpu.sem_alloc : memref<!tpu.dma_semaphore, #tpu.memory_space<semaphore_mem>>
      %dma_start3A_99 = arith.constant 0 : i32
      %dma_start3A_100 = tpu.memref_slice %arg12[%run_scoped3A_19, %dma_start3A_99] : memref<2x40xi32, #tpu.memory_space<vmem>> -> memref<1x40xi32, #tpu.memory_space<vmem>>
      %dma_start3A_101 = tpu.memref_squeeze %dma_start3A_100 : memref<1x40xi32, #tpu.memory_space<vmem>> -> memref<40xi32, #tpu.memory_space<vmem>>
      %dma_start3A_102 = tpu.memref_slice %arg3[%add3A_18] : memref<320000xi32, #tpu.memory_space<hbm>> -> memref<40xi32, #tpu.memory_space<hbm>>
      %dma_start3A_103 = arith.constant 0 : i32
      %dma_start3A_104 = tpu.memref_slice %arg12[%run_scoped3A_19, %dma_start3A_103] : memref<2x40xi32, #tpu.memory_space<vmem>> -> memref<1x40xi32, #tpu.memory_space<vmem>>
      %dma_start3A_105 = tpu.memref_squeeze %dma_start3A_104 : memref<1x40xi32, #tpu.memory_space<vmem>> -> memref<40xi32, #tpu.memory_space<vmem>>
      %dma_start3A_106 = tpu.memref_slice %arg3[%add3A_18] : memref<320000xi32, #tpu.memory_space<hbm>> -> memref<40xi32, #tpu.memory_space<hbm>>
      tpu.enqueue_dma source(%dma_start3A_106 : memref<40xi32, #tpu.memory_space<hbm>>) target(%dma_start3A_105 : memref<40xi32, #tpu.memory_space<vmem>>) target_semaphore(%run_scoped3A_98 : memref<!tpu.dma_semaphore, #tpu.memory_space<semaphore_mem>>)
      %dma_wait3A = arith.constant 0 : i32
      %dma_wait3A_107 = tpu.memref_slice %arg12[%run_scoped3A_19, %dma_wait3A] : memref<2x40xi32, #tpu.memory_space<vmem>> -> memref<1x40xi32, #tpu.memory_space<vmem>>
      %dma_wait3A_108 = tpu.memref_squeeze %dma_wait3A_107 : memref<1x40xi32, #tpu.memory_space<vmem>> -> memref<40xi32, #tpu.memory_space<vmem>>
      %dma_wait3A_109 = tpu.memref_slice %arg3[%add3A_18] : memref<320000xi32, #tpu.memory_space<hbm>> -> memref<40xi32, #tpu.memory_space<hbm>>
      %dma_wait3A_110 = arith.constant 0 : i32
      %dma_wait3A_111 = tpu.memref_slice %arg12[%run_scoped3A_19, %dma_wait3A_110] : memref<2x40xi32, #tpu.memory_space<vmem>> -> memref<1x40xi32, #tpu.memory_space<vmem>>
      %dma_wait3A_112 = tpu.memref_squeeze %dma_wait3A_111 : memref<1x40xi32, #tpu.memory_space<vmem>> -> memref<40xi32, #tpu.memory_space<vmem>>
      %dma_wait3A_113 = tpu.memref_slice %arg3[%add3A_18] : memref<320000xi32, #tpu.memory_space<hbm>> -> memref<40xi32, #tpu.memory_space<hbm>>
      tpu.wait_dma2 semaphore(%run_scoped3A_98 : memref<!tpu.dma_semaphore, #tpu.memory_space<semaphore_mem>>) src(%dma_wait3A_113 : memref<40xi32, #tpu.memory_space<hbm>>) dst(%dma_wait3A_112 : memref<40xi32, #tpu.memory_space<vmem>>)
      tpu.yield
    }) : () -> ()
    %dma_start3A = arith.constant 0 : i32
    %dma_start3A_20 = arith.constant 0 : i32
    %dma_start3A_21 = arith.constant 0 : i32
    %dma_start3A_22 = arith.constant 0 : i32
    %dma_start3A_23 = tpu.memref_slice %arg13[%dma_start3A_20, %dma_start3A_21, %dma_start3A_22] : memref<2x40x128xf32, #tpu.memory_space<vmem>> -> memref<1x40x128xf32, #tpu.memory_space<vmem>>
    %dma_start3A_24 = tpu.memref_squeeze %dma_start3A_23 : memref<1x40x128xf32, #tpu.memory_space<vmem>> -> memref<40x128xf32, #tpu.memory_space<vmem>>
    %dma_start3A_25 = arith.constant 0 : i32
    %dma_start3A_26 = tpu.memref_slice %arg11[%dma_start3A, %dma_start3A_25] : memref<2x40xi32, #tpu.memory_space<vmem>> -> memref<1x40xi32, #tpu.memory_space<vmem>>
    %dma_start3A_27 = tpu.memref_squeeze %dma_start3A_26 : memref<1x40xi32, #tpu.memory_space<vmem>> -> memref<40xi32, #tpu.memory_space<vmem>>
    %dma_start3A_28 = arith.constant 0 : i32
    %dma_start3A_29 = arith.constant 0 : i32
    %dma_start3A_30 = tpu.memref_slice %arg4[%dma_start3A_28, %dma_start3A_29] : memref<10000x128xf32, #tpu.memory_space<hbm>> -> memref<10000x128xf32, #tpu.memory_space<hbm>>
    tpu.enqueue_indirect_dma source(%dma_start3A_30 : memref<10000x128xf32, #tpu.memory_space<hbm>>) target(%dma_start3A_24 : memref<40x128xf32, #tpu.memory_space<vmem>>) offsets(%dma_start3A_27 : memref<40xi32, #tpu.memory_space<vmem>>) semaphore(%arg20 : memref<!tpu.dma_semaphore, #tpu.memory_space<semaphore_mem>>)
    %dma_start3A_31 = arith.constant 0 : i32
    %dma_start3A_32 = arith.constant 0 : i32
    %dma_start3A_33 = arith.constant 0 : i32
    %dma_start3A_34 = arith.constant 0 : i32
    %dma_start3A_35 = tpu.memref_slice %arg14[%dma_start3A_32, %dma_start3A_33, %dma_start3A_34] : memref<2x40x16xf32, #tpu.memory_space<vmem>> -> memref<1x40x16xf32, #tpu.memory_space<vmem>>
    %dma_start3A_36 = tpu.memref_squeeze %dma_start3A_35 : memref<1x40x16xf32, #tpu.memory_space<vmem>> -> memref<40x16xf32, #tpu.memory_space<vmem>>
    %dma_start3A_37 = arith.constant 0 : i32
    %dma_start3A_38 = tpu.memref_slice %arg11[%dma_start3A_31, %dma_start3A_37] : memref<2x40xi32, #tpu.memory_space<vmem>> -> memref<1x40xi32, #tpu.memory_space<vmem>>
    %dma_start3A_39 = tpu.memref_squeeze %dma_start3A_38 : memref<1x40xi32, #tpu.memory_space<vmem>> -> memref<40xi32, #tpu.memory_space<vmem>>
    %dma_start3A_40 = arith.constant 0 : i32
    %dma_start3A_41 = arith.constant 0 : i32
    %dma_start3A_42 = tpu.memref_slice %arg5[%dma_start3A_40, %dma_start3A_41] : memref<10000x16xf32, #tpu.memory_space<hbm>> -> memref<10000x16xf32, #tpu.memory_space<hbm>>
    tpu.enqueue_indirect_dma source(%dma_start3A_42 : memref<10000x16xf32, #tpu.memory_space<hbm>>) target(%dma_start3A_36 : memref<40x16xf32, #tpu.memory_space<vmem>>) offsets(%dma_start3A_39 : memref<40xi32, #tpu.memory_space<vmem>>) semaphore(%arg20 : memref<!tpu.dma_semaphore, #tpu.memory_space<semaphore_mem>>)
    %dma_start3A_43 = arith.constant 0 : i32
    %dma_start3A_44 = arith.constant 0 : i32
    %dma_start3A_45 = arith.constant 0 : i32
    %dma_start3A_46 = arith.constant 0 : i32
    %dma_start3A_47 = tpu.memref_slice %arg15[%dma_start3A_44, %dma_start3A_45, %dma_start3A_46] : memref<2x40x16xf32, #tpu.memory_space<vmem>> -> memref<1x40x16xf32, #tpu.memory_space<vmem>>
    %dma_start3A_48 = tpu.memref_squeeze %dma_start3A_47 : memref<1x40x16xf32, #tpu.memory_space<vmem>> -> memref<40x16xf32, #tpu.memory_space<vmem>>
    %dma_start3A_49 = arith.constant 0 : i32
    %dma_start3A_50 = tpu.memref_slice %arg12[%dma_start3A_43, %dma_start3A_49] : memref<2x40xi32, #tpu.memory_space<vmem>> -> memref<1x40xi32, #tpu.memory_space<vmem>>
    %dma_start3A_51 = tpu.memref_squeeze %dma_start3A_50 : memref<1x40xi32, #tpu.memory_space<vmem>> -> memref<40xi32, #tpu.memory_space<vmem>>
    %dma_start3A_52 = arith.constant 0 : i32
    %dma_start3A_53 = arith.constant 0 : i32
    %dma_start3A_54 = tpu.memref_slice %arg6[%dma_start3A_52, %dma_start3A_53] : memref<10000x16xf32, #tpu.memory_space<hbm>> -> memref<10000x16xf32, #tpu.memory_space<hbm>>
    tpu.enqueue_indirect_dma source(%dma_start3A_54 : memref<10000x16xf32, #tpu.memory_space<hbm>>) target(%dma_start3A_48 : memref<40x16xf32, #tpu.memory_space<vmem>>) offsets(%dma_start3A_51 : memref<40xi32, #tpu.memory_space<vmem>>) semaphore(%arg20 : memref<!tpu.dma_semaphore, #tpu.memory_space<semaphore_mem>>)
    %dma_start3A_55 = arith.constant 0 : i32
    %dma_start3A_56 = arith.constant 0 : i32
    %dma_start3A_57 = arith.constant 0 : i32
    %dma_start3A_58 = tpu.memref_slice %arg16[%dma_start3A_55, %dma_start3A_56, %dma_start3A_57] : memref<2x40x128xf32, #tpu.memory_space<vmem>> -> memref<1x40x128xf32, #tpu.memory_space<vmem>>
    %dma_start3A_59 = tpu.memref_squeeze %dma_start3A_58 : memref<1x40x128xf32, #tpu.memory_space<vmem>> -> memref<40x128xf32, #tpu.memory_space<vmem>>
    %dma_start3A_60 = arith.constant 0 : i32
    %dma_start3A_61 = tpu.memref_slice %arg7[%add3A_18, %dma_start3A_60] : memref<320000x128xf32, #tpu.memory_space<hbm>> -> memref<40x128xf32, #tpu.memory_space<hbm>>
    %dma_start3A_62 = arith.constant 0 : i32
    %dma_start3A_63 = arith.constant 0 : i32
    %dma_start3A_64 = tpu.memref_slice %arg16[%dma_start3A_55, %dma_start3A_62, %dma_start3A_63] : memref<2x40x128xf32, #tpu.memory_space<vmem>> -> memref<1x40x128xf32, #tpu.memory_space<vmem>>
    %dma_start3A_65 = tpu.memref_squeeze %dma_start3A_64 : memref<1x40x128xf32, #tpu.memory_space<vmem>> -> memref<40x128xf32, #tpu.memory_space<vmem>>
    %dma_start3A_66 = arith.constant 0 : i32
    %dma_start3A_67 = tpu.memref_slice %arg7[%add3A_18, %dma_start3A_66] : memref<320000x128xf32, #tpu.memory_space<hbm>> -> memref<40x128xf32, #tpu.memory_space<hbm>>
    tpu.enqueue_dma source(%dma_start3A_67 : memref<40x128xf32, #tpu.memory_space<hbm>>) target(%dma_start3A_65 : memref<40x128xf32, #tpu.memory_space<vmem>>) target_semaphore(%arg20 : memref<!tpu.dma_semaphore, #tpu.memory_space<semaphore_mem>>)
    %dma_start3A_68 = arith.constant 0 : i32
    %dma_start3A_69 = arith.constant 0 : i32
    %dma_start3A_70 = arith.constant 0 : i32
    %dma_start3A_71 = tpu.memref_slice %arg17[%dma_start3A_68, %dma_start3A_69, %dma_start3A_70] : memref<2x40x16xf32, #tpu.memory_space<vmem>> -> memref<1x40x16xf32, #tpu.memory_space<vmem>>
    %dma_start3A_72 = tpu.memref_squeeze %dma_start3A_71 : memref<1x40x16xf32, #tpu.memory_space<vmem>> -> memref<40x16xf32, #tpu.memory_space<vmem>>
    %dma_start3A_73 = arith.constant 0 : i32
    %dma_start3A_74 = tpu.memref_slice %arg8[%add3A_18, %dma_start3A_73] : memref<320000x16xf32, #tpu.memory_space<hbm>> -> memref<40x16xf32, #tpu.memory_space<hbm>>
    %dma_start3A_75 = arith.constant 0 : i32
    %dma_start3A_76 = arith.constant 0 : i32
    %dma_start3A_77 = tpu.memref_slice %arg17[%dma_start3A_68, %dma_start3A_75, %dma_start3A_76] : memref<2x40x16xf32, #tpu.memory_space<vmem>> -> memref<1x40x16xf32, #tpu.memory_space<vmem>>
    %dma_start3A_78 = tpu.memref_squeeze %dma_start3A_77 : memref<1x40x16xf32, #tpu.memory_space<vmem>> -> memref<40x16xf32, #tpu.memory_space<vmem>>
    %dma_start3A_79 = arith.constant 0 : i32
    %dma_start3A_80 = tpu.memref_slice %arg8[%add3A_18, %dma_start3A_79] : memref<320000x16xf32, #tpu.memory_space<hbm>> -> memref<40x16xf32, #tpu.memory_space<hbm>>
    tpu.enqueue_dma source(%dma_start3A_80 : memref<40x16xf32, #tpu.memory_space<hbm>>) target(%dma_start3A_78 : memref<40x16xf32, #tpu.memory_space<vmem>>) target_semaphore(%arg20 : memref<!tpu.dma_semaphore, #tpu.memory_space<semaphore_mem>>)
    %scan3A_81 = arith.constant 0 : i32
    %scan3A_82 = arith.constant 0 : i32
    %scan3A_83 = arith.constant 125 : i32
    %scan3A_84 = arith.addi %scan3A_82, %scan3A_83 : i32
    %scan3A_85 = arith.constant 1 : i32
    scf.for %scan3A_98 = %scan3A_82 to %scan3A_84 step %scan3A_85  : i32 {
      %mul3A_99 = arith.constant 2 : i32
      %mul3A_100 = arith.muli %scan3A_98, %mul3A_99 : i32
      %add3A_101 = arith.constant 0 : i32
      %add3A_102 = arith.addi %mul3A_100, %add3A_101 : i32
      %add3A_103 = arith.constant 1 : i32
      %add3A_104 = arith.addi %add3A_102, %add3A_103 : i32
      %lt3A_105 = arith.constant 250 : i32
      %lt3A_106 = arith.cmpi slt, %add3A_104, %lt3A_105 : i32
      %convert_element_type3A_107 = arith.extui %lt3A_106 : i1 to i32
      %cond3A_108 = arith.constant 0 : i32
      %cond3A_109 = arith.cmpi ne, %convert_element_type3A_107, %cond3A_108 : i32
      scf.if %cond3A_109 {
        %add3A_286 = arith.constant 1 : i32
        %add3A_287 = arith.addi %add3A_102, %add3A_286 : i32
        %mul3A_288 = arith.constant 40 : i32
        %mul3A_289 = arith.muli %add3A_287, %mul3A_288 : i32
        %add3A_290 = arith.addi %mul3A_2, %mul3A_289 : i32
        %run_scoped3A_291 = arith.constant 1 : i32
        "tpu.region"() ({
          %run_scoped3A_355 = tpu.sem_alloc : memref<!tpu.dma_semaphore, #tpu.memory_space<semaphore_mem>>
          %dma_start3A_356 = arith.constant 0 : i32
          %dma_start3A_357 = tpu.memref_slice %arg11[%run_scoped3A_291, %dma_start3A_356] : memref<2x40xi32, #tpu.memory_space<vmem>> -> memref<1x40xi32, #tpu.memory_space<vmem>>
          %dma_start3A_358 = tpu.memref_squeeze %dma_start3A_357 : memref<1x40xi32, #tpu.memory_space<vmem>> -> memref<40xi32, #tpu.memory_space<vmem>>
          %dma_start3A_359 = tpu.memref_slice %arg2[%add3A_290] : memref<320000xi32, #tpu.memory_space<hbm>> -> memref<40xi32, #tpu.memory_space<hbm>>
          %dma_start3A_360 = arith.constant 0 : i32
          %dma_start3A_361 = tpu.memref_slice %arg11[%run_scoped3A_291, %dma_start3A_360] : memref<2x40xi32, #tpu.memory_space<vmem>> -> memref<1x40xi32, #tpu.memory_space<vmem>>
          %dma_start3A_362 = tpu.memref_squeeze %dma_start3A_361 : memref<1x40xi32, #tpu.memory_space<vmem>> -> memref<40xi32, #tpu.memory_space<vmem>>
          %dma_start3A_363 = tpu.memref_slice %arg2[%add3A_290] : memref<320000xi32, #tpu.memory_space<hbm>> -> memref<40xi32, #tpu.memory_space<hbm>>
          tpu.enqueue_dma source(%dma_start3A_363 : memref<40xi32, #tpu.memory_space<hbm>>) target(%dma_start3A_362 : memref<40xi32, #tpu.memory_space<vmem>>) target_semaphore(%run_scoped3A_355 : memref<!tpu.dma_semaphore, #tpu.memory_space<semaphore_mem>>)
          %dma_wait3A_364 = arith.constant 0 : i32
          %dma_wait3A_365 = tpu.memref_slice %arg11[%run_scoped3A_291, %dma_wait3A_364] : memref<2x40xi32, #tpu.memory_space<vmem>> -> memref<1x40xi32, #tpu.memory_space<vmem>>
          %dma_wait3A_366 = tpu.memref_squeeze %dma_wait3A_365 : memref<1x40xi32, #tpu.memory_space<vmem>> -> memref<40xi32, #tpu.memory_space<vmem>>
          %dma_wait3A_367 = tpu.memref_slice %arg2[%add3A_290] : memref<320000xi32, #tpu.memory_space<hbm>> -> memref<40xi32, #tpu.memory_space<hbm>>
          %dma_wait3A_368 = arith.constant 0 : i32
          %dma_wait3A_369 = tpu.memref_slice %arg11[%run_scoped3A_291, %dma_wait3A_368] : memref<2x40xi32, #tpu.memory_space<vmem>> -> memref<1x40xi32, #tpu.memory_space<vmem>>
          %dma_wait3A_370 = tpu.memref_squeeze %dma_wait3A_369 : memref<1x40xi32, #tpu.memory_space<vmem>> -> memref<40xi32, #tpu.memory_space<vmem>>
          %dma_wait3A_371 = tpu.memref_slice %arg2[%add3A_290] : memref<320000xi32, #tpu.memory_space<hbm>> -> memref<40xi32, #tpu.memory_space<hbm>>
          tpu.wait_dma2 semaphore(%run_scoped3A_355 : memref<!tpu.dma_semaphore, #tpu.memory_space<semaphore_mem>>) src(%dma_wait3A_371 : memref<40xi32, #tpu.memory_space<hbm>>) dst(%dma_wait3A_370 : memref<40xi32, #tpu.memory_space<vmem>>)
          tpu.yield
        }) : () -> ()
        %run_scoped3A_292 = arith.constant 1 : i32
        "tpu.region"() ({
          %run_scoped3A_355 = tpu.sem_alloc : memref<!tpu.dma_semaphore, #tpu.memory_space<semaphore_mem>>
          %dma_start3A_356 = arith.constant 0 : i32
          %dma_start3A_357 = tpu.memref_slice %arg12[%run_scoped3A_292, %dma_start3A_356] : memref<2x40xi32, #tpu.memory_space<vmem>> -> memref<1x40xi32, #tpu.memory_space<vmem>>
          %dma_start3A_358 = tpu.memref_squeeze %dma_start3A_357 : memref<1x40xi32, #tpu.memory_space<vmem>> -> memref<40xi32, #tpu.memory_space<vmem>>
          %dma_start3A_359 = tpu.memref_slice %arg3[%add3A_290] : memref<320000xi32, #tpu.memory_space<hbm>> -> memref<40xi32, #tpu.memory_space<hbm>>
          %dma_start3A_360 = arith.constant 0 : i32
          %dma_start3A_361 = tpu.memref_slice %arg12[%run_scoped3A_292, %dma_start3A_360] : memref<2x40xi32, #tpu.memory_space<vmem>> -> memref<1x40xi32, #tpu.memory_space<vmem>>
          %dma_start3A_362 = tpu.memref_squeeze %dma_start3A_361 : memref<1x40xi32, #tpu.memory_space<vmem>> -> memref<40xi32, #tpu.memory_space<vmem>>
          %dma_start3A_363 = tpu.memref_slice %arg3[%add3A_290] : memref<320000xi32, #tpu.memory_space<hbm>> -> memref<40xi32, #tpu.memory_space<hbm>>
          tpu.enqueue_dma source(%dma_start3A_363 : memref<40xi32, #tpu.memory_space<hbm>>) target(%dma_start3A_362 : memref<40xi32, #tpu.memory_space<vmem>>) target_semaphore(%run_scoped3A_355 : memref<!tpu.dma_semaphore, #tpu.memory_space<semaphore_mem>>)
          %dma_wait3A_364 = arith.constant 0 : i32
          %dma_wait3A_365 = tpu.memref_slice %arg12[%run_scoped3A_292, %dma_wait3A_364] : memref<2x40xi32, #tpu.memory_space<vmem>> -> memref<1x40xi32, #tpu.memory_space<vmem>>
          %dma_wait3A_366 = tpu.memref_squeeze %dma_wait3A_365 : memref<1x40xi32, #tpu.memory_space<vmem>> -> memref<40xi32, #tpu.memory_space<vmem>>
          %dma_wait3A_367 = tpu.memref_slice %arg3[%add3A_290] : memref<320000xi32, #tpu.memory_space<hbm>> -> memref<40xi32, #tpu.memory_space<hbm>>
          %dma_wait3A_368 = arith.constant 0 : i32
          %dma_wait3A_369 = tpu.memref_slice %arg12[%run_scoped3A_292, %dma_wait3A_368] : memref<2x40xi32, #tpu.memory_space<vmem>> -> memref<1x40xi32, #tpu.memory_space<vmem>>
          %dma_wait3A_370 = tpu.memref_squeeze %dma_wait3A_369 : memref<1x40xi32, #tpu.memory_space<vmem>> -> memref<40xi32, #tpu.memory_space<vmem>>
          %dma_wait3A_371 = tpu.memref_slice %arg3[%add3A_290] : memref<320000xi32, #tpu.memory_space<hbm>> -> memref<40xi32, #tpu.memory_space<hbm>>
          tpu.wait_dma2 semaphore(%run_scoped3A_355 : memref<!tpu.dma_semaphore, #tpu.memory_space<semaphore_mem>>) src(%dma_wait3A_371 : memref<40xi32, #tpu.memory_space<hbm>>) dst(%dma_wait3A_370 : memref<40xi32, #tpu.memory_space<vmem>>)
          tpu.yield
        }) : () -> ()
        %dma_start3A_293 = arith.constant 1 : i32
        %dma_start3A_294 = arith.constant 1 : i32
        %dma_start3A_295 = arith.constant 0 : i32
        %dma_start3A_296 = arith.constant 0 : i32
        %dma_start3A_297 = tpu.memref_slice %arg13[%dma_start3A_294, %dma_start3A_295, %dma_start3A_296] : memref<2x40x128xf32, #tpu.memory_space<vmem>> -> memref<1x40x128xf32, #tpu.memory_space<vmem>>
        %dma_start3A_298 = tpu.memref_squeeze %dma_start3A_297 : memref<1x40x128xf32, #tpu.memory_space<vmem>> -> memref<40x128xf32, #tpu.memory_space<vmem>>
        %dma_start3A_299 = arith.constant 0 : i32
        %dma_start3A_300 = tpu.memref_slice %arg11[%dma_start3A_293, %dma_start3A_299] : memref<2x40xi32, #tpu.memory_space<vmem>> -> memref<1x40xi32, #tpu.memory_space<vmem>>
        %dma_start3A_301 = tpu.memref_squeeze %dma_start3A_300 : memref<1x40xi32, #tpu.memory_space<vmem>> -> memref<40xi32, #tpu.memory_space<vmem>>
        %dma_start3A_302 = arith.constant 0 : i32
        %dma_start3A_303 = arith.constant 0 : i32
        %dma_start3A_304 = tpu.memref_slice %arg4[%dma_start3A_302, %dma_start3A_303] : memref<10000x128xf32, #tpu.memory_space<hbm>> -> memref<10000x128xf32, #tpu.memory_space<hbm>>
        tpu.enqueue_indirect_dma source(%dma_start3A_304 : memref<10000x128xf32, #tpu.memory_space<hbm>>) target(%dma_start3A_298 : memref<40x128xf32, #tpu.memory_space<vmem>>) offsets(%dma_start3A_301 : memref<40xi32, #tpu.memory_space<vmem>>) semaphore(%arg21 : memref<!tpu.dma_semaphore, #tpu.memory_space<semaphore_mem>>)
        %dma_start3A_305 = arith.constant 1 : i32
        %dma_start3A_306 = arith.constant 1 : i32
        %dma_start3A_307 = arith.constant 0 : i32
        %dma_start3A_308 = arith.constant 0 : i32
        %dma_start3A_309 = tpu.memref_slice %arg14[%dma_start3A_306, %dma_start3A_307, %dma_start3A_308] : memref<2x40x16xf32, #tpu.memory_space<vmem>> -> memref<1x40x16xf32, #tpu.memory_space<vmem>>
        %dma_start3A_310 = tpu.memref_squeeze %dma_start3A_309 : memref<1x40x16xf32, #tpu.memory_space<vmem>> -> memref<40x16xf32, #tpu.memory_space<vmem>>
        %dma_start3A_311 = arith.constant 0 : i32
        %dma_start3A_312 = tpu.memref_slice %arg11[%dma_start3A_305, %dma_start3A_311] : memref<2x40xi32, #tpu.memory_space<vmem>> -> memref<1x40xi32, #tpu.memory_space<vmem>>
        %dma_start3A_313 = tpu.memref_squeeze %dma_start3A_312 : memref<1x40xi32, #tpu.memory_space<vmem>> -> memref<40xi32, #tpu.memory_space<vmem>>
        %dma_start3A_314 = arith.constant 0 : i32
        %dma_start3A_315 = arith.constant 0 : i32
        %dma_start3A_316 = tpu.memref_slice %arg5[%dma_start3A_314, %dma_start3A_315] : memref<10000x16xf32, #tpu.memory_space<hbm>> -> memref<10000x16xf32, #tpu.memory_space<hbm>>
        tpu.enqueue_indirect_dma source(%dma_start3A_316 : memref<10000x16xf32, #tpu.memory_space<hbm>>) target(%dma_start3A_310 : memref<40x16xf32, #tpu.memory_space<vmem>>) offsets(%dma_start3A_313 : memref<40xi32, #tpu.memory_space<vmem>>) semaphore(%arg21 : memref<!tpu.dma_semaphore, #tpu.memory_space<semaphore_mem>>)
        %dma_start3A_317 = arith.constant 1 : i32
        %dma_start3A_318 = arith.constant 1 : i32
        %dma_start3A_319 = arith.constant 0 : i32
        %dma_start3A_320 = arith.constant 0 : i32
        %dma_start3A_321 = tpu.memref_slice %arg15[%dma_start3A_318, %dma_start3A_319, %dma_start3A_320] : memref<2x40x16xf32, #tpu.memory_space<vmem>> -> memref<1x40x16xf32, #tpu.memory_space<vmem>>
        %dma_start3A_322 = tpu.memref_squeeze %dma_start3A_321 : memref<1x40x16xf32, #tpu.memory_space<vmem>> -> memref<40x16xf32, #tpu.memory_space<vmem>>
        %dma_start3A_323 = arith.constant 0 : i32
        %dma_start3A_324 = tpu.memref_slice %arg12[%dma_start3A_317, %dma_start3A_323] : memref<2x40xi32, #tpu.memory_space<vmem>> -> memref<1x40xi32, #tpu.memory_space<vmem>>
        %dma_start3A_325 = tpu.memref_squeeze %dma_start3A_324 : memref<1x40xi32, #tpu.memory_space<vmem>> -> memref<40xi32, #tpu.memory_space<vmem>>
        %dma_start3A_326 = arith.constant 0 : i32
        %dma_start3A_327 = arith.constant 0 : i32
        %dma_start3A_328 = tpu.memref_slice %arg6[%dma_start3A_326, %dma_start3A_327] : memref<10000x16xf32, #tpu.memory_space<hbm>> -> memref<10000x16xf32, #tpu.memory_space<hbm>>
        tpu.enqueue_indirect_dma source(%dma_start3A_328 : memref<10000x16xf32, #tpu.memory_space<hbm>>) target(%dma_start3A_322 : memref<40x16xf32, #tpu.memory_space<vmem>>) offsets(%dma_start3A_325 : memref<40xi32, #tpu.memory_space<vmem>>) semaphore(%arg21 : memref<!tpu.dma_semaphore, #tpu.memory_space<semaphore_mem>>)
        %dma_start3A_329 = arith.constant 1 : i32
        %dma_start3A_330 = arith.constant 0 : i32
        %dma_start3A_331 = arith.constant 0 : i32
        %dma_start3A_332 = tpu.memref_slice %arg16[%dma_start3A_329, %dma_start3A_330, %dma_start3A_331] : memref<2x40x128xf32, #tpu.memory_space<vmem>> -> memref<1x40x128xf32, #tpu.memory_space<vmem>>
        %dma_start3A_333 = tpu.memref_squeeze %dma_start3A_332 : memref<1x40x128xf32, #tpu.memory_space<vmem>> -> memref<40x128xf32, #tpu.memory_space<vmem>>
        %dma_start3A_334 = arith.constant 0 : i32
        %dma_start3A_335 = tpu.memref_slice %arg7[%add3A_290, %dma_start3A_334] : memref<320000x128xf32, #tpu.memory_space<hbm>> -> memref<40x128xf32, #tpu.memory_space<hbm>>
        %dma_start3A_336 = arith.constant 0 : i32
        %dma_start3A_337 = arith.constant 0 : i32
        %dma_start3A_338 = tpu.memref_slice %arg16[%dma_start3A_329, %dma_start3A_336, %dma_start3A_337] : memref<2x40x128xf32, #tpu.memory_space<vmem>> -> memref<1x40x128xf32, #tpu.memory_space<vmem>>
        %dma_start3A_339 = tpu.memref_squeeze %dma_start3A_338 : memref<1x40x128xf32, #tpu.memory_space<vmem>> -> memref<40x128xf32, #tpu.memory_space<vmem>>
        %dma_start3A_340 = arith.constant 0 : i32
        %dma_start3A_341 = tpu.memref_slice %arg7[%add3A_290, %dma_start3A_340] : memref<320000x128xf32, #tpu.memory_space<hbm>> -> memref<40x128xf32, #tpu.memory_space<hbm>>
        tpu.enqueue_dma source(%dma_start3A_341 : memref<40x128xf32, #tpu.memory_space<hbm>>) target(%dma_start3A_339 : memref<40x128xf32, #tpu.memory_space<vmem>>) target_semaphore(%arg21 : memref<!tpu.dma_semaphore, #tpu.memory_space<semaphore_mem>>)
        %dma_start3A_342 = arith.constant 1 : i32
        %dma_start3A_343 = arith.constant 0 : i32
        %dma_start3A_344 = arith.constant 0 : i32
        %dma_start3A_345 = tpu.memref_slice %arg17[%dma_start3A_342, %dma_start3A_343, %dma_start3A_344] : memref<2x40x16xf32, #tpu.memory_space<vmem>> -> memref<1x40x16xf32, #tpu.memory_space<vmem>>
        %dma_start3A_346 = tpu.memref_squeeze %dma_start3A_345 : memref<1x40x16xf32, #tpu.memory_space<vmem>> -> memref<40x16xf32, #tpu.memory_space<vmem>>
        %dma_start3A_347 = arith.constant 0 : i32
        %dma_start3A_348 = tpu.memref_slice %arg8[%add3A_290, %dma_start3A_347] : memref<320000x16xf32, #tpu.memory_space<hbm>> -> memref<40x16xf32, #tpu.memory_space<hbm>>
        %dma_start3A_349 = arith.constant 0 : i32
        %dma_start3A_350 = arith.constant 0 : i32
        %dma_start3A_351 = tpu.memref_slice %arg17[%dma_start3A_342, %dma_start3A_349, %dma_start3A_350] : memref<2x40x16xf32, #tpu.memory_space<vmem>> -> memref<1x40x16xf32, #tpu.memory_space<vmem>>
        %dma_start3A_352 = tpu.memref_squeeze %dma_start3A_351 : memref<1x40x16xf32, #tpu.memory_space<vmem>> -> memref<40x16xf32, #tpu.memory_space<vmem>>
        %dma_start3A_353 = arith.constant 0 : i32
        %dma_start3A_354 = tpu.memref_slice %arg8[%add3A_290, %dma_start3A_353] : memref<320000x16xf32, #tpu.memory_space<hbm>> -> memref<40x16xf32, #tpu.memory_space<hbm>>
        tpu.enqueue_dma source(%dma_start3A_354 : memref<40x16xf32, #tpu.memory_space<hbm>>) target(%dma_start3A_352 : memref<40x16xf32, #tpu.memory_space<vmem>>) target_semaphore(%arg21 : memref<!tpu.dma_semaphore, #tpu.memory_space<semaphore_mem>>)
      } else {
      }
      %mul3A_110 = arith.constant 40 : i32
      %mul3A_111 = arith.muli %add3A_102, %mul3A_110 : i32
      %add3A_112 = arith.addi %mul3A_2, %mul3A_111 : i32
      %dma_wait3A = arith.constant 0 : i32
      %dma_wait3A_113 = arith.constant 0 : i32
      %dma_wait3A_114 = arith.constant 0 : i32
      %dma_wait3A_115 = arith.constant 0 : i32
      %dma_wait3A_116 = tpu.memref_slice %arg13[%dma_wait3A_113, %dma_wait3A_114, %dma_wait3A_115] : memref<2x40x128xf32, #tpu.memory_space<vmem>> -> memref<1x40x128xf32, #tpu.memory_space<vmem>>
      %dma_wait3A_117 = tpu.memref_squeeze %dma_wait3A_116 : memref<1x40x128xf32, #tpu.memory_space<vmem>> -> memref<40x128xf32, #tpu.memory_space<vmem>>
      %dma_wait3A_118 = arith.constant 0 : i32
      %dma_wait3A_119 = tpu.memref_slice %arg11[%dma_wait3A, %dma_wait3A_118] : memref<2x40xi32, #tpu.memory_space<vmem>> -> memref<1x40xi32, #tpu.memory_space<vmem>>
      %dma_wait3A_120 = tpu.memref_squeeze %dma_wait3A_119 : memref<1x40xi32, #tpu.memory_space<vmem>> -> memref<40xi32, #tpu.memory_space<vmem>>
      %dma_wait3A_121 = arith.constant 0 : i32
      %dma_wait3A_122 = arith.constant 0 : i32
      %dma_wait3A_123 = tpu.memref_slice %arg4[%dma_wait3A_121, %dma_wait3A_122] : memref<10000x128xf32, #tpu.memory_space<hbm>> -> memref<10000x128xf32, #tpu.memory_space<hbm>>
      tpu.wait_indirect_dma semaphore(%arg20 : memref<!tpu.dma_semaphore, #tpu.memory_space<semaphore_mem>>) src(%dma_wait3A_123 : memref<10000x128xf32, #tpu.memory_space<hbm>>) dst(%dma_wait3A_117 : memref<40x128xf32, #tpu.memory_space<vmem>>)
      %dma_wait3A_124 = arith.constant 0 : i32
      %dma_wait3A_125 = arith.constant 0 : i32
      %dma_wait3A_126 = arith.constant 0 : i32
      %dma_wait3A_127 = arith.constant 0 : i32
      %dma_wait3A_128 = tpu.memref_slice %arg14[%dma_wait3A_125, %dma_wait3A_126, %dma_wait3A_127] : memref<2x40x16xf32, #tpu.memory_space<vmem>> -> memref<1x40x16xf32, #tpu.memory_space<vmem>>
      %dma_wait3A_129 = tpu.memref_squeeze %dma_wait3A_128 : memref<1x40x16xf32, #tpu.memory_space<vmem>> -> memref<40x16xf32, #tpu.memory_space<vmem>>
      %dma_wait3A_130 = arith.constant 0 : i32
      %dma_wait3A_131 = tpu.memref_slice %arg11[%dma_wait3A_124, %dma_wait3A_130] : memref<2x40xi32, #tpu.memory_space<vmem>> -> memref<1x40xi32, #tpu.memory_space<vmem>>
      %dma_wait3A_132 = tpu.memref_squeeze %dma_wait3A_131 : memref<1x40xi32, #tpu.memory_space<vmem>> -> memref<40xi32, #tpu.memory_space<vmem>>
      %dma_wait3A_133 = arith.constant 0 : i32
      %dma_wait3A_134 = arith.constant 0 : i32
      %dma_wait3A_135 = tpu.memref_slice %arg5[%dma_wait3A_133, %dma_wait3A_134] : memref<10000x16xf32, #tpu.memory_space<hbm>> -> memref<10000x16xf32, #tpu.memory_space<hbm>>
      tpu.wait_indirect_dma semaphore(%arg20 : memref<!tpu.dma_semaphore, #tpu.memory_space<semaphore_mem>>) src(%dma_wait3A_135 : memref<10000x16xf32, #tpu.memory_space<hbm>>) dst(%dma_wait3A_129 : memref<40x16xf32, #tpu.memory_space<vmem>>)
      %dma_wait3A_136 = arith.constant 0 : i32
      %dma_wait3A_137 = arith.constant 0 : i32
      %dma_wait3A_138 = arith.constant 0 : i32
      %dma_wait3A_139 = arith.constant 0 : i32
      %dma_wait3A_140 = tpu.memref_slice %arg15[%dma_wait3A_137, %dma_wait3A_138, %dma_wait3A_139] : memref<2x40x16xf32, #tpu.memory_space<vmem>> -> memref<1x40x16xf32, #tpu.memory_space<vmem>>
      %dma_wait3A_141 = tpu.memref_squeeze %dma_wait3A_140 : memref<1x40x16xf32, #tpu.memory_space<vmem>> -> memref<40x16xf32, #tpu.memory_space<vmem>>
      %dma_wait3A_142 = arith.constant 0 : i32
      %dma_wait3A_143 = tpu.memref_slice %arg12[%dma_wait3A_136, %dma_wait3A_142] : memref<2x40xi32, #tpu.memory_space<vmem>> -> memref<1x40xi32, #tpu.memory_space<vmem>>
      %dma_wait3A_144 = tpu.memref_squeeze %dma_wait3A_143 : memref<1x40xi32, #tpu.memory_space<vmem>> -> memref<40xi32, #tpu.memory_space<vmem>>
      %dma_wait3A_145 = arith.constant 0 : i32
      %dma_wait3A_146 = arith.constant 0 : i32
      %dma_wait3A_147 = tpu.memref_slice %arg6[%dma_wait3A_145, %dma_wait3A_146] : memref<10000x16xf32, #tpu.memory_space<hbm>> -> memref<10000x16xf32, #tpu.memory_space<hbm>>
      tpu.wait_indirect_dma semaphore(%arg20 : memref<!tpu.dma_semaphore, #tpu.memory_space<semaphore_mem>>) src(%dma_wait3A_147 : memref<10000x16xf32, #tpu.memory_space<hbm>>) dst(%dma_wait3A_141 : memref<40x16xf32, #tpu.memory_space<vmem>>)
      %dma_wait3A_148 = arith.constant 0 : i32
      %dma_wait3A_149 = arith.constant 0 : i32
      %dma_wait3A_150 = arith.constant 0 : i32
      %dma_wait3A_151 = tpu.memref_slice %arg16[%dma_wait3A_148, %dma_wait3A_149, %dma_wait3A_150] : memref<2x40x128xf32, #tpu.memory_space<vmem>> -> memref<1x40x128xf32, #tpu.memory_space<vmem>>
      %dma_wait3A_152 = tpu.memref_squeeze %dma_wait3A_151 : memref<1x40x128xf32, #tpu.memory_space<vmem>> -> memref<40x128xf32, #tpu.memory_space<vmem>>
      %dma_wait3A_153 = arith.constant 0 : i32
      %dma_wait3A_154 = tpu.memref_slice %arg7[%add3A_112, %dma_wait3A_153] : memref<320000x128xf32, #tpu.memory_space<hbm>> -> memref<40x128xf32, #tpu.memory_space<hbm>>
      %dma_wait3A_155 = arith.constant 0 : i32
      %dma_wait3A_156 = arith.constant 0 : i32
      %dma_wait3A_157 = tpu.memref_slice %arg16[%dma_wait3A_148, %dma_wait3A_155, %dma_wait3A_156] : memref<2x40x128xf32, #tpu.memory_space<vmem>> -> memref<1x40x128xf32, #tpu.memory_space<vmem>>
      %dma_wait3A_158 = tpu.memref_squeeze %dma_wait3A_157 : memref<1x40x128xf32, #tpu.memory_space<vmem>> -> memref<40x128xf32, #tpu.memory_space<vmem>>
      %dma_wait3A_159 = arith.constant 0 : i32
      %dma_wait3A_160 = tpu.memref_slice %arg7[%add3A_112, %dma_wait3A_159] : memref<320000x128xf32, #tpu.memory_space<hbm>> -> memref<40x128xf32, #tpu.memory_space<hbm>>
      tpu.wait_dma2 semaphore(%arg20 : memref<!tpu.dma_semaphore, #tpu.memory_space<semaphore_mem>>) src(%dma_wait3A_160 : memref<40x128xf32, #tpu.memory_space<hbm>>) dst(%dma_wait3A_158 : memref<40x128xf32, #tpu.memory_space<vmem>>)
      %dma_wait3A_161 = arith.constant 0 : i32
      %dma_wait3A_162 = arith.constant 0 : i32
      %dma_wait3A_163 = arith.constant 0 : i32
      %dma_wait3A_164 = tpu.memref_slice %arg17[%dma_wait3A_161, %dma_wait3A_162, %dma_wait3A_163] : memref<2x40x16xf32, #tpu.memory_space<vmem>> -> memref<1x40x16xf32, #tpu.memory_space<vmem>>
      %dma_wait3A_165 = tpu.memref_squeeze %dma_wait3A_164 : memref<1x40x16xf32, #tpu.memory_space<vmem>> -> memref<40x16xf32, #tpu.memory_space<vmem>>
      %dma_wait3A_166 = arith.constant 0 : i32
      %dma_wait3A_167 = tpu.memref_slice %arg8[%add3A_112, %dma_wait3A_166] : memref<320000x16xf32, #tpu.memory_space<hbm>> -> memref<40x16xf32, #tpu.memory_space<hbm>>
      %dma_wait3A_168 = arith.constant 0 : i32
      %dma_wait3A_169 = arith.constant 0 : i32
      %dma_wait3A_170 = tpu.memref_slice %arg17[%dma_wait3A_161, %dma_wait3A_168, %dma_wait3A_169] : memref<2x40x16xf32, #tpu.memory_space<vmem>> -> memref<1x40x16xf32, #tpu.memory_space<vmem>>
      %dma_wait3A_171 = tpu.memref_squeeze %dma_wait3A_170 : memref<1x40x16xf32, #tpu.memory_space<vmem>> -> memref<40x16xf32, #tpu.memory_space<vmem>>
      %dma_wait3A_172 = arith.constant 0 : i32
      %dma_wait3A_173 = tpu.memref_slice %arg8[%add3A_112, %dma_wait3A_172] : memref<320000x16xf32, #tpu.memory_space<hbm>> -> memref<40x16xf32, #tpu.memory_space<hbm>>
      tpu.wait_dma2 semaphore(%arg20 : memref<!tpu.dma_semaphore, #tpu.memory_space<semaphore_mem>>) src(%dma_wait3A_173 : memref<40x16xf32, #tpu.memory_space<hbm>>) dst(%dma_wait3A_171 : memref<40x16xf32, #tpu.memory_space<vmem>>)
      %scan3A_174 = arith.constant 0 : i32
      %scan3A_175 = arith.constant 0 : i32
      %scan3A_176 = arith.constant 0 : i32
      %scan3A_177 = arith.constant 0 : i32
      %scan3A_178 = arith.constant 0 : i32
      %scan3A_179 = arith.constant 0 : i32
      %scan3A_180 = arith.constant 0 : i32
      %scan3A_181 = arith.constant 0 : i32
      %scan3A_182 = arith.constant 40 : i32
      %scan3A_183 = arith.addi %scan3A_181, %scan3A_182 : i32
      %scan3A_184 = arith.constant 1 : i32
      scf.for %scan3A_286 = %scan3A_181 to %scan3A_183 step %scan3A_184  : i32 {
        %get3A = arith.constant 0 : i32
        %get3A_287 = arith.constant 0 : i32
        %get3A_288 = tpu.memref_slice %arg14[%scan3A_175, %get3A, %get3A_287] : memref<2x40x16xf32, #tpu.memory_space<vmem>> -> memref<1x40x16xf32, #tpu.memory_space<vmem>>
        %get3A_289 = tpu.memref_squeeze %get3A_288 : memref<1x40x16xf32, #tpu.memory_space<vmem>> -> memref<40x16xf32, #tpu.memory_space<vmem>>
        %get3A_290 = arith.index_cast %scan3A_286 : i32 to index
        %get3A_291 = arith.constant 0 : index
        %get3A_292 = tpu.vector_load %get3A_289[%get3A_290, %get3A_291] {strides = array<i32>} : memref<40x16xf32, #tpu.memory_space<vmem>>, vector<1x16xf32>,
        %get3A_293 = vector.shape_cast %get3A_292 : vector<1x16xf32> to vector<16xf32>
        %get3A_294 = arith.constant 0 : i32
        %get3A_295 = arith.constant 0 : i32
        %get3A_296 = tpu.memref_slice %arg15[%scan3A_176, %get3A_294, %get3A_295] : memref<2x40x16xf32, #tpu.memory_space<vmem>> -> memref<1x40x16xf32, #tpu.memory_space<vmem>>
        %get3A_297 = tpu.memref_squeeze %get3A_296 : memref<1x40x16xf32, #tpu.memory_space<vmem>> -> memref<40x16xf32, #tpu.memory_space<vmem>>
        %get3A_298 = arith.index_cast %scan3A_286 : i32 to index
        %get3A_299 = arith.constant 0 : index
        %get3A_300 = tpu.vector_load %get3A_297[%get3A_298, %get3A_299] {strides = array<i32>} : memref<40x16xf32, #tpu.memory_space<vmem>>, vector<1x16xf32>,
        %get3A_301 = vector.shape_cast %get3A_300 : vector<1x16xf32> to vector<16xf32>
        %add3A_302 = arith.addf %get3A_293, %get3A_301 : vector<16xf32>
        %get3A_303 = arith.constant 0 : i32
        %get3A_304 = arith.constant 0 : i32
        %get3A_305 = tpu.memref_slice %arg17[%scan3A_177, %get3A_303, %get3A_304] : memref<2x40x16xf32, #tpu.memory_space<vmem>> -> memref<1x40x16xf32, #tpu.memory_space<vmem>>
        %get3A_306 = tpu.memref_squeeze %get3A_305 : memref<1x40x16xf32, #tpu.memory_space<vmem>> -> memref<40x16xf32, #tpu.memory_space<vmem>>
        %get3A_307 = arith.index_cast %scan3A_286 : i32 to index
        %get3A_308 = arith.constant 0 : index
        %get3A_309 = tpu.vector_load %get3A_306[%get3A_307, %get3A_308] {strides = array<i32>} : memref<40x16xf32, #tpu.memory_space<vmem>>, vector<1x16xf32>,
        %get3A_310 = vector.shape_cast %get3A_309 : vector<1x16xf32> to vector<16xf32>
        %add3A_311 = arith.addf %add3A_302, %get3A_310 : vector<16xf32>
        %ge3A = arith.constant 0.000000e+00 : f32
        %ge3A_312 = vector.broadcast %ge3A : f32 to vector<16xf32>
        %ge3A_313 = arith.cmpf oge, %add3A_311, %ge3A_312 : vector<16xf32>
        %mul3A_314 = arith.constant 0.00999999977 : f32
        %mul3A_315 = vector.broadcast %mul3A_314 : f32 to vector<16xf32>
        %mul3A_316 = arith.mulf %add3A_311, %mul3A_315 : vector<16xf32>
        %select_n3A = arith.select %ge3A_313, %add3A_311, %mul3A_316 : vector<16xi1>, vector<16xf32>
        %exp3A = math.exp %select_n3A : vector<16xf32>
        %swap3A = arith.constant 0 : i32
        %swap3A_317 = arith.constant 0 : i32
        %swap3A_318 = tpu.memref_slice %arg17[%scan3A_177, %swap3A, %swap3A_317] : memref<2x40x16xf32, #tpu.memory_space<vmem>> -> memref<1x40x16xf32, #tpu.memory_space<vmem>>
        %swap3A_319 = tpu.memref_squeeze %swap3A_318 : memref<1x40x16xf32, #tpu.memory_space<vmem>> -> memref<40x16xf32, #tpu.memory_space<vmem>>
        %swap3A_320 = arith.index_cast %scan3A_286 : i32 to index
        %swap3A_321 = arith.constant 0 : index
        %swap3A_322 = tpu.vector_load %swap3A_319[%swap3A_320, %swap3A_321] {strides = array<i32>} : memref<40x16xf32, #tpu.memory_space<vmem>>, vector<1x16xf32>,
        %swap3A_323 = vector.shape_cast %swap3A_322 : vector<1x16xf32> to vector<16xf32>
        %swap3A_324 = vector.shape_cast %exp3A : vector<16xf32> to vector<1x16xf32>
        tpu.vector_store %swap3A_319[%swap3A_320, %swap3A_321], %swap3A_324 {strides = array<i32>} : memref<40x16xf32, #tpu.memory_space<vmem>>, vector<1x16xf32>,
        %get3A_325 = arith.constant 0 : i32
        %get3A_326 = arith.constant 0 : i32
        %get3A_327 = tpu.memref_slice %arg13[%scan3A_178, %get3A_325, %get3A_326] : memref<2x40x128xf32, #tpu.memory_space<vmem>> -> memref<1x40x128xf32, #tpu.memory_space<vmem>>
        %get3A_328 = tpu.memref_squeeze %get3A_327 : memref<1x40x128xf32, #tpu.memory_space<vmem>> -> memref<40x128xf32, #tpu.memory_space<vmem>>
        %get3A_329 = arith.index_cast %scan3A_286 : i32 to index
        %get3A_330 = arith.constant 0 : index
        %get3A_331 = tpu.vector_load %get3A_328[%get3A_329, %get3A_330] {strides = array<i32>} : memref<40x128xf32, #tpu.memory_space<vmem>>, vector<1x16xf32>,
        %get3A_332 = vector.shape_cast %get3A_331 : vector<1x16xf32> to vector<16xf32>
        %get3A_333 = arith.constant 0 : i32
        %get3A_334 = arith.constant 0 : i32
        %get3A_335 = tpu.memref_slice %arg16[%scan3A_179, %get3A_333, %get3A_334] : memref<2x40x128xf32, #tpu.memory_space<vmem>> -> memref<1x40x128xf32, #tpu.memory_space<vmem>>
        %get3A_336 = tpu.memref_squeeze %get3A_335 : memref<1x40x128xf32, #tpu.memory_space<vmem>> -> memref<40x128xf32, #tpu.memory_space<vmem>>
        %get3A_337 = arith.index_cast %scan3A_286 : i32 to index
        %get3A_338 = arith.constant 0 : index
        %get3A_339 = tpu.vector_load %get3A_336[%get3A_337, %get3A_338] {strides = array<i32>} : memref<40x128xf32, #tpu.memory_space<vmem>>, vector<1x16xf32>,
        %get3A_340 = vector.shape_cast %get3A_339 : vector<1x16xf32> to vector<16xf32>
        %add3A_341 = arith.addf %get3A_332, %get3A_340 : vector<16xf32>
        %slice3A = vector.extract_strided_slice %exp3A {offsets = [0], sizes = [1], strides = [1]} : vector<16xf32> to vector<1xf32>
        %squeeze3A = vector.extract %slice3A[0] : f32 from vector<1xf32>
        %mul3A_342 = vector.broadcast %squeeze3A : f32 to vector<16xf32>
        %mul3A_343 = arith.mulf %add3A_341, %mul3A_342 : vector<16xf32>
        %swap3A_344 = arith.constant 0 : i32
        %swap3A_345 = arith.constant 0 : i32
        %swap3A_346 = tpu.memref_slice %arg18[%scan3A_180, %swap3A_344, %swap3A_345] : memref<2x40x128xf32, #tpu.memory_space<vmem>> -> memref<1x40x128xf32, #tpu.memory_space<vmem>>
        %swap3A_347 = tpu.memref_squeeze %swap3A_346 : memref<1x40x128xf32, #tpu.memory_space<vmem>> -> memref<40x128xf32, #tpu.memory_space<vmem>>
        %swap3A_348 = arith.index_cast %scan3A_286 : i32 to index
        %swap3A_349 = arith.constant 0 : index
        %swap3A_350 = tpu.vector_load %swap3A_347[%swap3A_348, %swap3A_349] {strides = array<i32>} : memref<40x128xf32, #tpu.memory_space<vmem>>, vector<1x16xf32>,
        %swap3A_351 = vector.shape_cast %swap3A_350 : vector<1x16xf32> to vector<16xf32>
        %swap3A_352 = vector.shape_cast %mul3A_343 : vector<16xf32> to vector<1x16xf32>
        tpu.vector_store %swap3A_347[%swap3A_348, %swap3A_349], %swap3A_352 {strides = array<i32>} : memref<40x128xf32, #tpu.memory_space<vmem>>, vector<1x16xf32>,
        %get3A_353 = arith.constant 0 : i32
        %get3A_354 = arith.constant 0 : i32
        %get3A_355 = tpu.memref_slice %arg13[%scan3A_178, %get3A_353, %get3A_354] : memref<2x40x128xf32, #tpu.memory_space<vmem>> -> memref<1x40x128xf32, #tpu.memory_space<vmem>>
        %get3A_356 = tpu.memref_squeeze %get3A_355 : memref<1x40x128xf32, #tpu.memory_space<vmem>> -> memref<40x128xf32, #tpu.memory_space<vmem>>
        %get3A_357 = arith.index_cast %scan3A_286 : i32 to index
        %get3A_358 = arith.constant 16 : index
        %get3A_359 = tpu.vector_load %get3A_356[%get3A_357, %get3A_358] {strides = array<i32>} : memref<40x128xf32, #tpu.memory_space<vmem>>, vector<1x16xf32>,
        %get3A_360 = vector.shape_cast %get3A_359 : vector<1x16xf32> to vector<16xf32>
        %get3A_361 = arith.constant 0 : i32
        %get3A_362 = arith.constant 0 : i32
        %get3A_363 = tpu.memref_slice %arg16[%scan3A_179, %get3A_361, %get3A_362] : memref<2x40x128xf32, #tpu.memory_space<vmem>> -> memref<1x40x128xf32, #tpu.memory_space<vmem>>
        %get3A_364 = tpu.memref_squeeze %get3A_363 : memref<1x40x128xf32, #tpu.memory_space<vmem>> -> memref<40x128xf32, #tpu.memory_space<vmem>>
        %get3A_365 = arith.index_cast %scan3A_286 : i32 to index
        %get3A_366 = arith.constant 16 : index
        %get3A_367 = tpu.vector_load %get3A_364[%get3A_365, %get3A_366] {strides = array<i32>} : memref<40x128xf32, #tpu.memory_space<vmem>>, vector<1x16xf32>,
        %get3A_368 = vector.shape_cast %get3A_367 : vector<1x16xf32> to vector<16xf32>
        %add3A_369 = arith.addf %get3A_360, %get3A_368 : vector<16xf32>
        %slice3A_370 = vector.extract_strided_slice %exp3A {offsets = [1], sizes = [1], strides = [1]} : vector<16xf32> to vector<1xf32>
        %squeeze3A_371 = vector.extract %slice3A_370[0] : f32 from vector<1xf32>
        %mul3A_372 = vector.broadcast %squeeze3A_371 : f32 to vector<16xf32>
        %mul3A_373 = arith.mulf %add3A_369, %mul3A_372 : vector<16xf32>
        %swap3A_374 = arith.constant 0 : i32
        %swap3A_375 = arith.constant 0 : i32
        %swap3A_376 = tpu.memref_slice %arg18[%scan3A_180, %swap3A_374, %swap3A_375] : memref<2x40x128xf32, #tpu.memory_space<vmem>> -> memref<1x40x128xf32, #tpu.memory_space<vmem>>
        %swap3A_377 = tpu.memref_squeeze %swap3A_376 : memref<1x40x128xf32, #tpu.memory_space<vmem>> -> memref<40x128xf32, #tpu.memory_space<vmem>>
        %swap3A_378 = arith.index_cast %scan3A_286 : i32 to index
        %swap3A_379 = arith.constant 16 : index
        %swap3A_380 = tpu.vector_load %swap3A_377[%swap3A_378, %swap3A_379] {strides = array<i32>} : memref<40x128xf32, #tpu.memory_space<vmem>>, vector<1x16xf32>,
        %swap3A_381 = vector.shape_cast %swap3A_380 : vector<1x16xf32> to vector<16xf32>
        %swap3A_382 = vector.shape_cast %mul3A_373 : vector<16xf32> to vector<1x16xf32>
        tpu.vector_store %swap3A_377[%swap3A_378, %swap3A_379], %swap3A_382 {strides = array<i32>} : memref<40x128xf32, #tpu.memory_space<vmem>>, vector<1x16xf32>,
        %get3A_383 = arith.constant 0 : i32
        %get3A_384 = arith.constant 0 : i32
        %get3A_385 = tpu.memref_slice %arg13[%scan3A_178, %get3A_383, %get3A_384] : memref<2x40x128xf32, #tpu.memory_space<vmem>> -> memref<1x40x128xf32, #tpu.memory_space<vmem>>
        %get3A_386 = tpu.memref_squeeze %get3A_385 : memref<1x40x128xf32, #tpu.memory_space<vmem>> -> memref<40x128xf32, #tpu.memory_space<vmem>>
        %get3A_387 = arith.index_cast %scan3A_286 : i32 to index
        %get3A_388 = arith.constant 32 : index
        %get3A_389 = tpu.vector_load %get3A_386[%get3A_387, %get3A_388] {strides = array<i32>} : memref<40x128xf32, #tpu.memory_space<vmem>>, vector<1x16xf32>,
        %get3A_390 = vector.shape_cast %get3A_389 : vector<1x16xf32> to vector<16xf32>
        %get3A_391 = arith.constant 0 : i32
        %get3A_392 = arith.constant 0 : i32
        %get3A_393 = tpu.memref_slice %arg16[%scan3A_179, %get3A_391, %get3A_392] : memref<2x40x128xf32, #tpu.memory_space<vmem>> -> memref<1x40x128xf32, #tpu.memory_space<vmem>>
        %get3A_394 = tpu.memref_squeeze %get3A_393 : memref<1x40x128xf32, #tpu.memory_space<vmem>> -> memref<40x128xf32, #tpu.memory_space<vmem>>
        %get3A_395 = arith.index_cast %scan3A_286 : i32 to index
        %get3A_396 = arith.constant 32 : index
        %get3A_397 = tpu.vector_load %get3A_394[%get3A_395, %get3A_396] {strides = array<i32>} : memref<40x128xf32, #tpu.memory_space<vmem>>, vector<1x16xf32>,
        %get3A_398 = vector.shape_cast %get3A_397 : vector<1x16xf32> to vector<16xf32>
        %add3A_399 = arith.addf %get3A_390, %get3A_398 : vector<16xf32>
        %slice3A_400 = vector.extract_strided_slice %exp3A {offsets = [2], sizes = [1], strides = [1]} : vector<16xf32> to vector<1xf32>
        %squeeze3A_401 = vector.extract %slice3A_400[0] : f32 from vector<1xf32>
        %mul3A_402 = vector.broadcast %squeeze3A_401 : f32 to vector<16xf32>
        %mul3A_403 = arith.mulf %add3A_399, %mul3A_402 : vector<16xf32>
        %swap3A_404 = arith.constant 0 : i32
        %swap3A_405 = arith.constant 0 : i32
        %swap3A_406 = tpu.memref_slice %arg18[%scan3A_180, %swap3A_404, %swap3A_405] : memref<2x40x128xf32, #tpu.memory_space<vmem>> -> memref<1x40x128xf32, #tpu.memory_space<vmem>>
        %swap3A_407 = tpu.memref_squeeze %swap3A_406 : memref<1x40x128xf32, #tpu.memory_space<vmem>> -> memref<40x128xf32, #tpu.memory_space<vmem>>
        %swap3A_408 = arith.index_cast %scan3A_286 : i32 to index
        %swap3A_409 = arith.constant 32 : index
        %swap3A_410 = tpu.vector_load %swap3A_407[%swap3A_408, %swap3A_409] {strides = array<i32>} : memref<40x128xf32, #tpu.memory_space<vmem>>, vector<1x16xf32>,
        %swap3A_411 = vector.shape_cast %swap3A_410 : vector<1x16xf32> to vector<16xf32>
        %swap3A_412 = vector.shape_cast %mul3A_403 : vector<16xf32> to vector<1x16xf32>
        tpu.vector_store %swap3A_407[%swap3A_408, %swap3A_409], %swap3A_412 {strides = array<i32>} : memref<40x128xf32, #tpu.memory_space<vmem>>, vector<1x16xf32>,
        %get3A_413 = arith.constant 0 : i32
        %get3A_414 = arith.constant 0 : i32
        %get3A_415 = tpu.memref_slice %arg13[%scan3A_178, %get3A_413, %get3A_414] : memref<2x40x128xf32, #tpu.memory_space<vmem>> -> memref<1x40x128xf32, #tpu.memory_space<vmem>>
        %get3A_416 = tpu.memref_squeeze %get3A_415 : memref<1x40x128xf32, #tpu.memory_space<vmem>> -> memref<40x128xf32, #tpu.memory_space<vmem>>
        %get3A_417 = arith.index_cast %scan3A_286 : i32 to index
        %get3A_418 = arith.constant 48 : index
        %get3A_419 = tpu.vector_load %get3A_416[%get3A_417, %get3A_418] {strides = array<i32>} : memref<40x128xf32, #tpu.memory_space<vmem>>, vector<1x16xf32>,
        %get3A_420 = vector.shape_cast %get3A_419 : vector<1x16xf32> to vector<16xf32>
        %get3A_421 = arith.constant 0 : i32
        %get3A_422 = arith.constant 0 : i32
        %get3A_423 = tpu.memref_slice %arg16[%scan3A_179, %get3A_421, %get3A_422] : memref<2x40x128xf32, #tpu.memory_space<vmem>> -> memref<1x40x128xf32, #tpu.memory_space<vmem>>
        %get3A_424 = tpu.memref_squeeze %get3A_423 : memref<1x40x128xf32, #tpu.memory_space<vmem>> -> memref<40x128xf32, #tpu.memory_space<vmem>>
        %get3A_425 = arith.index_cast %scan3A_286 : i32 to index
        %get3A_426 = arith.constant 48 : index
        %get3A_427 = tpu.vector_load %get3A_424[%get3A_425, %get3A_426] {strides = array<i32>} : memref<40x128xf32, #tpu.memory_space<vmem>>, vector<1x16xf32>,
        %get3A_428 = vector.shape_cast %get3A_427 : vector<1x16xf32> to vector<16xf32>
        %add3A_429 = arith.addf %get3A_420, %get3A_428 : vector<16xf32>
        %slice3A_430 = vector.extract_strided_slice %exp3A {offsets = [3], sizes = [1], strides = [1]} : vector<16xf32> to vector<1xf32>
        %squeeze3A_431 = vector.extract %slice3A_430[0] : f32 from vector<1xf32>
        %mul3A_432 = vector.broadcast %squeeze3A_431 : f32 to vector<16xf32>
        %mul3A_433 = arith.mulf %add3A_429, %mul3A_432 : vector<16xf32>
        %swap3A_434 = arith.constant 0 : i32
        %swap3A_435 = arith.constant 0 : i32
        %swap3A_436 = tpu.memref_slice %arg18[%scan3A_180, %swap3A_434, %swap3A_435] : memref<2x40x128xf32, #tpu.memory_space<vmem>> -> memref<1x40x128xf32, #tpu.memory_space<vmem>>
        %swap3A_437 = tpu.memref_squeeze %swap3A_436 : memref<1x40x128xf32, #tpu.memory_space<vmem>> -> memref<40x128xf32, #tpu.memory_space<vmem>>
        %swap3A_438 = arith.index_cast %scan3A_286 : i32 to index
        %swap3A_439 = arith.constant 48 : index
        %swap3A_440 = tpu.vector_load %swap3A_437[%swap3A_438, %swap3A_439] {strides = array<i32>} : memref<40x128xf32, #tpu.memory_space<vmem>>, vector<1x16xf32>,
        %swap3A_441 = vector.shape_cast %swap3A_440 : vector<1x16xf32> to vector<16xf32>
        %swap3A_442 = vector.shape_cast %mul3A_433 : vector<16xf32> to vector<1x16xf32>
        tpu.vector_store %swap3A_437[%swap3A_438, %swap3A_439], %swap3A_442 {strides = array<i32>} : memref<40x128xf32, #tpu.memory_space<vmem>>, vector<1x16xf32>,
        %get3A_443 = arith.constant 0 : i32
        %get3A_444 = arith.constant 0 : i32
        %get3A_445 = tpu.memref_slice %arg13[%scan3A_178, %get3A_443, %get3A_444] : memref<2x40x128xf32, #tpu.memory_space<vmem>> -> memref<1x40x128xf32, #tpu.memory_space<vmem>>
        %get3A_446 = tpu.memref_squeeze %get3A_445 : memref<1x40x128xf32, #tpu.memory_space<vmem>> -> memref<40x128xf32, #tpu.memory_space<vmem>>
        %get3A_447 = arith.index_cast %scan3A_286 : i32 to index
        %get3A_448 = arith.constant 64 : index
        %get3A_449 = tpu.vector_load %get3A_446[%get3A_447, %get3A_448] {strides = array<i32>} : memref<40x128xf32, #tpu.memory_space<vmem>>, vector<1x16xf32>,
        %get3A_450 = vector.shape_cast %get3A_449 : vector<1x16xf32> to vector<16xf32>
        %get3A_451 = arith.constant 0 : i32
        %get3A_452 = arith.constant 0 : i32
        %get3A_453 = tpu.memref_slice %arg16[%scan3A_179, %get3A_451, %get3A_452] : memref<2x40x128xf32, #tpu.memory_space<vmem>> -> memref<1x40x128xf32, #tpu.memory_space<vmem>>
        %get3A_454 = tpu.memref_squeeze %get3A_453 : memref<1x40x128xf32, #tpu.memory_space<vmem>> -> memref<40x128xf32, #tpu.memory_space<vmem>>
        %get3A_455 = arith.index_cast %scan3A_286 : i32 to index
        %get3A_456 = arith.constant 64 : index
        %get3A_457 = tpu.vector_load %get3A_454[%get3A_455, %get3A_456] {strides = array<i32>} : memref<40x128xf32, #tpu.memory_space<vmem>>, vector<1x16xf32>,
        %get3A_458 = vector.shape_cast %get3A_457 : vector<1x16xf32> to vector<16xf32>
        %add3A_459 = arith.addf %get3A_450, %get3A_458 : vector<16xf32>
        %slice3A_460 = vector.extract_strided_slice %exp3A {offsets = [4], sizes = [1], strides = [1]} : vector<16xf32> to vector<1xf32>
        %squeeze3A_461 = vector.extract %slice3A_460[0] : f32 from vector<1xf32>
        %mul3A_462 = vector.broadcast %squeeze3A_461 : f32 to vector<16xf32>
        %mul3A_463 = arith.mulf %add3A_459, %mul3A_462 : vector<16xf32>
        %swap3A_464 = arith.constant 0 : i32
        %swap3A_465 = arith.constant 0 : i32
        %swap3A_466 = tpu.memref_slice %arg18[%scan3A_180, %swap3A_464, %swap3A_465] : memref<2x40x128xf32, #tpu.memory_space<vmem>> -> memref<1x40x128xf32, #tpu.memory_space<vmem>>
        %swap3A_467 = tpu.memref_squeeze %swap3A_466 : memref<1x40x128xf32, #tpu.memory_space<vmem>> -> memref<40x128xf32, #tpu.memory_space<vmem>>
        %swap3A_468 = arith.index_cast %scan3A_286 : i32 to index
        %swap3A_469 = arith.constant 64 : index
        %swap3A_470 = tpu.vector_load %swap3A_467[%swap3A_468, %swap3A_469] {strides = array<i32>} : memref<40x128xf32, #tpu.memory_space<vmem>>, vector<1x16xf32>,
        %swap3A_471 = vector.shape_cast %swap3A_470 : vector<1x16xf32> to vector<16xf32>
        %swap3A_472 = vector.shape_cast %mul3A_463 : vector<16xf32> to vector<1x16xf32>
        tpu.vector_store %swap3A_467[%swap3A_468, %swap3A_469], %swap3A_472 {strides = array<i32>} : memref<40x128xf32, #tpu.memory_space<vmem>>, vector<1x16xf32>,
        %get3A_473 = arith.constant 0 : i32
        %get3A_474 = arith.constant 0 : i32
        %get3A_475 = tpu.memref_slice %arg13[%scan3A_178, %get3A_473, %get3A_474] : memref<2x40x128xf32, #tpu.memory_space<vmem>> -> memref<1x40x128xf32, #tpu.memory_space<vmem>>
        %get3A_476 = tpu.memref_squeeze %get3A_475 : memref<1x40x128xf32, #tpu.memory_space<vmem>> -> memref<40x128xf32, #tpu.memory_space<vmem>>
        %get3A_477 = arith.index_cast %scan3A_286 : i32 to index
        %get3A_478 = arith.constant 80 : index
        %get3A_479 = tpu.vector_load %get3A_476[%get3A_477, %get3A_478] {strides = array<i32>} : memref<40x128xf32, #tpu.memory_space<vmem>>, vector<1x16xf32>,
        %get3A_480 = vector.shape_cast %get3A_479 : vector<1x16xf32> to vector<16xf32>
        %get3A_481 = arith.constant 0 : i32
        %get3A_482 = arith.constant 0 : i32
        %get3A_483 = tpu.memref_slice %arg16[%scan3A_179, %get3A_481, %get3A_482] : memref<2x40x128xf32, #tpu.memory_space<vmem>> -> memref<1x40x128xf32, #tpu.memory_space<vmem>>
        %get3A_484 = tpu.memref_squeeze %get3A_483 : memref<1x40x128xf32, #tpu.memory_space<vmem>> -> memref<40x128xf32, #tpu.memory_space<vmem>>
        %get3A_485 = arith.index_cast %scan3A_286 : i32 to index
        %get3A_486 = arith.constant 80 : index
        %get3A_487 = tpu.vector_load %get3A_484[%get3A_485, %get3A_486] {strides = array<i32>} : memref<40x128xf32, #tpu.memory_space<vmem>>, vector<1x16xf32>,
        %get3A_488 = vector.shape_cast %get3A_487 : vector<1x16xf32> to vector<16xf32>
        %add3A_489 = arith.addf %get3A_480, %get3A_488 : vector<16xf32>
        %slice3A_490 = vector.extract_strided_slice %exp3A {offsets = [5], sizes = [1], strides = [1]} : vector<16xf32> to vector<1xf32>
        %squeeze3A_491 = vector.extract %slice3A_490[0] : f32 from vector<1xf32>
        %mul3A_492 = vector.broadcast %squeeze3A_491 : f32 to vector<16xf32>
        %mul3A_493 = arith.mulf %add3A_489, %mul3A_492 : vector<16xf32>
        %swap3A_494 = arith.constant 0 : i32
        %swap3A_495 = arith.constant 0 : i32
        %swap3A_496 = tpu.memref_slice %arg18[%scan3A_180, %swap3A_494, %swap3A_495] : memref<2x40x128xf32, #tpu.memory_space<vmem>> -> memref<1x40x128xf32, #tpu.memory_space<vmem>>
        %swap3A_497 = tpu.memref_squeeze %swap3A_496 : memref<1x40x128xf32, #tpu.memory_space<vmem>> -> memref<40x128xf32, #tpu.memory_space<vmem>>
        %swap3A_498 = arith.index_cast %scan3A_286 : i32 to index
        %swap3A_499 = arith.constant 80 : index
        %swap3A_500 = tpu.vector_load %swap3A_497[%swap3A_498, %swap3A_499] {strides = array<i32>} : memref<40x128xf32, #tpu.memory_space<vmem>>, vector<1x16xf32>,
        %swap3A_501 = vector.shape_cast %swap3A_500 : vector<1x16xf32> to vector<16xf32>
        %swap3A_502 = vector.shape_cast %mul3A_493 : vector<16xf32> to vector<1x16xf32>
        tpu.vector_store %swap3A_497[%swap3A_498, %swap3A_499], %swap3A_502 {strides = array<i32>} : memref<40x128xf32, #tpu.memory_space<vmem>>, vector<1x16xf32>,
        %get3A_503 = arith.constant 0 : i32
        %get3A_504 = arith.constant 0 : i32
        %get3A_505 = tpu.memref_slice %arg13[%scan3A_178, %get3A_503, %get3A_504] : memref<2x40x128xf32, #tpu.memory_space<vmem>> -> memref<1x40x128xf32, #tpu.memory_space<vmem>>
        %get3A_506 = tpu.memref_squeeze %get3A_505 : memref<1x40x128xf32, #tpu.memory_space<vmem>> -> memref<40x128xf32, #tpu.memory_space<vmem>>
        %get3A_507 = arith.index_cast %scan3A_286 : i32 to index
        %get3A_508 = arith.constant 96 : index
        %get3A_509 = tpu.vector_load %get3A_506[%get3A_507, %get3A_508] {strides = array<i32>} : memref<40x128xf32, #tpu.memory_space<vmem>>, vector<1x16xf32>,
        %get3A_510 = vector.shape_cast %get3A_509 : vector<1x16xf32> to vector<16xf32>
        %get3A_511 = arith.constant 0 : i32
        %get3A_512 = arith.constant 0 : i32
        %get3A_513 = tpu.memref_slice %arg16[%scan3A_179, %get3A_511, %get3A_512] : memref<2x40x128xf32, #tpu.memory_space<vmem>> -> memref<1x40x128xf32, #tpu.memory_space<vmem>>
        %get3A_514 = tpu.memref_squeeze %get3A_513 : memref<1x40x128xf32, #tpu.memory_space<vmem>> -> memref<40x128xf32, #tpu.memory_space<vmem>>
        %get3A_515 = arith.index_cast %scan3A_286 : i32 to index
        %get3A_516 = arith.constant 96 : index
        %get3A_517 = tpu.vector_load %get3A_514[%get3A_515, %get3A_516] {strides = array<i32>} : memref<40x128xf32, #tpu.memory_space<vmem>>, vector<1x16xf32>,
        %get3A_518 = vector.shape_cast %get3A_517 : vector<1x16xf32> to vector<16xf32>
        %add3A_519 = arith.addf %get3A_510, %get3A_518 : vector<16xf32>
        %slice3A_520 = vector.extract_strided_slice %exp3A {offsets = [6], sizes = [1], strides = [1]} : vector<16xf32> to vector<1xf32>
        %squeeze3A_521 = vector.extract %slice3A_520[0] : f32 from vector<1xf32>
        %mul3A_522 = vector.broadcast %squeeze3A_521 : f32 to vector<16xf32>
        %mul3A_523 = arith.mulf %add3A_519, %mul3A_522 : vector<16xf32>
        %swap3A_524 = arith.constant 0 : i32
        %swap3A_525 = arith.constant 0 : i32
        %swap3A_526 = tpu.memref_slice %arg18[%scan3A_180, %swap3A_524, %swap3A_525] : memref<2x40x128xf32, #tpu.memory_space<vmem>> -> memref<1x40x128xf32, #tpu.memory_space<vmem>>
        %swap3A_527 = tpu.memref_squeeze %swap3A_526 : memref<1x40x128xf32, #tpu.memory_space<vmem>> -> memref<40x128xf32, #tpu.memory_space<vmem>>
        %swap3A_528 = arith.index_cast %scan3A_286 : i32 to index
        %swap3A_529 = arith.constant 96 : index
        %swap3A_530 = tpu.vector_load %swap3A_527[%swap3A_528, %swap3A_529] {strides = array<i32>} : memref<40x128xf32, #tpu.memory_space<vmem>>, vector<1x16xf32>,
        %swap3A_531 = vector.shape_cast %swap3A_530 : vector<1x16xf32> to vector<16xf32>
        %swap3A_532 = vector.shape_cast %mul3A_523 : vector<16xf32> to vector<1x16xf32>
        tpu.vector_store %swap3A_527[%swap3A_528, %swap3A_529], %swap3A_532 {strides = array<i32>} : memref<40x128xf32, #tpu.memory_space<vmem>>, vector<1x16xf32>,
        %get3A_533 = arith.constant 0 : i32
        %get3A_534 = arith.constant 0 : i32
        %get3A_535 = tpu.memref_slice %arg13[%scan3A_178, %get3A_533, %get3A_534] : memref<2x40x128xf32, #tpu.memory_space<vmem>> -> memref<1x40x128xf32, #tpu.memory_space<vmem>>
        %get3A_536 = tpu.memref_squeeze %get3A_535 : memref<1x40x128xf32, #tpu.memory_space<vmem>> -> memref<40x128xf32, #tpu.memory_space<vmem>>
        %get3A_537 = arith.index_cast %scan3A_286 : i32 to index
        %get3A_538 = arith.constant 112 : index
        %get3A_539 = tpu.vector_load %get3A_536[%get3A_537, %get3A_538] {strides = array<i32>} : memref<40x128xf32, #tpu.memory_space<vmem>>, vector<1x16xf32>,
        %get3A_540 = vector.shape_cast %get3A_539 : vector<1x16xf32> to vector<16xf32>
        %get3A_541 = arith.constant 0 : i32
        %get3A_542 = arith.constant 0 : i32
        %get3A_543 = tpu.memref_slice %arg16[%scan3A_179, %get3A_541, %get3A_542] : memref<2x40x128xf32, #tpu.memory_space<vmem>> -> memref<1x40x128xf32, #tpu.memory_space<vmem>>
        %get3A_544 = tpu.memref_squeeze %get3A_543 : memref<1x40x128xf32, #tpu.memory_space<vmem>> -> memref<40x128xf32, #tpu.memory_space<vmem>>
        %get3A_545 = arith.index_cast %scan3A_286 : i32 to index
        %get3A_546 = arith.constant 112 : index
        %get3A_547 = tpu.vector_load %get3A_544[%get3A_545, %get3A_546] {strides = array<i32>} : memref<40x128xf32, #tpu.memory_space<vmem>>, vector<1x16xf32>,
        %get3A_548 = vector.shape_cast %get3A_547 : vector<1x16xf32> to vector<16xf32>
        %add3A_549 = arith.addf %get3A_540, %get3A_548 : vector<16xf32>
        %slice3A_550 = vector.extract_strided_slice %exp3A {offsets = [7], sizes = [1], strides = [1]} : vector<16xf32> to vector<1xf32>
        %squeeze3A_551 = vector.extract %slice3A_550[0] : f32 from vector<1xf32>
        %mul3A_552 = vector.broadcast %squeeze3A_551 : f32 to vector<16xf32>
        %mul3A_553 = arith.mulf %add3A_549, %mul3A_552 : vector<16xf32>
        %swap3A_554 = arith.constant 0 : i32
        %swap3A_555 = arith.constant 0 : i32
        %swap3A_556 = tpu.memref_slice %arg18[%scan3A_180, %swap3A_554, %swap3A_555] : memref<2x40x128xf32, #tpu.memory_space<vmem>> -> memref<1x40x128xf32, #tpu.memory_space<vmem>>
        %swap3A_557 = tpu.memref_squeeze %swap3A_556 : memref<1x40x128xf32, #tpu.memory_space<vmem>> -> memref<40x128xf32, #tpu.memory_space<vmem>>
        %swap3A_558 = arith.index_cast %scan3A_286 : i32 to index
        %swap3A_559 = arith.constant 112 : index
        %swap3A_560 = tpu.vector_load %swap3A_557[%swap3A_558, %swap3A_559] {strides = array<i32>} : memref<40x128xf32, #tpu.memory_space<vmem>>, vector<1x16xf32>,
        %swap3A_561 = vector.shape_cast %swap3A_560 : vector<1x16xf32> to vector<16xf32>
        %swap3A_562 = vector.shape_cast %mul3A_553 : vector<16xf32> to vector<1x16xf32>
        tpu.vector_store %swap3A_557[%swap3A_558, %swap3A_559], %swap3A_562 {strides = array<i32>} : memref<40x128xf32, #tpu.memory_space<vmem>>, vector<1x16xf32>,
      }
      %scan3A_185 = arith.constant 40 : i32
      %mul3A_186 = arith.constant 40 : i32
      %mul3A_187 = arith.muli %add3A_102, %mul3A_186 : i32
      %add3A_188 = arith.addi %mul3A_2, %mul3A_187 : i32
      %run_scoped3A_189 = arith.constant 0 : i32
      "tpu.region"() ({
        %run_scoped3A_286 = tpu.sem_alloc : memref<!tpu.dma_semaphore, #tpu.memory_space<semaphore_mem>>
        %dma_start3A_287 = arith.constant 0 : i32
        %dma_start3A_288 = arith.constant 0 : i32
        %dma_start3A_289 = tpu.memref_slice %arg17[%run_scoped3A_189, %dma_start3A_287, %dma_start3A_288] : memref<2x40x16xf32, #tpu.memory_space<vmem>> -> memref<1x40x16xf32, #tpu.memory_space<vmem>>
        %dma_start3A_290 = tpu.memref_squeeze %dma_start3A_289 : memref<1x40x16xf32, #tpu.memory_space<vmem>> -> memref<40x16xf32, #tpu.memory_space<vmem>>
        %dma_start3A_291 = arith.constant 0 : i32
        %dma_start3A_292 = tpu.memref_slice %arg9[%add3A_188, %dma_start3A_291] : memref<320000x16xf32, #tpu.memory_space<hbm>> -> memref<40x16xf32, #tpu.memory_space<hbm>>
        %dma_start3A_293 = arith.constant 0 : i32
        %dma_start3A_294 = tpu.memref_slice %arg9[%add3A_188, %dma_start3A_293] : memref<320000x16xf32, #tpu.memory_space<hbm>> -> memref<40x16xf32, #tpu.memory_space<hbm>>
        %dma_start3A_295 = arith.constant 0 : i32
        %dma_start3A_296 = arith.constant 0 : i32
        %dma_start3A_297 = tpu.memref_slice %arg17[%run_scoped3A_189, %dma_start3A_295, %dma_start3A_296] : memref<2x40x16xf32, #tpu.memory_space<vmem>> -> memref<1x40x16xf32, #tpu.memory_space<vmem>>
        %dma_start3A_298 = tpu.memref_squeeze %dma_start3A_297 : memref<1x40x16xf32, #tpu.memory_space<vmem>> -> memref<40x16xf32, #tpu.memory_space<vmem>>
        tpu.enqueue_dma source(%dma_start3A_298 : memref<40x16xf32, #tpu.memory_space<vmem>>) target(%dma_start3A_294 : memref<40x16xf32, #tpu.memory_space<hbm>>) target_semaphore(%run_scoped3A_286 : memref<!tpu.dma_semaphore, #tpu.memory_space<semaphore_mem>>)
        %dma_wait3A_299 = arith.constant 0 : i32
        %dma_wait3A_300 = arith.constant 0 : i32
        %dma_wait3A_301 = tpu.memref_slice %arg17[%run_scoped3A_189, %dma_wait3A_299, %dma_wait3A_300] : memref<2x40x16xf32, #tpu.memory_space<vmem>> -> memref<1x40x16xf32, #tpu.memory_space<vmem>>
        %dma_wait3A_302 = tpu.memref_squeeze %dma_wait3A_301 : memref<1x40x16xf32, #tpu.memory_space<vmem>> -> memref<40x16xf32, #tpu.memory_space<vmem>>
        %dma_wait3A_303 = arith.constant 0 : i32
        %dma_wait3A_304 = tpu.memref_slice %arg9[%add3A_188, %dma_wait3A_303] : memref<320000x16xf32, #tpu.memory_space<hbm>> -> memref<40x16xf32, #tpu.memory_space<hbm>>
        %dma_wait3A_305 = arith.constant 0 : i32
        %dma_wait3A_306 = tpu.memref_slice %arg9[%add3A_188, %dma_wait3A_305] : memref<320000x16xf32, #tpu.memory_space<hbm>> -> memref<40x16xf32, #tpu.memory_space<hbm>>
        %dma_wait3A_307 = arith.constant 0 : i32
        %dma_wait3A_308 = arith.constant 0 : i32
        %dma_wait3A_309 = tpu.memref_slice %arg17[%run_scoped3A_189, %dma_wait3A_307, %dma_wait3A_308] : memref<2x40x16xf32, #tpu.memory_space<vmem>> -> memref<1x40x16xf32, #tpu.memory_space<vmem>>
        %dma_wait3A_310 = tpu.memref_squeeze %dma_wait3A_309 : memref<1x40x16xf32, #tpu.memory_space<vmem>> -> memref<40x16xf32, #tpu.memory_space<vmem>>
        tpu.wait_dma2 semaphore(%run_scoped3A_286 : memref<!tpu.dma_semaphore, #tpu.memory_space<semaphore_mem>>) src(%dma_wait3A_310 : memref<40x16xf32, #tpu.memory_space<vmem>>) dst(%dma_wait3A_306 : memref<40x16xf32, #tpu.memory_space<hbm>>)
        tpu.yield
      }) : () -> ()
      %run_scoped3A_190 = arith.constant 0 : i32
      %run_scoped3A_191 = arith.constant 0 : i32
      "tpu.region"() ({
        %run_scoped3A_286 = tpu.sem_alloc : memref<!tpu.dma_semaphore, #tpu.memory_space<semaphore_mem>>
        %dma_start3A_287 = arith.constant 0 : i32
        %dma_start3A_288 = arith.constant 0 : i32
        %dma_start3A_289 = tpu.memref_slice %arg18[%run_scoped3A_190, %dma_start3A_287, %dma_start3A_288] : memref<2x40x128xf32, #tpu.memory_space<vmem>> -> memref<1x40x128xf32, #tpu.memory_space<vmem>>
        %dma_start3A_290 = tpu.memref_squeeze %dma_start3A_289 : memref<1x40x128xf32, #tpu.memory_space<vmem>> -> memref<40x128xf32, #tpu.memory_space<vmem>>
        %dma_start3A_291 = arith.constant 0 : i32
        %dma_start3A_292 = tpu.memref_slice %arg12[%run_scoped3A_191, %dma_start3A_291] : memref<2x40xi32, #tpu.memory_space<vmem>> -> memref<1x40xi32, #tpu.memory_space<vmem>>
        %dma_start3A_293 = tpu.memref_squeeze %dma_start3A_292 : memref<1x40xi32, #tpu.memory_space<vmem>> -> memref<40xi32, #tpu.memory_space<vmem>>
        %dma_start3A_294 = arith.constant 0 : i32
        %dma_start3A_295 = arith.constant 0 : i32
        %dma_start3A_296 = tpu.memref_slice %arg19[%dma_start3A_294, %dma_start3A_295] : memref<10000x128xf32, #tpu.memory_space<vmem_shared>> -> memref<10000x128xf32, #tpu.memory_space<vmem_shared>>
        tpu.enqueue_indirect_dma source(%dma_start3A_290 : memref<40x128xf32, #tpu.memory_space<vmem>>) target(%dma_start3A_296 : memref<10000x128xf32, #tpu.memory_space<vmem_shared>>) offsets(%dma_start3A_293 : memref<40xi32, #tpu.memory_space<vmem>>) semaphore(%run_scoped3A_286 : memref<!tpu.dma_semaphore, #tpu.memory_space<semaphore_mem>>) {add = true}
        %dma_wait3A_297 = arith.constant 0 : i32
        %dma_wait3A_298 = arith.constant 0 : i32
        %dma_wait3A_299 = tpu.memref_slice %arg18[%run_scoped3A_190, %dma_wait3A_297, %dma_wait3A_298] : memref<2x40x128xf32, #tpu.memory_space<vmem>> -> memref<1x40x128xf32, #tpu.memory_space<vmem>>
        %dma_wait3A_300 = tpu.memref_squeeze %dma_wait3A_299 : memref<1x40x128xf32, #tpu.memory_space<vmem>> -> memref<40x128xf32, #tpu.memory_space<vmem>>
        %dma_wait3A_301 = arith.constant 0 : i32
        %dma_wait3A_302 = tpu.memref_slice %arg12[%run_scoped3A_191, %dma_wait3A_301] : memref<2x40xi32, #tpu.memory_space<vmem>> -> memref<1x40xi32, #tpu.memory_space<vmem>>
        %dma_wait3A_303 = tpu.memref_squeeze %dma_wait3A_302 : memref<1x40xi32, #tpu.memory_space<vmem>> -> memref<40xi32, #tpu.memory_space<vmem>>
        %dma_wait3A_304 = arith.constant 0 : i32
        %dma_wait3A_305 = arith.constant 0 : i32
        %dma_wait3A_306 = tpu.memref_slice %arg19[%dma_wait3A_304, %dma_wait3A_305] : memref<10000x128xf32, #tpu.memory_space<vmem_shared>> -> memref<10000x128xf32, #tpu.memory_space<vmem_shared>>
        tpu.wait_indirect_dma semaphore(%run_scoped3A_286 : memref<!tpu.dma_semaphore, #tpu.memory_space<semaphore_mem>>) src(%dma_wait3A_300 : memref<40x128xf32, #tpu.memory_space<vmem>>) dst(%dma_wait3A_306 : memref<10000x128xf32, #tpu.memory_space<vmem_shared>>)
        tpu.yield
      }) : () -> ()
      %mul3A_192 = arith.constant 2 : i32
      %mul3A_193 = arith.muli %scan3A_98, %mul3A_192 : i32
      %add3A_194 = arith.constant 1 : i32
      %add3A_195 = arith.addi %mul3A_193, %add3A_194 : i32
      %add3A_196 = arith.constant 1 : i32
      %add3A_197 = arith.addi %add3A_195, %add3A_196 : i32
      %lt3A_198 = arith.constant 250 : i32
      %lt3A_199 = arith.cmpi slt, %add3A_197, %lt3A_198 : i32
      %convert_element_type3A_200 = arith.extui %lt3A_199 : i1 to i32
      %cond3A_201 = arith.constant 0 : i32
      %cond3A_202 = arith.cmpi ne, %convert_element_type3A_200, %cond3A_201 : i32
      scf.if %cond3A_202 {
        %add3A_286 = arith.constant 1 : i32
        %add3A_287 = arith.addi %add3A_195, %add3A_286 : i32
        %mul3A_288 = arith.constant 40 : i32
        %mul3A_289 = arith.muli %add3A_287, %mul3A_288 : i32
        %add3A_290 = arith.addi %mul3A_2, %mul3A_289 : i32
        %run_scoped3A_291 = arith.constant 0 : i32
        "tpu.region"() ({
          %run_scoped3A_355 = tpu.sem_alloc : memref<!tpu.dma_semaphore, #tpu.memory_space<semaphore_mem>>
          %dma_start3A_356 = arith.constant 0 : i32
          %dma_start3A_357 = tpu.memref_slice %arg11[%run_scoped3A_291, %dma_start3A_356] : memref<2x40xi32, #tpu.memory_space<vmem>> -> memref<1x40xi32, #tpu.memory_space<vmem>>
          %dma_start3A_358 = tpu.memref_squeeze %dma_start3A_357 : memref<1x40xi32, #tpu.memory_space<vmem>> -> memref<40xi32, #tpu.memory_space<vmem>>
          %dma_start3A_359 = tpu.memref_slice %arg2[%add3A_290] : memref<320000xi32, #tpu.memory_space<hbm>> -> memref<40xi32, #tpu.memory_space<hbm>>
          %dma_start3A_360 = arith.constant 0 : i32
          %dma_start3A_361 = tpu.memref_slice %arg11[%run_scoped3A_291, %dma_start3A_360] : memref<2x40xi32, #tpu.memory_space<vmem>> -> memref<1x40xi32, #tpu.memory_space<vmem>>
          %dma_start3A_362 = tpu.memref_squeeze %dma_start3A_361 : memref<1x40xi32, #tpu.memory_space<vmem>> -> memref<40xi32, #tpu.memory_space<vmem>>
          %dma_start3A_363 = tpu.memref_slice %arg2[%add3A_290] : memref<320000xi32, #tpu.memory_space<hbm>> -> memref<40xi32, #tpu.memory_space<hbm>>
          tpu.enqueue_dma source(%dma_start3A_363 : memref<40xi32, #tpu.memory_space<hbm>>) target(%dma_start3A_362 : memref<40xi32, #tpu.memory_space<vmem>>) target_semaphore(%run_scoped3A_355 : memref<!tpu.dma_semaphore, #tpu.memory_space<semaphore_mem>>)
          %dma_wait3A_364 = arith.constant 0 : i32
          %dma_wait3A_365 = tpu.memref_slice %arg11[%run_scoped3A_291, %dma_wait3A_364] : memref<2x40xi32, #tpu.memory_space<vmem>> -> memref<1x40xi32, #tpu.memory_space<vmem>>
          %dma_wait3A_366 = tpu.memref_squeeze %dma_wait3A_365 : memref<1x40xi32, #tpu.memory_space<vmem>> -> memref<40xi32, #tpu.memory_space<vmem>>
          %dma_wait3A_367 = tpu.memref_slice %arg2[%add3A_290] : memref<320000xi32, #tpu.memory_space<hbm>> -> memref<40xi32, #tpu.memory_space<hbm>>
          %dma_wait3A_368 = arith.constant 0 : i32
          %dma_wait3A_369 = tpu.memref_slice %arg11[%run_scoped3A_291, %dma_wait3A_368] : memref<2x40xi32, #tpu.memory_space<vmem>> -> memref<1x40xi32, #tpu.memory_space<vmem>>
          %dma_wait3A_370 = tpu.memref_squeeze %dma_wait3A_369 : memref<1x40xi32, #tpu.memory_space<vmem>> -> memref<40xi32, #tpu.memory_space<vmem>>
          %dma_wait3A_371 = tpu.memref_slice %arg2[%add3A_290] : memref<320000xi32, #tpu.memory_space<hbm>> -> memref<40xi32, #tpu.memory_space<hbm>>
          tpu.wait_dma2 semaphore(%run_scoped3A_355 : memref<!tpu.dma_semaphore, #tpu.memory_space<semaphore_mem>>) src(%dma_wait3A_371 : memref<40xi32, #tpu.memory_space<hbm>>) dst(%dma_wait3A_370 : memref<40xi32, #tpu.memory_space<vmem>>)
          tpu.yield
        }) : () -> ()
        %run_scoped3A_292 = arith.constant 0 : i32
        "tpu.region"() ({
          %run_scoped3A_355 = tpu.sem_alloc : memref<!tpu.dma_semaphore, #tpu.memory_space<semaphore_mem>>
          %dma_start3A_356 = arith.constant 0 : i32
          %dma_start3A_357 = tpu.memref_slice %arg12[%run_scoped3A_292, %dma_start3A_356] : memref<2x40xi32, #tpu.memory_space<vmem>> -> memref<1x40xi32, #tpu.memory_space<vmem>>
          %dma_start3A_358 = tpu.memref_squeeze %dma_start3A_357 : memref<1x40xi32, #tpu.memory_space<vmem>> -> memref<40xi32, #tpu.memory_space<vmem>>
          %dma_start3A_359 = tpu.memref_slice %arg3[%add3A_290] : memref<320000xi32, #tpu.memory_space<hbm>> -> memref<40xi32, #tpu.memory_space<hbm>>
          %dma_start3A_360 = arith.constant 0 : i32
          %dma_start3A_361 = tpu.memref_slice %arg12[%run_scoped3A_292, %dma_start3A_360] : memref<2x40xi32, #tpu.memory_space<vmem>> -> memref<1x40xi32, #tpu.memory_space<vmem>>
          %dma_start3A_362 = tpu.memref_squeeze %dma_start3A_361 : memref<1x40xi32, #tpu.memory_space<vmem>> -> memref<40xi32, #tpu.memory_space<vmem>>
          %dma_start3A_363 = tpu.memref_slice %arg3[%add3A_290] : memref<320000xi32, #tpu.memory_space<hbm>> -> memref<40xi32, #tpu.memory_space<hbm>>
          tpu.enqueue_dma source(%dma_start3A_363 : memref<40xi32, #tpu.memory_space<hbm>>) target(%dma_start3A_362 : memref<40xi32, #tpu.memory_space<vmem>>) target_semaphore(%run_scoped3A_355 : memref<!tpu.dma_semaphore, #tpu.memory_space<semaphore_mem>>)
          %dma_wait3A_364 = arith.constant 0 : i32
          %dma_wait3A_365 = tpu.memref_slice %arg12[%run_scoped3A_292, %dma_wait3A_364] : memref<2x40xi32, #tpu.memory_space<vmem>> -> memref<1x40xi32, #tpu.memory_space<vmem>>
          %dma_wait3A_366 = tpu.memref_squeeze %dma_wait3A_365 : memref<1x40xi32, #tpu.memory_space<vmem>> -> memref<40xi32, #tpu.memory_space<vmem>>
          %dma_wait3A_367 = tpu.memref_slice %arg3[%add3A_290] : memref<320000xi32, #tpu.memory_space<hbm>> -> memref<40xi32, #tpu.memory_space<hbm>>
          %dma_wait3A_368 = arith.constant 0 : i32
          %dma_wait3A_369 = tpu.memref_slice %arg12[%run_scoped3A_292, %dma_wait3A_368] : memref<2x40xi32, #tpu.memory_space<vmem>> -> memref<1x40xi32, #tpu.memory_space<vmem>>
          %dma_wait3A_370 = tpu.memref_squeeze %dma_wait3A_369 : memref<1x40xi32, #tpu.memory_space<vmem>> -> memref<40xi32, #tpu.memory_space<vmem>>
          %dma_wait3A_371 = tpu.memref_slice %arg3[%add3A_290] : memref<320000xi32, #tpu.memory_space<hbm>> -> memref<40xi32, #tpu.memory_space<hbm>>
          tpu.wait_dma2 semaphore(%run_scoped3A_355 : memref<!tpu.dma_semaphore, #tpu.memory_space<semaphore_mem>>) src(%dma_wait3A_371 : memref<40xi32, #tpu.memory_space<hbm>>) dst(%dma_wait3A_370 : memref<40xi32, #tpu.memory_space<vmem>>)
          tpu.yield
        }) : () -> ()
        %dma_start3A_293 = arith.constant 0 : i32
        %dma_start3A_294 = arith.constant 0 : i32
        %dma_start3A_295 = arith.constant 0 : i32
        %dma_start3A_296 = arith.constant 0 : i32
        %dma_start3A_297 = tpu.memref_slice %arg13[%dma_start3A_294, %dma_start3A_295, %dma_start3A_296] : memref<2x40x128xf32, #tpu.memory_space<vmem>> -> memref<1x40x128xf32, #tpu.memory_space<vmem>>
        %dma_start3A_298 = tpu.memref_squeeze %dma_start3A_297 : memref<1x40x128xf32, #tpu.memory_space<vmem>> -> memref<40x128xf32, #tpu.memory_space<vmem>>
        %dma_start3A_299 = arith.constant 0 : i32
        %dma_start3A_300 = tpu.memref_slice %arg11[%dma_start3A_293, %dma_start3A_299] : memref<2x40xi32, #tpu.memory_space<vmem>> -> memref<1x40xi32, #tpu.memory_space<vmem>>
        %dma_start3A_301 = tpu.memref_squeeze %dma_start3A_300 : memref<1x40xi32, #tpu.memory_space<vmem>> -> memref<40xi32, #tpu.memory_space<vmem>>
        %dma_start3A_302 = arith.constant 0 : i32
        %dma_start3A_303 = arith.constant 0 : i32
        %dma_start3A_304 = tpu.memref_slice %arg4[%dma_start3A_302, %dma_start3A_303] : memref<10000x128xf32, #tpu.memory_space<hbm>> -> memref<10000x128xf32, #tpu.memory_space<hbm>>
        tpu.enqueue_indirect_dma source(%dma_start3A_304 : memref<10000x128xf32, #tpu.memory_space<hbm>>) target(%dma_start3A_298 : memref<40x128xf32, #tpu.memory_space<vmem>>) offsets(%dma_start3A_301 : memref<40xi32, #tpu.memory_space<vmem>>) semaphore(%arg20 : memref<!tpu.dma_semaphore, #tpu.memory_space<semaphore_mem>>)
        %dma_start3A_305 = arith.constant 0 : i32
        %dma_start3A_306 = arith.constant 0 : i32
        %dma_start3A_307 = arith.constant 0 : i32
        %dma_start3A_308 = arith.constant 0 : i32
        %dma_start3A_309 = tpu.memref_slice %arg14[%dma_start3A_306, %dma_start3A_307, %dma_start3A_308] : memref<2x40x16xf32, #tpu.memory_space<vmem>> -> memref<1x40x16xf32, #tpu.memory_space<vmem>>
        %dma_start3A_310 = tpu.memref_squeeze %dma_start3A_309 : memref<1x40x16xf32, #tpu.memory_space<vmem>> -> memref<40x16xf32, #tpu.memory_space<vmem>>
        %dma_start3A_311 = arith.constant 0 : i32
        %dma_start3A_312 = tpu.memref_slice %arg11[%dma_start3A_305, %dma_start3A_311] : memref<2x40xi32, #tpu.memory_space<vmem>> -> memref<1x40xi32, #tpu.memory_space<vmem>>
        %dma_start3A_313 = tpu.memref_squeeze %dma_start3A_312 : memref<1x40xi32, #tpu.memory_space<vmem>> -> memref<40xi32, #tpu.memory_space<vmem>>
        %dma_start3A_314 = arith.constant 0 : i32
        %dma_start3A_315 = arith.constant 0 : i32
        %dma_start3A_316 = tpu.memref_slice %arg5[%dma_start3A_314, %dma_start3A_315] : memref<10000x16xf32, #tpu.memory_space<hbm>> -> memref<10000x16xf32, #tpu.memory_space<hbm>>
        tpu.enqueue_indirect_dma source(%dma_start3A_316 : memref<10000x16xf32, #tpu.memory_space<hbm>>) target(%dma_start3A_310 : memref<40x16xf32, #tpu.memory_space<vmem>>) offsets(%dma_start3A_313 : memref<40xi32, #tpu.memory_space<vmem>>) semaphore(%arg20 : memref<!tpu.dma_semaphore, #tpu.memory_space<semaphore_mem>>)
        %dma_start3A_317 = arith.constant 0 : i32
        %dma_start3A_318 = arith.constant 0 : i32
        %dma_start3A_319 = arith.constant 0 : i32
        %dma_start3A_320 = arith.constant 0 : i32
        %dma_start3A_321 = tpu.memref_slice %arg15[%dma_start3A_318, %dma_start3A_319, %dma_start3A_320] : memref<2x40x16xf32, #tpu.memory_space<vmem>> -> memref<1x40x16xf32, #tpu.memory_space<vmem>>
        %dma_start3A_322 = tpu.memref_squeeze %dma_start3A_321 : memref<1x40x16xf32, #tpu.memory_space<vmem>> -> memref<40x16xf32, #tpu.memory_space<vmem>>
        %dma_start3A_323 = arith.constant 0 : i32
        %dma_start3A_324 = tpu.memref_slice %arg12[%dma_start3A_317, %dma_start3A_323] : memref<2x40xi32, #tpu.memory_space<vmem>> -> memref<1x40xi32, #tpu.memory_space<vmem>>
        %dma_start3A_325 = tpu.memref_squeeze %dma_start3A_324 : memref<1x40xi32, #tpu.memory_space<vmem>> -> memref<40xi32, #tpu.memory_space<vmem>>
        %dma_start3A_326 = arith.constant 0 : i32
        %dma_start3A_327 = arith.constant 0 : i32
        %dma_start3A_328 = tpu.memref_slice %arg6[%dma_start3A_326, %dma_start3A_327] : memref<10000x16xf32, #tpu.memory_space<hbm>> -> memref<10000x16xf32, #tpu.memory_space<hbm>>
        tpu.enqueue_indirect_dma source(%dma_start3A_328 : memref<10000x16xf32, #tpu.memory_space<hbm>>) target(%dma_start3A_322 : memref<40x16xf32, #tpu.memory_space<vmem>>) offsets(%dma_start3A_325 : memref<40xi32, #tpu.memory_space<vmem>>) semaphore(%arg20 : memref<!tpu.dma_semaphore, #tpu.memory_space<semaphore_mem>>)
        %dma_start3A_329 = arith.constant 0 : i32
        %dma_start3A_330 = arith.constant 0 : i32
        %dma_start3A_331 = arith.constant 0 : i32
        %dma_start3A_332 = tpu.memref_slice %arg16[%dma_start3A_329, %dma_start3A_330, %dma_start3A_331] : memref<2x40x128xf32, #tpu.memory_space<vmem>> -> memref<1x40x128xf32, #tpu.memory_space<vmem>>
        %dma_start3A_333 = tpu.memref_squeeze %dma_start3A_332 : memref<1x40x128xf32, #tpu.memory_space<vmem>> -> memref<40x128xf32, #tpu.memory_space<vmem>>
        %dma_start3A_334 = arith.constant 0 : i32
        %dma_start3A_335 = tpu.memref_slice %arg7[%add3A_290, %dma_start3A_334] : memref<320000x128xf32, #tpu.memory_space<hbm>> -> memref<40x128xf32, #tpu.memory_space<hbm>>
        %dma_start3A_336 = arith.constant 0 : i32
        %dma_start3A_337 = arith.constant 0 : i32
        %dma_start3A_338 = tpu.memref_slice %arg16[%dma_start3A_329, %dma_start3A_336, %dma_start3A_337] : memref<2x40x128xf32, #tpu.memory_space<vmem>> -> memref<1x40x128xf32, #tpu.memory_space<vmem>>
        %dma_start3A_339 = tpu.memref_squeeze %dma_start3A_338 : memref<1x40x128xf32, #tpu.memory_space<vmem>> -> memref<40x128xf32, #tpu.memory_space<vmem>>
        %dma_start3A_340 = arith.constant 0 : i32
        %dma_start3A_341 = tpu.memref_slice %arg7[%add3A_290, %dma_start3A_340] : memref<320000x128xf32, #tpu.memory_space<hbm>> -> memref<40x128xf32, #tpu.memory_space<hbm>>
        tpu.enqueue_dma source(%dma_start3A_341 : memref<40x128xf32, #tpu.memory_space<hbm>>) target(%dma_start3A_339 : memref<40x128xf32, #tpu.memory_space<vmem>>) target_semaphore(%arg20 : memref<!tpu.dma_semaphore, #tpu.memory_space<semaphore_mem>>)
        %dma_start3A_342 = arith.constant 0 : i32
        %dma_start3A_343 = arith.constant 0 : i32
        %dma_start3A_344 = arith.constant 0 : i32
        %dma_start3A_345 = tpu.memref_slice %arg17[%dma_start3A_342, %dma_start3A_343, %dma_start3A_344] : memref<2x40x16xf32, #tpu.memory_space<vmem>> -> memref<1x40x16xf32, #tpu.memory_space<vmem>>
        %dma_start3A_346 = tpu.memref_squeeze %dma_start3A_345 : memref<1x40x16xf32, #tpu.memory_space<vmem>> -> memref<40x16xf32, #tpu.memory_space<vmem>>
        %dma_start3A_347 = arith.constant 0 : i32
        %dma_start3A_348 = tpu.memref_slice %arg8[%add3A_290, %dma_start3A_347] : memref<320000x16xf32, #tpu.memory_space<hbm>> -> memref<40x16xf32, #tpu.memory_space<hbm>>
        %dma_start3A_349 = arith.constant 0 : i32
        %dma_start3A_350 = arith.constant 0 : i32
        %dma_start3A_351 = tpu.memref_slice %arg17[%dma_start3A_342, %dma_start3A_349, %dma_start3A_350] : memref<2x40x16xf32, #tpu.memory_space<vmem>> -> memref<1x40x16xf32, #tpu.memory_space<vmem>>
        %dma_start3A_352 = tpu.memref_squeeze %dma_start3A_351 : memref<1x40x16xf32, #tpu.memory_space<vmem>> -> memref<40x16xf32, #tpu.memory_space<vmem>>
        %dma_start3A_353 = arith.constant 0 : i32
        %dma_start3A_354 = tpu.memref_slice %arg8[%add3A_290, %dma_start3A_353] : memref<320000x16xf32, #tpu.memory_space<hbm>> -> memref<40x16xf32, #tpu.memory_space<hbm>>
        tpu.enqueue_dma source(%dma_start3A_354 : memref<40x16xf32, #tpu.memory_space<hbm>>) target(%dma_start3A_352 : memref<40x16xf32, #tpu.memory_space<vmem>>) target_semaphore(%arg20 : memref<!tpu.dma_semaphore, #tpu.memory_space<semaphore_mem>>)
      } else {
      }
      %mul3A_203 = arith.constant 40 : i32
      %mul3A_204 = arith.muli %add3A_195, %mul3A_203 : i32
      %add3A_205 = arith.addi %mul3A_2, %mul3A_204 : i32
      %dma_wait3A_206 = arith.constant 1 : i32
      %dma_wait3A_207 = arith.constant 1 : i32
      %dma_wait3A_208 = arith.constant 0 : i32
      %dma_wait3A_209 = arith.constant 0 : i32
      %dma_wait3A_210 = tpu.memref_slice %arg13[%dma_wait3A_207, %dma_wait3A_208, %dma_wait3A_209] : memref<2x40x128xf32, #tpu.memory_space<vmem>> -> memref<1x40x128xf32, #tpu.memory_space<vmem>>
      %dma_wait3A_211 = tpu.memref_squeeze %dma_wait3A_210 : memref<1x40x128xf32, #tpu.memory_space<vmem>> -> memref<40x128xf32, #tpu.memory_space<vmem>>
      %dma_wait3A_212 = arith.constant 0 : i32
      %dma_wait3A_213 = tpu.memref_slice %arg11[%dma_wait3A_206, %dma_wait3A_212] : memref<2x40xi32, #tpu.memory_space<vmem>> -> memref<1x40xi32, #tpu.memory_space<vmem>>
      %dma_wait3A_214 = tpu.memref_squeeze %dma_wait3A_213 : memref<1x40xi32, #tpu.memory_space<vmem>> -> memref<40xi32, #tpu.memory_space<vmem>>
      %dma_wait3A_215 = arith.constant 0 : i32
      %dma_wait3A_216 = arith.constant 0 : i32
      %dma_wait3A_217 = tpu.memref_slice %arg4[%dma_wait3A_215, %dma_wait3A_216] : memref<10000x128xf32, #tpu.memory_space<hbm>> -> memref<10000x128xf32, #tpu.memory_space<hbm>>
      tpu.wait_indirect_dma semaphore(%arg21 : memref<!tpu.dma_semaphore, #tpu.memory_space<semaphore_mem>>) src(%dma_wait3A_217 : memref<10000x128xf32, #tpu.memory_space<hbm>>) dst(%dma_wait3A_211 : memref<40x128xf32, #tpu.memory_space<vmem>>)
      %dma_wait3A_218 = arith.constant 1 : i32
      %dma_wait3A_219 = arith.constant 1 : i32
      %dma_wait3A_220 = arith.constant 0 : i32
      %dma_wait3A_221 = arith.constant 0 : i32
      %dma_wait3A_222 = tpu.memref_slice %arg14[%dma_wait3A_219, %dma_wait3A_220, %dma_wait3A_221] : memref<2x40x16xf32, #tpu.memory_space<vmem>> -> memref<1x40x16xf32, #tpu.memory_space<vmem>>
      %dma_wait3A_223 = tpu.memref_squeeze %dma_wait3A_222 : memref<1x40x16xf32, #tpu.memory_space<vmem>> -> memref<40x16xf32, #tpu.memory_space<vmem>>
      %dma_wait3A_224 = arith.constant 0 : i32
      %dma_wait3A_225 = tpu.memref_slice %arg11[%dma_wait3A_218, %dma_wait3A_224] : memref<2x40xi32, #tpu.memory_space<vmem>> -> memref<1x40xi32, #tpu.memory_space<vmem>>
      %dma_wait3A_226 = tpu.memref_squeeze %dma_wait3A_225 : memref<1x40xi32, #tpu.memory_space<vmem>> -> memref<40xi32, #tpu.memory_space<vmem>>
      %dma_wait3A_227 = arith.constant 0 : i32
      %dma_wait3A_228 = arith.constant 0 : i32
      %dma_wait3A_229 = tpu.memref_slice %arg5[%dma_wait3A_227, %dma_wait3A_228] : memref<10000x16xf32, #tpu.memory_space<hbm>> -> memref<10000x16xf32, #tpu.memory_space<hbm>>
      tpu.wait_indirect_dma semaphore(%arg21 : memref<!tpu.dma_semaphore, #tpu.memory_space<semaphore_mem>>) src(%dma_wait3A_229 : memref<10000x16xf32, #tpu.memory_space<hbm>>) dst(%dma_wait3A_223 : memref<40x16xf32, #tpu.memory_space<vmem>>)
      %dma_wait3A_230 = arith.constant 1 : i32
      %dma_wait3A_231 = arith.constant 1 : i32
      %dma_wait3A_232 = arith.constant 0 : i32
      %dma_wait3A_233 = arith.constant 0 : i32
      %dma_wait3A_234 = tpu.memref_slice %arg15[%dma_wait3A_231, %dma_wait3A_232, %dma_wait3A_233] : memref<2x40x16xf32, #tpu.memory_space<vmem>> -> memref<1x40x16xf32, #tpu.memory_space<vmem>>
      %dma_wait3A_235 = tpu.memref_squeeze %dma_wait3A_234 : memref<1x40x16xf32, #tpu.memory_space<vmem>> -> memref<40x16xf32, #tpu.memory_space<vmem>>
      %dma_wait3A_236 = arith.constant 0 : i32
      %dma_wait3A_237 = tpu.memref_slice %arg12[%dma_wait3A_230, %dma_wait3A_236] : memref<2x40xi32, #tpu.memory_space<vmem>> -> memref<1x40xi32, #tpu.memory_space<vmem>>
      %dma_wait3A_238 = tpu.memref_squeeze %dma_wait3A_237 : memref<1x40xi32, #tpu.memory_space<vmem>> -> memref<40xi32, #tpu.memory_space<vmem>>
      %dma_wait3A_239 = arith.constant 0 : i32
      %dma_wait3A_240 = arith.constant 0 : i32
      %dma_wait3A_241 = tpu.memref_slice %arg6[%dma_wait3A_239, %dma_wait3A_240] : memref<10000x16xf32, #tpu.memory_space<hbm>> -> memref<10000x16xf32, #tpu.memory_space<hbm>>
      tpu.wait_indirect_dma semaphore(%arg21 : memref<!tpu.dma_semaphore, #tpu.memory_space<semaphore_mem>>) src(%dma_wait3A_241 : memref<10000x16xf32, #tpu.memory_space<hbm>>) dst(%dma_wait3A_235 : memref<40x16xf32, #tpu.memory_space<vmem>>)
      %dma_wait3A_242 = arith.constant 1 : i32
      %dma_wait3A_243 = arith.constant 0 : i32
      %dma_wait3A_244 = arith.constant 0 : i32
      %dma_wait3A_245 = tpu.memref_slice %arg16[%dma_wait3A_242, %dma_wait3A_243, %dma_wait3A_244] : memref<2x40x128xf32, #tpu.memory_space<vmem>> -> memref<1x40x128xf32, #tpu.memory_space<vmem>>
      %dma_wait3A_246 = tpu.memref_squeeze %dma_wait3A_245 : memref<1x40x128xf32, #tpu.memory_space<vmem>> -> memref<40x128xf32, #tpu.memory_space<vmem>>
      %dma_wait3A_247 = arith.constant 0 : i32
      %dma_wait3A_248 = tpu.memref_slice %arg7[%add3A_205, %dma_wait3A_247] : memref<320000x128xf32, #tpu.memory_space<hbm>> -> memref<40x128xf32, #tpu.memory_space<hbm>>
      %dma_wait3A_249 = arith.constant 0 : i32
      %dma_wait3A_250 = arith.constant 0 : i32
      %dma_wait3A_251 = tpu.memref_slice %arg16[%dma_wait3A_242, %dma_wait3A_249, %dma_wait3A_250] : memref<2x40x128xf32, #tpu.memory_space<vmem>> -> memref<1x40x128xf32, #tpu.memory_space<vmem>>
      %dma_wait3A_252 = tpu.memref_squeeze %dma_wait3A_251 : memref<1x40x128xf32, #tpu.memory_space<vmem>> -> memref<40x128xf32, #tpu.memory_space<vmem>>
      %dma_wait3A_253 = arith.constant 0 : i32
      %dma_wait3A_254 = tpu.memref_slice %arg7[%add3A_205, %dma_wait3A_253] : memref<320000x128xf32, #tpu.memory_space<hbm>> -> memref<40x128xf32, #tpu.memory_space<hbm>>
      tpu.wait_dma2 semaphore(%arg21 : memref<!tpu.dma_semaphore, #tpu.memory_space<semaphore_mem>>) src(%dma_wait3A_254 : memref<40x128xf32, #tpu.memory_space<hbm>>) dst(%dma_wait3A_252 : memref<40x128xf32, #tpu.memory_space<vmem>>)
      %dma_wait3A_255 = arith.constant 1 : i32
      %dma_wait3A_256 = arith.constant 0 : i32
      %dma_wait3A_257 = arith.constant 0 : i32
      %dma_wait3A_258 = tpu.memref_slice %arg17[%dma_wait3A_255, %dma_wait3A_256, %dma_wait3A_257] : memref<2x40x16xf32, #tpu.memory_space<vmem>> -> memref<1x40x16xf32, #tpu.memory_space<vmem>>
      %dma_wait3A_259 = tpu.memref_squeeze %dma_wait3A_258 : memref<1x40x16xf32, #tpu.memory_space<vmem>> -> memref<40x16xf32, #tpu.memory_space<vmem>>
      %dma_wait3A_260 = arith.constant 0 : i32
      %dma_wait3A_261 = tpu.memref_slice %arg8[%add3A_205, %dma_wait3A_260] : memref<320000x16xf32, #tpu.memory_space<hbm>> -> memref<40x16xf32, #tpu.memory_space<hbm>>
      %dma_wait3A_262 = arith.constant 0 : i32
      %dma_wait3A_263 = arith.constant 0 : i32
      %dma_wait3A_264 = tpu.memref_slice %arg17[%dma_wait3A_255, %dma_wait3A_262, %dma_wait3A_263] : memref<2x40x16xf32, #tpu.memory_space<vmem>> -> memref<1x40x16xf32, #tpu.memory_space<vmem>>
      %dma_wait3A_265 = tpu.memref_squeeze %dma_wait3A_264 : memref<1x40x16xf32, #tpu.memory_space<vmem>> -> memref<40x16xf32, #tpu.memory_space<vmem>>
      %dma_wait3A_266 = arith.constant 0 : i32
      %dma_wait3A_267 = tpu.memref_slice %arg8[%add3A_205, %dma_wait3A_266] : memref<320000x16xf32, #tpu.memory_space<hbm>> -> memref<40x16xf32, #tpu.memory_space<hbm>>
      tpu.wait_dma2 semaphore(%arg21 : memref<!tpu.dma_semaphore, #tpu.memory_space<semaphore_mem>>) src(%dma_wait3A_267 : memref<40x16xf32, #tpu.memory_space<hbm>>) dst(%dma_wait3A_265 : memref<40x16xf32, #tpu.memory_space<vmem>>)
      %scan3A_268 = arith.constant 0 : i32
      %scan3A_269 = arith.constant 1 : i32
      %scan3A_270 = arith.constant 1 : i32
      %scan3A_271 = arith.constant 1 : i32
      %scan3A_272 = arith.constant 1 : i32
      %scan3A_273 = arith.constant 1 : i32
      %scan3A_274 = arith.constant 1 : i32
      %scan3A_275 = arith.constant 0 : i32
      %scan3A_276 = arith.constant 40 : i32
      %scan3A_277 = arith.addi %scan3A_275, %scan3A_276 : i32
      %scan3A_278 = arith.constant 1 : i32
      scf.for %scan3A_286 = %scan3A_275 to %scan3A_277 step %scan3A_278  : i32 {
        %get3A = arith.constant 0 : i32
        %get3A_287 = arith.constant 0 : i32
        %get3A_288 = tpu.memref_slice %arg14[%scan3A_269, %get3A, %get3A_287] : memref<2x40x16xf32, #tpu.memory_space<vmem>> -> memref<1x40x16xf32, #tpu.memory_space<vmem>>
        %get3A_289 = tpu.memref_squeeze %get3A_288 : memref<1x40x16xf32, #tpu.memory_space<vmem>> -> memref<40x16xf32, #tpu.memory_space<vmem>>
        %get3A_290 = arith.index_cast %scan3A_286 : i32 to index
        %get3A_291 = arith.constant 0 : index
        %get3A_292 = tpu.vector_load %get3A_289[%get3A_290, %get3A_291] {strides = array<i32>} : memref<40x16xf32, #tpu.memory_space<vmem>>, vector<1x16xf32>,
        %get3A_293 = vector.shape_cast %get3A_292 : vector<1x16xf32> to vector<16xf32>
        %get3A_294 = arith.constant 0 : i32
        %get3A_295 = arith.constant 0 : i32
        %get3A_296 = tpu.memref_slice %arg15[%scan3A_270, %get3A_294, %get3A_295] : memref<2x40x16xf32, #tpu.memory_space<vmem>> -> memref<1x40x16xf32, #tpu.memory_space<vmem>>
        %get3A_297 = tpu.memref_squeeze %get3A_296 : memref<1x40x16xf32, #tpu.memory_space<vmem>> -> memref<40x16xf32, #tpu.memory_space<vmem>>
        %get3A_298 = arith.index_cast %scan3A_286 : i32 to index
        %get3A_299 = arith.constant 0 : index
        %get3A_300 = tpu.vector_load %get3A_297[%get3A_298, %get3A_299] {strides = array<i32>} : memref<40x16xf32, #tpu.memory_space<vmem>>, vector<1x16xf32>,
        %get3A_301 = vector.shape_cast %get3A_300 : vector<1x16xf32> to vector<16xf32>
        %add3A_302 = arith.addf %get3A_293, %get3A_301 : vector<16xf32>
        %get3A_303 = arith.constant 0 : i32
        %get3A_304 = arith.constant 0 : i32
        %get3A_305 = tpu.memref_slice %arg17[%scan3A_271, %get3A_303, %get3A_304] : memref<2x40x16xf32, #tpu.memory_space<vmem>> -> memref<1x40x16xf32, #tpu.memory_space<vmem>>
        %get3A_306 = tpu.memref_squeeze %get3A_305 : memref<1x40x16xf32, #tpu.memory_space<vmem>> -> memref<40x16xf32, #tpu.memory_space<vmem>>
        %get3A_307 = arith.index_cast %scan3A_286 : i32 to index
        %get3A_308 = arith.constant 0 : index
        %get3A_309 = tpu.vector_load %get3A_306[%get3A_307, %get3A_308] {strides = array<i32>} : memref<40x16xf32, #tpu.memory_space<vmem>>, vector<1x16xf32>,
        %get3A_310 = vector.shape_cast %get3A_309 : vector<1x16xf32> to vector<16xf32>
        %add3A_311 = arith.addf %add3A_302, %get3A_310 : vector<16xf32>
        %ge3A = arith.constant 0.000000e+00 : f32
        %ge3A_312 = vector.broadcast %ge3A : f32 to vector<16xf32>
        %ge3A_313 = arith.cmpf oge, %add3A_311, %ge3A_312 : vector<16xf32>
        %mul3A_314 = arith.constant 0.00999999977 : f32
        %mul3A_315 = vector.broadcast %mul3A_314 : f32 to vector<16xf32>
        %mul3A_316 = arith.mulf %add3A_311, %mul3A_315 : vector<16xf32>
        %select_n3A = arith.select %ge3A_313, %add3A_311, %mul3A_316 : vector<16xi1>, vector<16xf32>
        %exp3A = math.exp %select_n3A : vector<16xf32>
        %swap3A = arith.constant 0 : i32
        %swap3A_317 = arith.constant 0 : i32
        %swap3A_318 = tpu.memref_slice %arg17[%scan3A_271, %swap3A, %swap3A_317] : memref<2x40x16xf32, #tpu.memory_space<vmem>> -> memref<1x40x16xf32, #tpu.memory_space<vmem>>
        %swap3A_319 = tpu.memref_squeeze %swap3A_318 : memref<1x40x16xf32, #tpu.memory_space<vmem>> -> memref<40x16xf32, #tpu.memory_space<vmem>>
        %swap3A_320 = arith.index_cast %scan3A_286 : i32 to index
        %swap3A_321 = arith.constant 0 : index
        %swap3A_322 = tpu.vector_load %swap3A_319[%swap3A_320, %swap3A_321] {strides = array<i32>} : memref<40x16xf32, #tpu.memory_space<vmem>>, vector<1x16xf32>,
        %swap3A_323 = vector.shape_cast %swap3A_322 : vector<1x16xf32> to vector<16xf32>
        %swap3A_324 = vector.shape_cast %exp3A : vector<16xf32> to vector<1x16xf32>
        tpu.vector_store %swap3A_319[%swap3A_320, %swap3A_321], %swap3A_324 {strides = array<i32>} : memref<40x16xf32, #tpu.memory_space<vmem>>, vector<1x16xf32>,
        %get3A_325 = arith.constant 0 : i32
        %get3A_326 = arith.constant 0 : i32
        %get3A_327 = tpu.memref_slice %arg13[%scan3A_272, %get3A_325, %get3A_326] : memref<2x40x128xf32, #tpu.memory_space<vmem>> -> memref<1x40x128xf32, #tpu.memory_space<vmem>>
        %get3A_328 = tpu.memref_squeeze %get3A_327 : memref<1x40x128xf32, #tpu.memory_space<vmem>> -> memref<40x128xf32, #tpu.memory_space<vmem>>
        %get3A_329 = arith.index_cast %scan3A_286 : i32 to index
        %get3A_330 = arith.constant 0 : index
        %get3A_331 = tpu.vector_load %get3A_328[%get3A_329, %get3A_330] {strides = array<i32>} : memref<40x128xf32, #tpu.memory_space<vmem>>, vector<1x16xf32>,
        %get3A_332 = vector.shape_cast %get3A_331 : vector<1x16xf32> to vector<16xf32>
        %get3A_333 = arith.constant 0 : i32
        %get3A_334 = arith.constant 0 : i32
        %get3A_335 = tpu.memref_slice %arg16[%scan3A_273, %get3A_333, %get3A_334] : memref<2x40x128xf32, #tpu.memory_space<vmem>> -> memref<1x40x128xf32, #tpu.memory_space<vmem>>
        %get3A_336 = tpu.memref_squeeze %get3A_335 : memref<1x40x128xf32, #tpu.memory_space<vmem>> -> memref<40x128xf32, #tpu.memory_space<vmem>>
        %get3A_337 = arith.index_cast %scan3A_286 : i32 to index
        %get3A_338 = arith.constant 0 : index
        %get3A_339 = tpu.vector_load %get3A_336[%get3A_337, %get3A_338] {strides = array<i32>} : memref<40x128xf32, #tpu.memory_space<vmem>>, vector<1x16xf32>,
        %get3A_340 = vector.shape_cast %get3A_339 : vector<1x16xf32> to vector<16xf32>
        %add3A_341 = arith.addf %get3A_332, %get3A_340 : vector<16xf32>
        %slice3A = vector.extract_strided_slice %exp3A {offsets = [0], sizes = [1], strides = [1]} : vector<16xf32> to vector<1xf32>
        %squeeze3A = vector.extract %slice3A[0] : f32 from vector<1xf32>
        %mul3A_342 = vector.broadcast %squeeze3A : f32 to vector<16xf32>
        %mul3A_343 = arith.mulf %add3A_341, %mul3A_342 : vector<16xf32>
        %swap3A_344 = arith.constant 0 : i32
        %swap3A_345 = arith.constant 0 : i32
        %swap3A_346 = tpu.memref_slice %arg18[%scan3A_274, %swap3A_344, %swap3A_345] : memref<2x40x128xf32, #tpu.memory_space<vmem>> -> memref<1x40x128xf32, #tpu.memory_space<vmem>>
        %swap3A_347 = tpu.memref_squeeze %swap3A_346 : memref<1x40x128xf32, #tpu.memory_space<vmem>> -> memref<40x128xf32, #tpu.memory_space<vmem>>
        %swap3A_348 = arith.index_cast %scan3A_286 : i32 to index
        %swap3A_349 = arith.constant 0 : index
        %swap3A_350 = tpu.vector_load %swap3A_347[%swap3A_348, %swap3A_349] {strides = array<i32>} : memref<40x128xf32, #tpu.memory_space<vmem>>, vector<1x16xf32>,
        %swap3A_351 = vector.shape_cast %swap3A_350 : vector<1x16xf32> to vector<16xf32>
        %swap3A_352 = vector.shape_cast %mul3A_343 : vector<16xf32> to vector<1x16xf32>
        tpu.vector_store %swap3A_347[%swap3A_348, %swap3A_349], %swap3A_352 {strides = array<i32>} : memref<40x128xf32, #tpu.memory_space<vmem>>, vector<1x16xf32>,
        %get3A_353 = arith.constant 0 : i32
        %get3A_354 = arith.constant 0 : i32
        %get3A_355 = tpu.memref_slice %arg13[%scan3A_272, %get3A_353, %get3A_354] : memref<2x40x128xf32, #tpu.memory_space<vmem>> -> memref<1x40x128xf32, #tpu.memory_space<vmem>>
        %get3A_356 = tpu.memref_squeeze %get3A_355 : memref<1x40x128xf32, #tpu.memory_space<vmem>> -> memref<40x128xf32, #tpu.memory_space<vmem>>
        %get3A_357 = arith.index_cast %scan3A_286 : i32 to index
        %get3A_358 = arith.constant 16 : index
        %get3A_359 = tpu.vector_load %get3A_356[%get3A_357, %get3A_358] {strides = array<i32>} : memref<40x128xf32, #tpu.memory_space<vmem>>, vector<1x16xf32>,
        %get3A_360 = vector.shape_cast %get3A_359 : vector<1x16xf32> to vector<16xf32>
        %get3A_361 = arith.constant 0 : i32
        %get3A_362 = arith.constant 0 : i32
        %get3A_363 = tpu.memref_slice %arg16[%scan3A_273, %get3A_361, %get3A_362] : memref<2x40x128xf32, #tpu.memory_space<vmem>> -> memref<1x40x128xf32, #tpu.memory_space<vmem>>
        %get3A_364 = tpu.memref_squeeze %get3A_363 : memref<1x40x128xf32, #tpu.memory_space<vmem>> -> memref<40x128xf32, #tpu.memory_space<vmem>>
        %get3A_365 = arith.index_cast %scan3A_286 : i32 to index
        %get3A_366 = arith.constant 16 : index
        %get3A_367 = tpu.vector_load %get3A_364[%get3A_365, %get3A_366] {strides = array<i32>} : memref<40x128xf32, #tpu.memory_space<vmem>>, vector<1x16xf32>,
        %get3A_368 = vector.shape_cast %get3A_367 : vector<1x16xf32> to vector<16xf32>
        %add3A_369 = arith.addf %get3A_360, %get3A_368 : vector<16xf32>
        %slice3A_370 = vector.extract_strided_slice %exp3A {offsets = [1], sizes = [1], strides = [1]} : vector<16xf32> to vector<1xf32>
        %squeeze3A_371 = vector.extract %slice3A_370[0] : f32 from vector<1xf32>
        %mul3A_372 = vector.broadcast %squeeze3A_371 : f32 to vector<16xf32>
        %mul3A_373 = arith.mulf %add3A_369, %mul3A_372 : vector<16xf32>
        %swap3A_374 = arith.constant 0 : i32
        %swap3A_375 = arith.constant 0 : i32
        %swap3A_376 = tpu.memref_slice %arg18[%scan3A_274, %swap3A_374, %swap3A_375] : memref<2x40x128xf32, #tpu.memory_space<vmem>> -> memref<1x40x128xf32, #tpu.memory_space<vmem>>
        %swap3A_377 = tpu.memref_squeeze %swap3A_376 : memref<1x40x128xf32, #tpu.memory_space<vmem>> -> memref<40x128xf32, #tpu.memory_space<vmem>>
        %swap3A_378 = arith.index_cast %scan3A_286 : i32 to index
        %swap3A_379 = arith.constant 16 : index
        %swap3A_380 = tpu.vector_load %swap3A_377[%swap3A_378, %swap3A_379] {strides = array<i32>} : memref<40x128xf32, #tpu.memory_space<vmem>>, vector<1x16xf32>,
        %swap3A_381 = vector.shape_cast %swap3A_380 : vector<1x16xf32> to vector<16xf32>
        %swap3A_382 = vector.shape_cast %mul3A_373 : vector<16xf32> to vector<1x16xf32>
        tpu.vector_store %swap3A_377[%swap3A_378, %swap3A_379], %swap3A_382 {strides = array<i32>} : memref<40x128xf32, #tpu.memory_space<vmem>>, vector<1x16xf32>,
        %get3A_383 = arith.constant 0 : i32
        %get3A_384 = arith.constant 0 : i32
        %get3A_385 = tpu.memref_slice %arg13[%scan3A_272, %get3A_383, %get3A_384] : memref<2x40x128xf32, #tpu.memory_space<vmem>> -> memref<1x40x128xf32, #tpu.memory_space<vmem>>
        %get3A_386 = tpu.memref_squeeze %get3A_385 : memref<1x40x128xf32, #tpu.memory_space<vmem>> -> memref<40x128xf32, #tpu.memory_space<vmem>>
        %get3A_387 = arith.index_cast %scan3A_286 : i32 to index
        %get3A_388 = arith.constant 32 : index
        %get3A_389 = tpu.vector_load %get3A_386[%get3A_387, %get3A_388] {strides = array<i32>} : memref<40x128xf32, #tpu.memory_space<vmem>>, vector<1x16xf32>,
        %get3A_390 = vector.shape_cast %get3A_389 : vector<1x16xf32> to vector<16xf32>
        %get3A_391 = arith.constant 0 : i32
        %get3A_392 = arith.constant 0 : i32
        %get3A_393 = tpu.memref_slice %arg16[%scan3A_273, %get3A_391, %get3A_392] : memref<2x40x128xf32, #tpu.memory_space<vmem>> -> memref<1x40x128xf32, #tpu.memory_space<vmem>>
        %get3A_394 = tpu.memref_squeeze %get3A_393 : memref<1x40x128xf32, #tpu.memory_space<vmem>> -> memref<40x128xf32, #tpu.memory_space<vmem>>
        %get3A_395 = arith.index_cast %scan3A_286 : i32 to index
        %get3A_396 = arith.constant 32 : index
        %get3A_397 = tpu.vector_load %get3A_394[%get3A_395, %get3A_396] {strides = array<i32>} : memref<40x128xf32, #tpu.memory_space<vmem>>, vector<1x16xf32>,
        %get3A_398 = vector.shape_cast %get3A_397 : vector<1x16xf32> to vector<16xf32>
        %add3A_399 = arith.addf %get3A_390, %get3A_398 : vector<16xf32>
        %slice3A_400 = vector.extract_strided_slice %exp3A {offsets = [2], sizes = [1], strides = [1]} : vector<16xf32> to vector<1xf32>
        %squeeze3A_401 = vector.extract %slice3A_400[0] : f32 from vector<1xf32>
        %mul3A_402 = vector.broadcast %squeeze3A_401 : f32 to vector<16xf32>
        %mul3A_403 = arith.mulf %add3A_399, %mul3A_402 : vector<16xf32>
        %swap3A_404 = arith.constant 0 : i32
        %swap3A_405 = arith.constant 0 : i32
        %swap3A_406 = tpu.memref_slice %arg18[%scan3A_274, %swap3A_404, %swap3A_405] : memref<2x40x128xf32, #tpu.memory_space<vmem>> -> memref<1x40x128xf32, #tpu.memory_space<vmem>>
        %swap3A_407 = tpu.memref_squeeze %swap3A_406 : memref<1x40x128xf32, #tpu.memory_space<vmem>> -> memref<40x128xf32, #tpu.memory_space<vmem>>
        %swap3A_408 = arith.index_cast %scan3A_286 : i32 to index
        %swap3A_409 = arith.constant 32 : index
        %swap3A_410 = tpu.vector_load %swap3A_407[%swap3A_408, %swap3A_409] {strides = array<i32>} : memref<40x128xf32, #tpu.memory_space<vmem>>, vector<1x16xf32>,
        %swap3A_411 = vector.shape_cast %swap3A_410 : vector<1x16xf32> to vector<16xf32>
        %swap3A_412 = vector.shape_cast %mul3A_403 : vector<16xf32> to vector<1x16xf32>
        tpu.vector_store %swap3A_407[%swap3A_408, %swap3A_409], %swap3A_412 {strides = array<i32>} : memref<40x128xf32, #tpu.memory_space<vmem>>, vector<1x16xf32>,
        %get3A_413 = arith.constant 0 : i32
        %get3A_414 = arith.constant 0 : i32
        %get3A_415 = tpu.memref_slice %arg13[%scan3A_272, %get3A_413, %get3A_414] : memref<2x40x128xf32, #tpu.memory_space<vmem>> -> memref<1x40x128xf32, #tpu.memory_space<vmem>>
        %get3A_416 = tpu.memref_squeeze %get3A_415 : memref<1x40x128xf32, #tpu.memory_space<vmem>> -> memref<40x128xf32, #tpu.memory_space<vmem>>
        %get3A_417 = arith.index_cast %scan3A_286 : i32 to index
        %get3A_418 = arith.constant 48 : index
        %get3A_419 = tpu.vector_load %get3A_416[%get3A_417, %get3A_418] {strides = array<i32>} : memref<40x128xf32, #tpu.memory_space<vmem>>, vector<1x16xf32>,
        %get3A_420 = vector.shape_cast %get3A_419 : vector<1x16xf32> to vector<16xf32>
        %get3A_421 = arith.constant 0 : i32
        %get3A_422 = arith.constant 0 : i32
        %get3A_423 = tpu.memref_slice %arg16[%scan3A_273, %get3A_421, %get3A_422] : memref<2x40x128xf32, #tpu.memory_space<vmem>> -> memref<1x40x128xf32, #tpu.memory_space<vmem>>
        %get3A_424 = tpu.memref_squeeze %get3A_423 : memref<1x40x128xf32, #tpu.memory_space<vmem>> -> memref<40x128xf32, #tpu.memory_space<vmem>>
        %get3A_425 = arith.index_cast %scan3A_286 : i32 to index
        %get3A_426 = arith.constant 48 : index
        %get3A_427 = tpu.vector_load %get3A_424[%get3A_425, %get3A_426] {strides = array<i32>} : memref<40x128xf32, #tpu.memory_space<vmem>>, vector<1x16xf32>,
        %get3A_428 = vector.shape_cast %get3A_427 : vector<1x16xf32> to vector<16xf32>
        %add3A_429 = arith.addf %get3A_420, %get3A_428 : vector<16xf32>
        %slice3A_430 = vector.extract_strided_slice %exp3A {offsets = [3], sizes = [1], strides = [1]} : vector<16xf32> to vector<1xf32>
        %squeeze3A_431 = vector.extract %slice3A_430[0] : f32 from vector<1xf32>
        %mul3A_432 = vector.broadcast %squeeze3A_431 : f32 to vector<16xf32>
        %mul3A_433 = arith.mulf %add3A_429, %mul3A_432 : vector<16xf32>
        %swap3A_434 = arith.constant 0 : i32
        %swap3A_435 = arith.constant 0 : i32
        %swap3A_436 = tpu.memref_slice %arg18[%scan3A_274, %swap3A_434, %swap3A_435] : memref<2x40x128xf32, #tpu.memory_space<vmem>> -> memref<1x40x128xf32, #tpu.memory_space<vmem>>
        %swap3A_437 = tpu.memref_squeeze %swap3A_436 : memref<1x40x128xf32, #tpu.memory_space<vmem>> -> memref<40x128xf32, #tpu.memory_space<vmem>>
        %swap3A_438 = arith.index_cast %scan3A_286 : i32 to index
        %swap3A_439 = arith.constant 48 : index
        %swap3A_440 = tpu.vector_load %swap3A_437[%swap3A_438, %swap3A_439] {strides = array<i32>} : memref<40x128xf32, #tpu.memory_space<vmem>>, vector<1x16xf32>,
        %swap3A_441 = vector.shape_cast %swap3A_440 : vector<1x16xf32> to vector<16xf32>
        %swap3A_442 = vector.shape_cast %mul3A_433 : vector<16xf32> to vector<1x16xf32>
        tpu.vector_store %swap3A_437[%swap3A_438, %swap3A_439], %swap3A_442 {strides = array<i32>} : memref<40x128xf32, #tpu.memory_space<vmem>>, vector<1x16xf32>,
        %get3A_443 = arith.constant 0 : i32
        %get3A_444 = arith.constant 0 : i32
        %get3A_445 = tpu.memref_slice %arg13[%scan3A_272, %get3A_443, %get3A_444] : memref<2x40x128xf32, #tpu.memory_space<vmem>> -> memref<1x40x128xf32, #tpu.memory_space<vmem>>
        %get3A_446 = tpu.memref_squeeze %get3A_445 : memref<1x40x128xf32, #tpu.memory_space<vmem>> -> memref<40x128xf32, #tpu.memory_space<vmem>>
        %get3A_447 = arith.index_cast %scan3A_286 : i32 to index
        %get3A_448 = arith.constant 64 : index
        %get3A_449 = tpu.vector_load %get3A_446[%get3A_447, %get3A_448] {strides = array<i32>} : memref<40x128xf32, #tpu.memory_space<vmem>>, vector<1x16xf32>,
        %get3A_450 = vector.shape_cast %get3A_449 : vector<1x16xf32> to vector<16xf32>
        %get3A_451 = arith.constant 0 : i32
        %get3A_452 = arith.constant 0 : i32
        %get3A_453 = tpu.memref_slice %arg16[%scan3A_273, %get3A_451, %get3A_452] : memref<2x40x128xf32, #tpu.memory_space<vmem>> -> memref<1x40x128xf32, #tpu.memory_space<vmem>>
        %get3A_454 = tpu.memref_squeeze %get3A_453 : memref<1x40x128xf32, #tpu.memory_space<vmem>> -> memref<40x128xf32, #tpu.memory_space<vmem>>
        %get3A_455 = arith.index_cast %scan3A_286 : i32 to index
        %get3A_456 = arith.constant 64 : index
        %get3A_457 = tpu.vector_load %get3A_454[%get3A_455, %get3A_456] {strides = array<i32>} : memref<40x128xf32, #tpu.memory_space<vmem>>, vector<1x16xf32>,
        %get3A_458 = vector.shape_cast %get3A_457 : vector<1x16xf32> to vector<16xf32>
        %add3A_459 = arith.addf %get3A_450, %get3A_458 : vector<16xf32>
        %slice3A_460 = vector.extract_strided_slice %exp3A {offsets = [4], sizes = [1], strides = [1]} : vector<16xf32> to vector<1xf32>
        %squeeze3A_461 = vector.extract %slice3A_460[0] : f32 from vector<1xf32>
        %mul3A_462 = vector.broadcast %squeeze3A_461 : f32 to vector<16xf32>
        %mul3A_463 = arith.mulf %add3A_459, %mul3A_462 : vector<16xf32>
        %swap3A_464 = arith.constant 0 : i32
        %swap3A_465 = arith.constant 0 : i32
        %swap3A_466 = tpu.memref_slice %arg18[%scan3A_274, %swap3A_464, %swap3A_465] : memref<2x40x128xf32, #tpu.memory_space<vmem>> -> memref<1x40x128xf32, #tpu.memory_space<vmem>>
        %swap3A_467 = tpu.memref_squeeze %swap3A_466 : memref<1x40x128xf32, #tpu.memory_space<vmem>> -> memref<40x128xf32, #tpu.memory_space<vmem>>
        %swap3A_468 = arith.index_cast %scan3A_286 : i32 to index
        %swap3A_469 = arith.constant 64 : index
        %swap3A_470 = tpu.vector_load %swap3A_467[%swap3A_468, %swap3A_469] {strides = array<i32>} : memref<40x128xf32, #tpu.memory_space<vmem>>, vector<1x16xf32>,
        %swap3A_471 = vector.shape_cast %swap3A_470 : vector<1x16xf32> to vector<16xf32>
        %swap3A_472 = vector.shape_cast %mul3A_463 : vector<16xf32> to vector<1x16xf32>
        tpu.vector_store %swap3A_467[%swap3A_468, %swap3A_469], %swap3A_472 {strides = array<i32>} : memref<40x128xf32, #tpu.memory_space<vmem>>, vector<1x16xf32>,
        %get3A_473 = arith.constant 0 : i32
        %get3A_474 = arith.constant 0 : i32
        %get3A_475 = tpu.memref_slice %arg13[%scan3A_272, %get3A_473, %get3A_474] : memref<2x40x128xf32, #tpu.memory_space<vmem>> -> memref<1x40x128xf32, #tpu.memory_space<vmem>>
        %get3A_476 = tpu.memref_squeeze %get3A_475 : memref<1x40x128xf32, #tpu.memory_space<vmem>> -> memref<40x128xf32, #tpu.memory_space<vmem>>
        %get3A_477 = arith.index_cast %scan3A_286 : i32 to index
        %get3A_478 = arith.constant 80 : index
        %get3A_479 = tpu.vector_load %get3A_476[%get3A_477, %get3A_478] {strides = array<i32>} : memref<40x128xf32, #tpu.memory_space<vmem>>, vector<1x16xf32>,
        %get3A_480 = vector.shape_cast %get3A_479 : vector<1x16xf32> to vector<16xf32>
        %get3A_481 = arith.constant 0 : i32
        %get3A_482 = arith.constant 0 : i32
        %get3A_483 = tpu.memref_slice %arg16[%scan3A_273, %get3A_481, %get3A_482] : memref<2x40x128xf32, #tpu.memory_space<vmem>> -> memref<1x40x128xf32, #tpu.memory_space<vmem>>
        %get3A_484 = tpu.memref_squeeze %get3A_483 : memref<1x40x128xf32, #tpu.memory_space<vmem>> -> memref<40x128xf32, #tpu.memory_space<vmem>>
        %get3A_485 = arith.index_cast %scan3A_286 : i32 to index
        %get3A_486 = arith.constant 80 : index
        %get3A_487 = tpu.vector_load %get3A_484[%get3A_485, %get3A_486] {strides = array<i32>} : memref<40x128xf32, #tpu.memory_space<vmem>>, vector<1x16xf32>,
        %get3A_488 = vector.shape_cast %get3A_487 : vector<1x16xf32> to vector<16xf32>
        %add3A_489 = arith.addf %get3A_480, %get3A_488 : vector<16xf32>
        %slice3A_490 = vector.extract_strided_slice %exp3A {offsets = [5], sizes = [1], strides = [1]} : vector<16xf32> to vector<1xf32>
        %squeeze3A_491 = vector.extract %slice3A_490[0] : f32 from vector<1xf32>
        %mul3A_492 = vector.broadcast %squeeze3A_491 : f32 to vector<16xf32>
        %mul3A_493 = arith.mulf %add3A_489, %mul3A_492 : vector<16xf32>
        %swap3A_494 = arith.constant 0 : i32
        %swap3A_495 = arith.constant 0 : i32
        %swap3A_496 = tpu.memref_slice %arg18[%scan3A_274, %swap3A_494, %swap3A_495] : memref<2x40x128xf32, #tpu.memory_space<vmem>> -> memref<1x40x128xf32, #tpu.memory_space<vmem>>
        %swap3A_497 = tpu.memref_squeeze %swap3A_496 : memref<1x40x128xf32, #tpu.memory_space<vmem>> -> memref<40x128xf32, #tpu.memory_space<vmem>>
        %swap3A_498 = arith.index_cast %scan3A_286 : i32 to index
        %swap3A_499 = arith.constant 80 : index
        %swap3A_500 = tpu.vector_load %swap3A_497[%swap3A_498, %swap3A_499] {strides = array<i32>} : memref<40x128xf32, #tpu.memory_space<vmem>>, vector<1x16xf32>,
        %swap3A_501 = vector.shape_cast %swap3A_500 : vector<1x16xf32> to vector<16xf32>
        %swap3A_502 = vector.shape_cast %mul3A_493 : vector<16xf32> to vector<1x16xf32>
        tpu.vector_store %swap3A_497[%swap3A_498, %swap3A_499], %swap3A_502 {strides = array<i32>} : memref<40x128xf32, #tpu.memory_space<vmem>>, vector<1x16xf32>,
        %get3A_503 = arith.constant 0 : i32
        %get3A_504 = arith.constant 0 : i32
        %get3A_505 = tpu.memref_slice %arg13[%scan3A_272, %get3A_503, %get3A_504] : memref<2x40x128xf32, #tpu.memory_space<vmem>> -> memref<1x40x128xf32, #tpu.memory_space<vmem>>
        %get3A_506 = tpu.memref_squeeze %get3A_505 : memref<1x40x128xf32, #tpu.memory_space<vmem>> -> memref<40x128xf32, #tpu.memory_space<vmem>>
        %get3A_507 = arith.index_cast %scan3A_286 : i32 to index
        %get3A_508 = arith.constant 96 : index
        %get3A_509 = tpu.vector_load %get3A_506[%get3A_507, %get3A_508] {strides = array<i32>} : memref<40x128xf32, #tpu.memory_space<vmem>>, vector<1x16xf32>,
        %get3A_510 = vector.shape_cast %get3A_509 : vector<1x16xf32> to vector<16xf32>
        %get3A_511 = arith.constant 0 : i32
        %get3A_512 = arith.constant 0 : i32
        %get3A_513 = tpu.memref_slice %arg16[%scan3A_273, %get3A_511, %get3A_512] : memref<2x40x128xf32, #tpu.memory_space<vmem>> -> memref<1x40x128xf32, #tpu.memory_space<vmem>>
        %get3A_514 = tpu.memref_squeeze %get3A_513 : memref<1x40x128xf32, #tpu.memory_space<vmem>> -> memref<40x128xf32, #tpu.memory_space<vmem>>
        %get3A_515 = arith.index_cast %scan3A_286 : i32 to index
        %get3A_516 = arith.constant 96 : index
        %get3A_517 = tpu.vector_load %get3A_514[%get3A_515, %get3A_516] {strides = array<i32>} : memref<40x128xf32, #tpu.memory_space<vmem>>, vector<1x16xf32>,
        %get3A_518 = vector.shape_cast %get3A_517 : vector<1x16xf32> to vector<16xf32>
        %add3A_519 = arith.addf %get3A_510, %get3A_518 : vector<16xf32>
        %slice3A_520 = vector.extract_strided_slice %exp3A {offsets = [6], sizes = [1], strides = [1]} : vector<16xf32> to vector<1xf32>
        %squeeze3A_521 = vector.extract %slice3A_520[0] : f32 from vector<1xf32>
        %mul3A_522 = vector.broadcast %squeeze3A_521 : f32 to vector<16xf32>
        %mul3A_523 = arith.mulf %add3A_519, %mul3A_522 : vector<16xf32>
        %swap3A_524 = arith.constant 0 : i32
        %swap3A_525 = arith.constant 0 : i32
        %swap3A_526 = tpu.memref_slice %arg18[%scan3A_274, %swap3A_524, %swap3A_525] : memref<2x40x128xf32, #tpu.memory_space<vmem>> -> memref<1x40x128xf32, #tpu.memory_space<vmem>>
        %swap3A_527 = tpu.memref_squeeze %swap3A_526 : memref<1x40x128xf32, #tpu.memory_space<vmem>> -> memref<40x128xf32, #tpu.memory_space<vmem>>
        %swap3A_528 = arith.index_cast %scan3A_286 : i32 to index
        %swap3A_529 = arith.constant 96 : index
        %swap3A_530 = tpu.vector_load %swap3A_527[%swap3A_528, %swap3A_529] {strides = array<i32>} : memref<40x128xf32, #tpu.memory_space<vmem>>, vector<1x16xf32>,
        %swap3A_531 = vector.shape_cast %swap3A_530 : vector<1x16xf32> to vector<16xf32>
        %swap3A_532 = vector.shape_cast %mul3A_523 : vector<16xf32> to vector<1x16xf32>
        tpu.vector_store %swap3A_527[%swap3A_528, %swap3A_529], %swap3A_532 {strides = array<i32>} : memref<40x128xf32, #tpu.memory_space<vmem>>, vector<1x16xf32>,
        %get3A_533 = arith.constant 0 : i32
        %get3A_534 = arith.constant 0 : i32
        %get3A_535 = tpu.memref_slice %arg13[%scan3A_272, %get3A_533, %get3A_534] : memref<2x40x128xf32, #tpu.memory_space<vmem>> -> memref<1x40x128xf32, #tpu.memory_space<vmem>>
        %get3A_536 = tpu.memref_squeeze %get3A_535 : memref<1x40x128xf32, #tpu.memory_space<vmem>> -> memref<40x128xf32, #tpu.memory_space<vmem>>
        %get3A_537 = arith.index_cast %scan3A_286 : i32 to index
        %get3A_538 = arith.constant 112 : index
        %get3A_539 = tpu.vector_load %get3A_536[%get3A_537, %get3A_538] {strides = array<i32>} : memref<40x128xf32, #tpu.memory_space<vmem>>, vector<1x16xf32>,
        %get3A_540 = vector.shape_cast %get3A_539 : vector<1x16xf32> to vector<16xf32>
        %get3A_541 = arith.constant 0 : i32
        %get3A_542 = arith.constant 0 : i32
        %get3A_543 = tpu.memref_slice %arg16[%scan3A_273, %get3A_541, %get3A_542] : memref<2x40x128xf32, #tpu.memory_space<vmem>> -> memref<1x40x128xf32, #tpu.memory_space<vmem>>
        %get3A_544 = tpu.memref_squeeze %get3A_543 : memref<1x40x128xf32, #tpu.memory_space<vmem>> -> memref<40x128xf32, #tpu.memory_space<vmem>>
        %get3A_545 = arith.index_cast %scan3A_286 : i32 to index
        %get3A_546 = arith.constant 112 : index
        %get3A_547 = tpu.vector_load %get3A_544[%get3A_545, %get3A_546] {strides = array<i32>} : memref<40x128xf32, #tpu.memory_space<vmem>>, vector<1x16xf32>,
        %get3A_548 = vector.shape_cast %get3A_547 : vector<1x16xf32> to vector<16xf32>
        %add3A_549 = arith.addf %get3A_540, %get3A_548 : vector<16xf32>
        %slice3A_550 = vector.extract_strided_slice %exp3A {offsets = [7], sizes = [1], strides = [1]} : vector<16xf32> to vector<1xf32>
        %squeeze3A_551 = vector.extract %slice3A_550[0] : f32 from vector<1xf32>
        %mul3A_552 = vector.broadcast %squeeze3A_551 : f32 to vector<16xf32>
        %mul3A_553 = arith.mulf %add3A_549, %mul3A_552 : vector<16xf32>
        %swap3A_554 = arith.constant 0 : i32
        %swap3A_555 = arith.constant 0 : i32
        %swap3A_556 = tpu.memref_slice %arg18[%scan3A_274, %swap3A_554, %swap3A_555] : memref<2x40x128xf32, #tpu.memory_space<vmem>> -> memref<1x40x128xf32, #tpu.memory_space<vmem>>
        %swap3A_557 = tpu.memref_squeeze %swap3A_556 : memref<1x40x128xf32, #tpu.memory_space<vmem>> -> memref<40x128xf32, #tpu.memory_space<vmem>>
        %swap3A_558 = arith.index_cast %scan3A_286 : i32 to index
        %swap3A_559 = arith.constant 112 : index
        %swap3A_560 = tpu.vector_load %swap3A_557[%swap3A_558, %swap3A_559] {strides = array<i32>} : memref<40x128xf32, #tpu.memory_space<vmem>>, vector<1x16xf32>,
        %swap3A_561 = vector.shape_cast %swap3A_560 : vector<1x16xf32> to vector<16xf32>
        %swap3A_562 = vector.shape_cast %mul3A_553 : vector<16xf32> to vector<1x16xf32>
        tpu.vector_store %swap3A_557[%swap3A_558, %swap3A_559], %swap3A_562 {strides = array<i32>} : memref<40x128xf32, #tpu.memory_space<vmem>>, vector<1x16xf32>,
      }
      %scan3A_279 = arith.constant 40 : i32
      %mul3A_280 = arith.constant 40 : i32
      %mul3A_281 = arith.muli %add3A_195, %mul3A_280 : i32
      %add3A_282 = arith.addi %mul3A_2, %mul3A_281 : i32
      %run_scoped3A_283 = arith.constant 1 : i32
      "tpu.region"() ({
        %run_scoped3A_286 = tpu.sem_alloc : memref<!tpu.dma_semaphore, #tpu.memory_space<semaphore_mem>>
        %dma_start3A_287 = arith.constant 0 : i32
        %dma_start3A_288 = arith.constant 0 : i32
        %dma_start3A_289 = tpu.memref_slice %arg17[%run_scoped3A_283, %dma_start3A_287, %dma_start3A_288] : memref<2x40x16xf32, #tpu.memory_space<vmem>> -> memref<1x40x16xf32, #tpu.memory_space<vmem>>
        %dma_start3A_290 = tpu.memref_squeeze %dma_start3A_289 : memref<1x40x16xf32, #tpu.memory_space<vmem>> -> memref<40x16xf32, #tpu.memory_space<vmem>>
        %dma_start3A_291 = arith.constant 0 : i32
        %dma_start3A_292 = tpu.memref_slice %arg9[%add3A_282, %dma_start3A_291] : memref<320000x16xf32, #tpu.memory_space<hbm>> -> memref<40x16xf32, #tpu.memory_space<hbm>>
        %dma_start3A_293 = arith.constant 0 : i32
        %dma_start3A_294 = tpu.memref_slice %arg9[%add3A_282, %dma_start3A_293] : memref<320000x16xf32, #tpu.memory_space<hbm>> -> memref<40x16xf32, #tpu.memory_space<hbm>>
        %dma_start3A_295 = arith.constant 0 : i32
        %dma_start3A_296 = arith.constant 0 : i32
        %dma_start3A_297 = tpu.memref_slice %arg17[%run_scoped3A_283, %dma_start3A_295, %dma_start3A_296] : memref<2x40x16xf32, #tpu.memory_space<vmem>> -> memref<1x40x16xf32, #tpu.memory_space<vmem>>
        %dma_start3A_298 = tpu.memref_squeeze %dma_start3A_297 : memref<1x40x16xf32, #tpu.memory_space<vmem>> -> memref<40x16xf32, #tpu.memory_space<vmem>>
        tpu.enqueue_dma source(%dma_start3A_298 : memref<40x16xf32, #tpu.memory_space<vmem>>) target(%dma_start3A_294 : memref<40x16xf32, #tpu.memory_space<hbm>>) target_semaphore(%run_scoped3A_286 : memref<!tpu.dma_semaphore, #tpu.memory_space<semaphore_mem>>)
        %dma_wait3A_299 = arith.constant 0 : i32
        %dma_wait3A_300 = arith.constant 0 : i32
        %dma_wait3A_301 = tpu.memref_slice %arg17[%run_scoped3A_283, %dma_wait3A_299, %dma_wait3A_300] : memref<2x40x16xf32, #tpu.memory_space<vmem>> -> memref<1x40x16xf32, #tpu.memory_space<vmem>>
        %dma_wait3A_302 = tpu.memref_squeeze %dma_wait3A_301 : memref<1x40x16xf32, #tpu.memory_space<vmem>> -> memref<40x16xf32, #tpu.memory_space<vmem>>
        %dma_wait3A_303 = arith.constant 0 : i32
        %dma_wait3A_304 = tpu.memref_slice %arg9[%add3A_282, %dma_wait3A_303] : memref<320000x16xf32, #tpu.memory_space<hbm>> -> memref<40x16xf32, #tpu.memory_space<hbm>>
        %dma_wait3A_305 = arith.constant 0 : i32
        %dma_wait3A_306 = tpu.memref_slice %arg9[%add3A_282, %dma_wait3A_305] : memref<320000x16xf32, #tpu.memory_space<hbm>> -> memref<40x16xf32, #tpu.memory_space<hbm>>
        %dma_wait3A_307 = arith.constant 0 : i32
        %dma_wait3A_308 = arith.constant 0 : i32
        %dma_wait3A_309 = tpu.memref_slice %arg17[%run_scoped3A_283, %dma_wait3A_307, %dma_wait3A_308] : memref<2x40x16xf32, #tpu.memory_space<vmem>> -> memref<1x40x16xf32, #tpu.memory_space<vmem>>
        %dma_wait3A_310 = tpu.memref_squeeze %dma_wait3A_309 : memref<1x40x16xf32, #tpu.memory_space<vmem>> -> memref<40x16xf32, #tpu.memory_space<vmem>>
        tpu.wait_dma2 semaphore(%run_scoped3A_286 : memref<!tpu.dma_semaphore, #tpu.memory_space<semaphore_mem>>) src(%dma_wait3A_310 : memref<40x16xf32, #tpu.memory_space<vmem>>) dst(%dma_wait3A_306 : memref<40x16xf32, #tpu.memory_space<hbm>>)
        tpu.yield
      }) : () -> ()
      %run_scoped3A_284 = arith.constant 1 : i32
      %run_scoped3A_285 = arith.constant 1 : i32
      "tpu.region"() ({
        %run_scoped3A_286 = tpu.sem_alloc : memref<!tpu.dma_semaphore, #tpu.memory_space<semaphore_mem>>
        %dma_start3A_287 = arith.constant 0 : i32
        %dma_start3A_288 = arith.constant 0 : i32
        %dma_start3A_289 = tpu.memref_slice %arg18[%run_scoped3A_284, %dma_start3A_287, %dma_start3A_288] : memref<2x40x128xf32, #tpu.memory_space<vmem>> -> memref<1x40x128xf32, #tpu.memory_space<vmem>>
        %dma_start3A_290 = tpu.memref_squeeze %dma_start3A_289 : memref<1x40x128xf32, #tpu.memory_space<vmem>> -> memref<40x128xf32, #tpu.memory_space<vmem>>
        %dma_start3A_291 = arith.constant 0 : i32
        %dma_start3A_292 = tpu.memref_slice %arg12[%run_scoped3A_285, %dma_start3A_291] : memref<2x40xi32, #tpu.memory_space<vmem>> -> memref<1x40xi32, #tpu.memory_space<vmem>>
        %dma_start3A_293 = tpu.memref_squeeze %dma_start3A_292 : memref<1x40xi32, #tpu.memory_space<vmem>> -> memref<40xi32, #tpu.memory_space<vmem>>
        %dma_start3A_294 = arith.constant 0 : i32
        %dma_start3A_295 = arith.constant 0 : i32
        %dma_start3A_296 = tpu.memref_slice %arg19[%dma_start3A_294, %dma_start3A_295] : memref<10000x128xf32, #tpu.memory_space<vmem_shared>> -> memref<10000x128xf32, #tpu.memory_space<vmem_shared>>
        tpu.enqueue_indirect_dma source(%dma_start3A_290 : memref<40x128xf32, #tpu.memory_space<vmem>>) target(%dma_start3A_296 : memref<10000x128xf32, #tpu.memory_space<vmem_shared>>) offsets(%dma_start3A_293 : memref<40xi32, #tpu.memory_space<vmem>>) semaphore(%run_scoped3A_286 : memref<!tpu.dma_semaphore, #tpu.memory_space<semaphore_mem>>) {add = true}
        %dma_wait3A_297 = arith.constant 0 : i32
        %dma_wait3A_298 = arith.constant 0 : i32
        %dma_wait3A_299 = tpu.memref_slice %arg18[%run_scoped3A_284, %dma_wait3A_297, %dma_wait3A_298] : memref<2x40x128xf32, #tpu.memory_space<vmem>> -> memref<1x40x128xf32, #tpu.memory_space<vmem>>
        %dma_wait3A_300 = tpu.memref_squeeze %dma_wait3A_299 : memref<1x40x128xf32, #tpu.memory_space<vmem>> -> memref<40x128xf32, #tpu.memory_space<vmem>>
        %dma_wait3A_301 = arith.constant 0 : i32
        %dma_wait3A_302 = tpu.memref_slice %arg12[%run_scoped3A_285, %dma_wait3A_301] : memref<2x40xi32, #tpu.memory_space<vmem>> -> memref<1x40xi32, #tpu.memory_space<vmem>>
        %dma_wait3A_303 = tpu.memref_squeeze %dma_wait3A_302 : memref<1x40xi32, #tpu.memory_space<vmem>> -> memref<40xi32, #tpu.memory_space<vmem>>
        %dma_wait3A_304 = arith.constant 0 : i32
        %dma_wait3A_305 = arith.constant 0 : i32
        %dma_wait3A_306 = tpu.memref_slice %arg19[%dma_wait3A_304, %dma_wait3A_305] : memref<10000x128xf32, #tpu.memory_space<vmem_shared>> -> memref<10000x128xf32, #tpu.memory_space<vmem_shared>>
        tpu.wait_indirect_dma semaphore(%run_scoped3A_286 : memref<!tpu.dma_semaphore, #tpu.memory_space<semaphore_mem>>) src(%dma_wait3A_300 : memref<40x128xf32, #tpu.memory_space<vmem>>) dst(%dma_wait3A_306 : memref<10000x128xf32, #tpu.memory_space<vmem_shared>>)
        tpu.yield
      }) : () -> ()
    }
    %scan3A_86 = arith.constant 125 : i32
    %barrier3A_87 = arith.constant 0 : index
    tpu.barrier barrier_id(%barrier3A_87)
    %lt3A_88 = arith.constant 15 : i32
    %lt3A_89 = arith.cmpi slt, %arg1, %lt3A_88 : i32
    %convert_element_type3A_90 = arith.extui %lt3A_89 : i1 to i32
    %cond3A_91 = arith.constant 0 : i32
    %cond3A_92 = arith.cmpi ne, %convert_element_type3A_90, %cond3A_91 : i32
    scf.if %cond3A_92 {
      %mul3A_98 = arith.constant 640 : i32
      %mul3A_99 = arith.muli %arg1, %mul3A_98 : i32
      "tpu.region"() ({
        %run_scoped3A_100 = tpu.sem_alloc : memref<!tpu.dma_semaphore, #tpu.memory_space<semaphore_mem>>
        %dma_start3A_101 = arith.constant 0 : i32
        %dma_start3A_102 = tpu.memref_slice %arg10[%arg0, %mul3A_99, %dma_start3A_101] : memref<2x10000x128xf32, #tpu.memory_space<hbm>> -> memref<1x640x128xf32, #tpu.memory_space<hbm>>
        %dma_start3A_103 = tpu.memref_squeeze %dma_start3A_102 : memref<1x640x128xf32, #tpu.memory_space<hbm>> -> memref<640x128xf32, #tpu.memory_space<hbm>>
        %dma_start3A_104 = arith.constant 0 : i32
        %dma_start3A_105 = tpu.memref_slice %arg19[%mul3A_99, %dma_start3A_104] : memref<10000x128xf32, #tpu.memory_space<vmem_shared>> -> memref<640x128xf32, #tpu.memory_space<vmem_shared>>
        tpu.enqueue_dma source(%dma_start3A_105 : memref<640x128xf32, #tpu.memory_space<vmem_shared>>) target(%dma_start3A_103 : memref<640x128xf32, #tpu.memory_space<hbm>>) target_semaphore(%run_scoped3A_100 : memref<!tpu.dma_semaphore, #tpu.memory_space<semaphore_mem>>)
        %dma_wait3A = arith.constant 0 : i32
        %dma_wait3A_106 = tpu.memref_slice %arg10[%arg0, %mul3A_99, %dma_wait3A] : memref<2x10000x128xf32, #tpu.memory_space<hbm>> -> memref<1x640x128xf32, #tpu.memory_space<hbm>>
        %dma_wait3A_107 = tpu.memref_squeeze %dma_wait3A_106 : memref<1x640x128xf32, #tpu.memory_space<hbm>> -> memref<640x128xf32, #tpu.memory_space<hbm>>
        %dma_wait3A_108 = arith.constant 0 : i32
        %dma_wait3A_109 = tpu.memref_slice %arg19[%mul3A_99, %dma_wait3A_108] : memref<10000x128xf32, #tpu.memory_space<vmem_shared>> -> memref<640x128xf32, #tpu.memory_space<vmem_shared>>
        tpu.wait_dma2 semaphore(%run_scoped3A_100 : memref<!tpu.dma_semaphore, #tpu.memory_space<semaphore_mem>>) src(%dma_wait3A_109 : memref<640x128xf32, #tpu.memory_space<vmem_shared>>) dst(%dma_wait3A_107 : memref<640x128xf32, #tpu.memory_space<hbm>>)
        tpu.yield
      }) : () -> ()
    } else {
    }
    %eq3A_93 = arith.constant 15 : i32
    %eq3A_94 = arith.cmpi eq, %arg1, %eq3A_93 : i32
    %convert_element_type3A_95 = arith.extui %eq3A_94 : i1 to i32
    %cond3A_96 = arith.constant 0 : i32
    %cond3A_97 = arith.cmpi ne, %convert_element_type3A_95, %cond3A_96 : i32
    scf.if %cond3A_97 {
      "tpu.region"() ({
        %run_scoped3A_98 = tpu.sem_alloc : memref<!tpu.dma_semaphore, #tpu.memory_space<semaphore_mem>>
        %dma_start3A_99 = arith.constant 9600 : i32
        %dma_start3A_100 = arith.constant 0 : i32
        %dma_start3A_101 = tpu.memref_slice %arg10[%arg0, %dma_start3A_99, %dma_start3A_100] : memref<2x10000x128xf32, #tpu.memory_space<hbm>> -> memref<1x400x128xf32, #tpu.memory_space<hbm>>
        %dma_start3A_102 = tpu.memref_squeeze %dma_start3A_101 : memref<1x400x128xf32, #tpu.memory_space<hbm>> -> memref<400x128xf32, #tpu.memory_space<hbm>>
        %dma_start3A_103 = arith.constant 9600 : i32
        %dma_start3A_104 = arith.constant 0 : i32
        %dma_start3A_105 = tpu.memref_slice %arg19[%dma_start3A_103, %dma_start3A_104] : memref<10000x128xf32, #tpu.memory_space<vmem_shared>> -> memref<400x128xf32, #tpu.memory_space<vmem_shared>>
        tpu.enqueue_dma source(%dma_start3A_105 : memref<400x128xf32, #tpu.memory_space<vmem_shared>>) target(%dma_start3A_102 : memref<400x128xf32, #tpu.memory_space<hbm>>) target_semaphore(%run_scoped3A_98 : memref<!tpu.dma_semaphore, #tpu.memory_space<semaphore_mem>>)
        %dma_wait3A = arith.constant 9600 : i32
        %dma_wait3A_106 = arith.constant 0 : i32
        %dma_wait3A_107 = tpu.memref_slice %arg10[%arg0, %dma_wait3A, %dma_wait3A_106] : memref<2x10000x128xf32, #tpu.memory_space<hbm>> -> memref<1x400x128xf32, #tpu.memory_space<hbm>>
        %dma_wait3A_108 = tpu.memref_squeeze %dma_wait3A_107 : memref<1x400x128xf32, #tpu.memory_space<hbm>> -> memref<400x128xf32, #tpu.memory_space<hbm>>
        %dma_wait3A_109 = arith.constant 9600 : i32
        %dma_wait3A_110 = arith.constant 0 : i32
        %dma_wait3A_111 = tpu.memref_slice %arg19[%dma_wait3A_109, %dma_wait3A_110] : memref<10000x128xf32, #tpu.memory_space<vmem_shared>> -> memref<400x128xf32, #tpu.memory_space<vmem_shared>>
        tpu.wait_dma2 semaphore(%run_scoped3A_98 : memref<!tpu.dma_semaphore, #tpu.memory_space<semaphore_mem>>) src(%dma_wait3A_111 : memref<400x128xf32, #tpu.memory_space<vmem_shared>>) dst(%dma_wait3A_108 : memref<400x128xf32, #tpu.memory_space<hbm>>)
        tpu.yield
      }) : () -> ()
    } else {
    }
    return
  }
}

#map = affine_map<(d0, d1) -> (0)>
#map1 = affine_map<(d0, d1) -> (0, 0)>
#map2 = affine_map<(d0, d1) -> (0, 0, 0)>
module attributes {stable_mosaic.version = 14 : i64} {
  func.func @_sc_denom(%arg0: i32, %arg1: i32, %arg2: memref<320000xi32, #tpu.memory_space<hbm>>, %arg3: memref<320000x16xf32, #tpu.memory_space<hbm>>, %arg4: memref<2x10000x16xf32, #tpu.memory_space<hbm>>, %arg5: memref<80xi32, #tpu.memory_space<vmem>>, %arg6: memref<80x16xf32, #tpu.memory_space<vmem>>, %arg7: memref<10000x16xf32, #tpu.memory_space<vmem_shared>>, %arg8: memref<!tpu.dma_semaphore, #tpu.memory_space<semaphore_mem>>) attributes {dimension_semantics = [#tpu.dimension_semantics<core_parallel>, #tpu.dimension_semantics<subcore_parallel>], iteration_bounds = array<i64: 2, 16>, scalar_prefetch = 0 : i64, scratch_operands = 4 : i64, tpu.core_type = #tpu.core_type<sc_vector_subcore>, window_params = [{transform_indices = #map}, {transform_indices = #map1}, {transform_indices = #map2}]} {
    %mul3A = arith.constant 2 : i32
    %mul3A_0 = arith.muli %arg1, %mul3A : i32
    %add3A = arith.addi %mul3A_0, %arg0 : i32
    %mul3A_1 = arith.constant 10000 : i32
    %mul3A_2 = arith.muli %add3A, %mul3A_1 : i32
    %scan3A = arith.constant 0 : i32
    %scan3A_3 = arith.constant 0 : i32
    %scan3A_4 = arith.constant 80 : i32
    %scan3A_5 = arith.addi %scan3A_3, %scan3A_4 : i32
    %scan3A_6 = arith.constant 1 : i32
    scf.for %scan3A_26 = %scan3A_3 to %scan3A_5 step %scan3A_6  : i32 {
      %broadcast_in_dim3A = arith.constant 0.000000e+00 : f32
      %broadcast_in_dim3A_27 = vector.broadcast %broadcast_in_dim3A : f32 to vector<16xf32>
      %swap3A = arith.index_cast %scan3A_26 : i32 to index
      %swap3A_28 = arith.constant 0 : index
      %swap3A_29 = tpu.vector_load %arg6[%swap3A, %swap3A_28] {strides = array<i32>} : memref<80x16xf32, #tpu.memory_space<vmem>>, vector<1x16xf32>,
      %swap3A_30 = vector.shape_cast %swap3A_29 : vector<1x16xf32> to vector<16xf32>
      %swap3A_31 = vector.shape_cast %broadcast_in_dim3A_27 : vector<16xf32> to vector<1x16xf32>
      tpu.vector_store %arg6[%swap3A, %swap3A_28], %swap3A_31 {strides = array<i32>} : memref<80x16xf32, #tpu.memory_space<vmem>>, vector<1x16xf32>,
    }
    %scan3A_7 = arith.constant 80 : i32
    %lt3A = arith.constant 15 : i32
    %lt3A_8 = arith.cmpi slt, %arg1, %lt3A : i32
    %convert_element_type3A = arith.extui %lt3A_8 : i1 to i32
    %cond3A = arith.constant 0 : i32
    %cond3A_9 = arith.cmpi ne, %convert_element_type3A, %cond3A : i32
    scf.if %cond3A_9 {
      %mul3A_26 = arith.constant 640 : i32
      %mul3A_27 = arith.muli %arg1, %mul3A_26 : i32
      %scan3A_28 = arith.constant 0 : i32
      %scan3A_29 = arith.constant 0 : i32
      %scan3A_30 = arith.constant 8 : i32
      %scan3A_31 = arith.addi %scan3A_29, %scan3A_30 : i32
      %scan3A_32 = arith.constant 1 : i32
      scf.for %scan3A_34 = %scan3A_29 to %scan3A_31 step %scan3A_32  : i32 {
        %mul3A_35 = arith.constant 80 : i32
        %mul3A_36 = arith.muli %scan3A_34, %mul3A_35 : i32
        %add3A_37 = arith.addi %mul3A_27, %mul3A_36 : i32
        "tpu.region"() ({
          %run_scoped3A = tpu.sem_alloc : memref<!tpu.dma_semaphore, #tpu.memory_space<semaphore_mem>>
          %dma_start3A = arith.constant 0 : i32
          %dma_start3A_38 = tpu.memref_slice %arg7[%add3A_37, %dma_start3A] : memref<10000x16xf32, #tpu.memory_space<vmem_shared>> -> memref<80x16xf32, #tpu.memory_space<vmem_shared>>
          %dma_start3A_39 = arith.constant 0 : i32
          %dma_start3A_40 = tpu.memref_slice %arg7[%add3A_37, %dma_start3A_39] : memref<10000x16xf32, #tpu.memory_space<vmem_shared>> -> memref<80x16xf32, #tpu.memory_space<vmem_shared>>
          tpu.enqueue_dma source(%arg6 : memref<80x16xf32, #tpu.memory_space<vmem>>) target(%dma_start3A_40 : memref<80x16xf32, #tpu.memory_space<vmem_shared>>) target_semaphore(%run_scoped3A : memref<!tpu.dma_semaphore, #tpu.memory_space<semaphore_mem>>)
          %dma_wait3A = arith.constant 0 : i32
          %dma_wait3A_41 = tpu.memref_slice %arg7[%add3A_37, %dma_wait3A] : memref<10000x16xf32, #tpu.memory_space<vmem_shared>> -> memref<80x16xf32, #tpu.memory_space<vmem_shared>>
          %dma_wait3A_42 = arith.constant 0 : i32
          %dma_wait3A_43 = tpu.memref_slice %arg7[%add3A_37, %dma_wait3A_42] : memref<10000x16xf32, #tpu.memory_space<vmem_shared>> -> memref<80x16xf32, #tpu.memory_space<vmem_shared>>
          tpu.wait_dma2 semaphore(%run_scoped3A : memref<!tpu.dma_semaphore, #tpu.memory_space<semaphore_mem>>) src(%arg6 : memref<80x16xf32, #tpu.memory_space<vmem>>) dst(%dma_wait3A_43 : memref<80x16xf32, #tpu.memory_space<vmem_shared>>)
          tpu.yield
        }) : () -> ()
      }
      %scan3A_33 = arith.constant 8 : i32
    } else {
    }
    %eq3A = arith.constant 15 : i32
    %eq3A_10 = arith.cmpi eq, %arg1, %eq3A : i32
    %convert_element_type3A_11 = arith.extui %eq3A_10 : i1 to i32
    %cond3A_12 = arith.constant 0 : i32
    %cond3A_13 = arith.cmpi ne, %convert_element_type3A_11, %cond3A_12 : i32
    scf.if %cond3A_13 {
      %scan3A_26 = arith.constant 0 : i32
      %scan3A_27 = arith.constant 0 : i32
      %scan3A_28 = arith.constant 5 : i32
      %scan3A_29 = arith.addi %scan3A_27, %scan3A_28 : i32
      %scan3A_30 = arith.constant 1 : i32
      scf.for %scan3A_32 = %scan3A_27 to %scan3A_29 step %scan3A_30  : i32 {
        %mul3A_33 = arith.constant 80 : i32
        %mul3A_34 = arith.muli %scan3A_32, %mul3A_33 : i32
        %add3A_35 = arith.constant 9600 : i32
        %add3A_36 = arith.addi %add3A_35, %mul3A_34 : i32
        "tpu.region"() ({
          %run_scoped3A = tpu.sem_alloc : memref<!tpu.dma_semaphore, #tpu.memory_space<semaphore_mem>>
          %dma_start3A = arith.constant 0 : i32
          %dma_start3A_37 = tpu.memref_slice %arg7[%add3A_36, %dma_start3A] : memref<10000x16xf32, #tpu.memory_space<vmem_shared>> -> memref<80x16xf32, #tpu.memory_space<vmem_shared>>
          %dma_start3A_38 = arith.constant 0 : i32
          %dma_start3A_39 = tpu.memref_slice %arg7[%add3A_36, %dma_start3A_38] : memref<10000x16xf32, #tpu.memory_space<vmem_shared>> -> memref<80x16xf32, #tpu.memory_space<vmem_shared>>
          tpu.enqueue_dma source(%arg6 : memref<80x16xf32, #tpu.memory_space<vmem>>) target(%dma_start3A_39 : memref<80x16xf32, #tpu.memory_space<vmem_shared>>) target_semaphore(%run_scoped3A : memref<!tpu.dma_semaphore, #tpu.memory_space<semaphore_mem>>)
          %dma_wait3A = arith.constant 0 : i32
          %dma_wait3A_40 = tpu.memref_slice %arg7[%add3A_36, %dma_wait3A] : memref<10000x16xf32, #tpu.memory_space<vmem_shared>> -> memref<80x16xf32, #tpu.memory_space<vmem_shared>>
          %dma_wait3A_41 = arith.constant 0 : i32
          %dma_wait3A_42 = tpu.memref_slice %arg7[%add3A_36, %dma_wait3A_41] : memref<10000x16xf32, #tpu.memory_space<vmem_shared>> -> memref<80x16xf32, #tpu.memory_space<vmem_shared>>
          tpu.wait_dma2 semaphore(%run_scoped3A : memref<!tpu.dma_semaphore, #tpu.memory_space<semaphore_mem>>) src(%arg6 : memref<80x16xf32, #tpu.memory_space<vmem>>) dst(%dma_wait3A_42 : memref<80x16xf32, #tpu.memory_space<vmem_shared>>)
          tpu.yield
        }) : () -> ()
      }
      %scan3A_31 = arith.constant 5 : i32
    } else {
    }
    %barrier3A = arith.constant 0 : index
    tpu.barrier barrier_id(%barrier3A)
    %scan3A_14 = arith.constant 0 : i32
    %scan3A_15 = arith.constant 0 : i32
    %scan3A_16 = arith.constant 125 : i32
    %scan3A_17 = arith.addi %scan3A_15, %scan3A_16 : i32
    %scan3A_18 = arith.constant 1 : i32
    scf.for %scan3A_26 = %scan3A_15 to %scan3A_17 step %scan3A_18  : i32 {
      %mul3A_27 = arith.constant 80 : i32
      %mul3A_28 = arith.muli %scan3A_26, %mul3A_27 : i32
      %add3A_29 = arith.addi %mul3A_2, %mul3A_28 : i32
      "tpu.region"() ({
        %run_scoped3A = tpu.sem_alloc : memref<!tpu.dma_semaphore, #tpu.memory_space<semaphore_mem>>
        %dma_start3A = tpu.memref_slice %arg2[%add3A_29] : memref<320000xi32, #tpu.memory_space<hbm>> -> memref<80xi32, #tpu.memory_space<hbm>>
        %dma_start3A_30 = tpu.memref_slice %arg2[%add3A_29] : memref<320000xi32, #tpu.memory_space<hbm>> -> memref<80xi32, #tpu.memory_space<hbm>>
        tpu.enqueue_dma source(%dma_start3A_30 : memref<80xi32, #tpu.memory_space<hbm>>) target(%arg5 : memref<80xi32, #tpu.memory_space<vmem>>) target_semaphore(%run_scoped3A : memref<!tpu.dma_semaphore, #tpu.memory_space<semaphore_mem>>)
        %dma_wait3A = tpu.memref_slice %arg2[%add3A_29] : memref<320000xi32, #tpu.memory_space<hbm>> -> memref<80xi32, #tpu.memory_space<hbm>>
        %dma_wait3A_31 = tpu.memref_slice %arg2[%add3A_29] : memref<320000xi32, #tpu.memory_space<hbm>> -> memref<80xi32, #tpu.memory_space<hbm>>
        tpu.wait_dma2 semaphore(%run_scoped3A : memref<!tpu.dma_semaphore, #tpu.memory_space<semaphore_mem>>) src(%dma_wait3A_31 : memref<80xi32, #tpu.memory_space<hbm>>) dst(%arg5 : memref<80xi32, #tpu.memory_space<vmem>>)
        tpu.yield
      }) : () -> ()
      "tpu.region"() ({
        %run_scoped3A = tpu.sem_alloc : memref<!tpu.dma_semaphore, #tpu.memory_space<semaphore_mem>>
        %dma_start3A = arith.constant 0 : i32
        %dma_start3A_30 = tpu.memref_slice %arg3[%add3A_29, %dma_start3A] : memref<320000x16xf32, #tpu.memory_space<hbm>> -> memref<80x16xf32, #tpu.memory_space<hbm>>
        %dma_start3A_31 = arith.constant 0 : i32
        %dma_start3A_32 = tpu.memref_slice %arg3[%add3A_29, %dma_start3A_31] : memref<320000x16xf32, #tpu.memory_space<hbm>> -> memref<80x16xf32, #tpu.memory_space<hbm>>
        tpu.enqueue_dma source(%dma_start3A_32 : memref<80x16xf32, #tpu.memory_space<hbm>>) target(%arg6 : memref<80x16xf32, #tpu.memory_space<vmem>>) target_semaphore(%run_scoped3A : memref<!tpu.dma_semaphore, #tpu.memory_space<semaphore_mem>>)
        %dma_wait3A = arith.constant 0 : i32
        %dma_wait3A_33 = tpu.memref_slice %arg3[%add3A_29, %dma_wait3A] : memref<320000x16xf32, #tpu.memory_space<hbm>> -> memref<80x16xf32, #tpu.memory_space<hbm>>
        %dma_wait3A_34 = arith.constant 0 : i32
        %dma_wait3A_35 = tpu.memref_slice %arg3[%add3A_29, %dma_wait3A_34] : memref<320000x16xf32, #tpu.memory_space<hbm>> -> memref<80x16xf32, #tpu.memory_space<hbm>>
        tpu.wait_dma2 semaphore(%run_scoped3A : memref<!tpu.dma_semaphore, #tpu.memory_space<semaphore_mem>>) src(%dma_wait3A_35 : memref<80x16xf32, #tpu.memory_space<hbm>>) dst(%arg6 : memref<80x16xf32, #tpu.memory_space<vmem>>)
        tpu.yield
      }) : () -> ()
      "tpu.region"() ({
        %run_scoped3A = tpu.sem_alloc : memref<!tpu.dma_semaphore, #tpu.memory_space<semaphore_mem>>
        %dma_start3A = arith.constant 0 : i32
        %dma_start3A_30 = arith.constant 0 : i32
        %dma_start3A_31 = tpu.memref_slice %arg7[%dma_start3A, %dma_start3A_30] : memref<10000x16xf32, #tpu.memory_space<vmem_shared>> -> memref<10000x16xf32, #tpu.memory_space<vmem_shared>>
        tpu.enqueue_indirect_dma source(%arg6 : memref<80x16xf32, #tpu.memory_space<vmem>>) target(%dma_start3A_31 : memref<10000x16xf32, #tpu.memory_space<vmem_shared>>) offsets(%arg5 : memref<80xi32, #tpu.memory_space<vmem>>) semaphore(%run_scoped3A : memref<!tpu.dma_semaphore, #tpu.memory_space<semaphore_mem>>) {add = true}
        %dma_wait3A = arith.constant 0 : i32
        %dma_wait3A_32 = arith.constant 0 : i32
        %dma_wait3A_33 = tpu.memref_slice %arg7[%dma_wait3A, %dma_wait3A_32] : memref<10000x16xf32, #tpu.memory_space<vmem_shared>> -> memref<10000x16xf32, #tpu.memory_space<vmem_shared>>
        tpu.wait_indirect_dma semaphore(%run_scoped3A : memref<!tpu.dma_semaphore, #tpu.memory_space<semaphore_mem>>) src(%arg6 : memref<80x16xf32, #tpu.memory_space<vmem>>) dst(%dma_wait3A_33 : memref<10000x16xf32, #tpu.memory_space<vmem_shared>>)
        tpu.yield
      }) : () -> ()
    }
    %scan3A_19 = arith.constant 125 : i32
    %barrier3A_20 = arith.constant 0 : index
    tpu.barrier barrier_id(%barrier3A_20)
    %eq3A_21 = arith.constant 0 : i32
    %eq3A_22 = arith.cmpi eq, %arg1, %eq3A_21 : i32
    %convert_element_type3A_23 = arith.extui %eq3A_22 : i1 to i32
    %cond3A_24 = arith.constant 0 : i32
    %cond3A_25 = arith.cmpi ne, %convert_element_type3A_23, %cond3A_24 : i32
    scf.if %cond3A_25 {
      "tpu.region"() ({
        %run_scoped3A = tpu.sem_alloc : memref<!tpu.dma_semaphore, #tpu.memory_space<semaphore_mem>>
        %dma_start3A = arith.constant 0 : i32
        %dma_start3A_26 = arith.constant 0 : i32
        %dma_start3A_27 = tpu.memref_slice %arg4[%arg0, %dma_start3A, %dma_start3A_26] : memref<2x10000x16xf32, #tpu.memory_space<hbm>> -> memref<1x10000x16xf32, #tpu.memory_space<hbm>>
        %dma_start3A_28 = tpu.memref_squeeze %dma_start3A_27 : memref<1x10000x16xf32, #tpu.memory_space<hbm>> -> memref<10000x16xf32, #tpu.memory_space<hbm>>
        tpu.enqueue_dma source(%arg7 : memref<10000x16xf32, #tpu.memory_space<vmem_shared>>) target(%dma_start3A_28 : memref<10000x16xf32, #tpu.memory_space<hbm>>) target_semaphore(%run_scoped3A : memref<!tpu.dma_semaphore, #tpu.memory_space<semaphore_mem>>)
        %dma_wait3A = arith.constant 0 : i32
        %dma_wait3A_29 = arith.constant 0 : i32
        %dma_wait3A_30 = tpu.memref_slice %arg4[%arg0, %dma_wait3A, %dma_wait3A_29] : memref<2x10000x16xf32, #tpu.memory_space<hbm>> -> memref<1x10000x16xf32, #tpu.memory_space<hbm>>
        %dma_wait3A_31 = tpu.memref_squeeze %dma_wait3A_30 : memref<1x10000x16xf32, #tpu.memory_space<hbm>> -> memref<10000x16xf32, #tpu.memory_space<hbm>>
        tpu.wait_dma2 semaphore(%run_scoped3A : memref<!tpu.dma_semaphore, #tpu.memory_space<semaphore_mem>>) src(%arg7 : memref<10000x16xf32, #tpu.memory_space<vmem_shared>>) dst(%dma_wait3A_31 : memref<10000x16xf32, #tpu.memory_space<hbm>>)
        tpu.yield
      }) : () -> ()
    } else {
    }
    return
  }
}

module attributes {stable_mosaic.version = 14 : i64} {
  func.func @_node_prep_body(%arg0: i32, %arg1: memref<2000x128xf32, #tpu.memory_space<vmem>>, %arg2: memref<128x128xf32, #tpu.memory_space<vmem>>, %arg3: memref<128x128xf32, #tpu.memory_space<vmem>>, %arg4: memref<128x128xf32, #tpu.memory_space<vmem>>, %arg5: memref<128x128xf32, #tpu.memory_space<vmem>>, %arg6: memref<128x128xf32, #tpu.memory_space<vmem>>, %arg7: memref<2000x128xf32, #tpu.memory_space<vmem>>, %arg8: memref<2000x128xf32, #tpu.memory_space<vmem>>, %arg9: memref<2000x128xf32, #tpu.memory_space<vmem>>, %arg10: memref<2000x128xf32, #tpu.memory_space<vmem>>) attributes {dimension_semantics = [#tpu.dimension_semantics<arbitrary>], iteration_bounds = array<i64: 5>, scalar_prefetch = 0 : i64, scratch_operands = 0 : i64, tpu.core_type = #tpu.core_type<tc>, window_params = [{transform_indices = @transform_0, window_bounds = array<i64: 2000, 128>}, {pipeline_mode = #tpu.pipeline_mode<synchronous>, transform_indices = @transform_1, window_bounds = array<i64: 128, 128>}, {pipeline_mode = #tpu.pipeline_mode<synchronous>, transform_indices = @transform_2, window_bounds = array<i64: 128, 128>}, {pipeline_mode = #tpu.pipeline_mode<synchronous>, transform_indices = @transform_3, window_bounds = array<i64: 128, 128>}, {pipeline_mode = #tpu.pipeline_mode<synchronous>, transform_indices = @transform_4, window_bounds = array<i64: 128, 128>}, {pipeline_mode = #tpu.pipeline_mode<synchronous>, transform_indices = @transform_5, window_bounds = array<i64: 128, 128>}, {transform_indices = @transform_6, window_bounds = array<i64: 2000, 128>}, {transform_indices = @transform_7, window_bounds = array<i64: 2000, 128>}, {transform_indices = @transform_8, window_bounds = array<i64: 2000, 128>}, {transform_indices = @transform_9, window_bounds = array<i64: 2000, 128>}]} {
    %get3A = arith.constant 0 : index
    %get3A_0 = arith.constant 0 : index
    %get3A_1 = vector.load %arg1[%get3A, %get3A_0] : memref<2000x128xf32, #tpu.memory_space<vmem>>, vector<2000x128xf32>
    %get3A_2 = arith.constant 0 : index
    %get3A_3 = arith.constant 0 : index
    %get3A_4 = vector.load %arg2[%get3A_2, %get3A_3] : memref<128x128xf32, #tpu.memory_space<vmem>>, vector<128x128xf32>
    %dot_general3A = arith.constant dense<0.000000e+00> : vector<2000x128xf32>
    %dot_general3A_5 = tpu.matmul %get3A_1, %get3A_4, %dot_general3A {dimension_numbers = #tpu.dot_dimension_numbers<[1], [0], [0], [1], [0, 0, 1, 1], [], []>, transpose_lhs_hint = false} : vector<2000x128xf32>, vector<128x128xf32>, vector<2000x128xf32> -> vector<2000x128xf32>
    %get3A_6 = arith.constant 0 : index
    %get3A_7 = arith.constant 0 : index
    %get3A_8 = vector.load %arg3[%get3A_6, %get3A_7] : memref<128x128xf32, #tpu.memory_space<vmem>>, vector<128x128xf32>
    %dot_general3A_9 = arith.constant dense<0.000000e+00> : vector<2000x128xf32>
    %dot_general3A_10 = tpu.matmul %get3A_1, %get3A_8, %dot_general3A_9 {dimension_numbers = #tpu.dot_dimension_numbers<[1], [0], [0], [1], [0, 0, 1, 1], [], []>, transpose_lhs_hint = false} : vector<2000x128xf32>, vector<128x128xf32>, vector<2000x128xf32> -> vector<2000x128xf32>
    %swap3A = arith.constant 0 : index
    %swap3A_11 = arith.constant 0 : index
    %swap3A_12 = vector.load %arg7[%swap3A, %swap3A_11] : memref<2000x128xf32, #tpu.memory_space<vmem>>, vector<2000x128xf32>
    tpu.vector_store %arg7[%swap3A, %swap3A_11], %dot_general3A_5 {strides = array<i32>} : memref<2000x128xf32, #tpu.memory_space<vmem>>, vector<2000x128xf32>,
    %swap3A_13 = arith.constant 0 : index
    %swap3A_14 = arith.constant 0 : index
    %swap3A_15 = vector.load %arg8[%swap3A_13, %swap3A_14] : memref<2000x128xf32, #tpu.memory_space<vmem>>, vector<2000x128xf32>
    tpu.vector_store %arg8[%swap3A_13, %swap3A_14], %dot_general3A_10 {strides = array<i32>} : memref<2000x128xf32, #tpu.memory_space<vmem>>, vector<2000x128xf32>,
    %get3A_16 = arith.constant 0 : index
    %get3A_17 = arith.constant 0 : index
    %get3A_18 = vector.load %arg4[%get3A_16, %get3A_17] : memref<128x128xf32, #tpu.memory_space<vmem>>, vector<128x128xf32>
    %dot_general3A_19 = arith.constant dense<0.000000e+00> : vector<2000x128xf32>
    %dot_general3A_20 = tpu.matmul %get3A_1, %get3A_18, %dot_general3A_19 {dimension_numbers = #tpu.dot_dimension_numbers<[1], [0], [0], [1], [0, 0, 1, 1], [], []>, transpose_lhs_hint = false} : vector<2000x128xf32>, vector<128x128xf32>, vector<2000x128xf32> -> vector<2000x128xf32>
    %get3A_21 = arith.constant 0 : index
    %get3A_22 = arith.constant 0 : index
    %get3A_23 = vector.load %arg5[%get3A_21, %get3A_22] : memref<128x128xf32, #tpu.memory_space<vmem>>, vector<128x128xf32>
    %dot_general3A_24 = arith.constant dense<0.000000e+00> : vector<2000x128xf32>
    %dot_general3A_25 = tpu.matmul %dot_general3A_5, %get3A_23, %dot_general3A_24 {dimension_numbers = #tpu.dot_dimension_numbers<[1], [0], [0], [1], [0, 0, 1, 1], [], []>, transpose_lhs_hint = false} : vector<2000x128xf32>, vector<128x128xf32>, vector<2000x128xf32> -> vector<2000x128xf32>
    %add3A = arith.addf %dot_general3A_20, %dot_general3A_25 : vector<2000x128xf32>
    %swap3A_26 = arith.constant 0 : index
    %swap3A_27 = arith.constant 0 : index
    %swap3A_28 = vector.load %arg9[%swap3A_26, %swap3A_27] : memref<2000x128xf32, #tpu.memory_space<vmem>>, vector<2000x128xf32>
    tpu.vector_store %arg9[%swap3A_26, %swap3A_27], %add3A {strides = array<i32>} : memref<2000x128xf32, #tpu.memory_space<vmem>>, vector<2000x128xf32>,
    %get3A_29 = arith.constant 0 : index
    %get3A_30 = arith.constant 0 : index
    %get3A_31 = vector.load %arg6[%get3A_29, %get3A_30] : memref<128x128xf32, #tpu.memory_space<vmem>>, vector<128x128xf32>
    %dot_general3A_32 = arith.constant dense<0.000000e+00> : vector<2000x128xf32>
    %dot_general3A_33 = tpu.matmul %dot_general3A_10, %get3A_31, %dot_general3A_32 {dimension_numbers = #tpu.dot_dimension_numbers<[1], [0], [0], [1], [0, 0, 1, 1], [], []>, transpose_lhs_hint = false} : vector<2000x128xf32>, vector<128x128xf32>, vector<2000x128xf32> -> vector<2000x128xf32>
    %swap3A_34 = arith.constant 0 : index
    %swap3A_35 = arith.constant 0 : index
    %swap3A_36 = vector.load %arg10[%swap3A_34, %swap3A_35] : memref<2000x128xf32, #tpu.memory_space<vmem>>, vector<2000x128xf32>
    tpu.vector_store %arg10[%swap3A_34, %swap3A_35], %dot_general3A_33 {strides = array<i32>} : memref<2000x128xf32, #tpu.memory_space<vmem>>, vector<2000x128xf32>,
    return
  }
  func.func @transform_0(%arg0: i32) -> (i32, i32) {
    %c0_i32 = arith.constant 0 : i32
    %c0_i32_0 = arith.constant 0 : i32
    return %arg0, %c0_i32 : i32, i32
  }
  func.func @transform_1(%arg0: i32) -> (i32, i32) {
    %c0_i32 = arith.constant 0 : i32
    %c0_i32_0 = arith.constant 0 : i32
    %c0_i32_1 = arith.constant 0 : i32
    return %c0_i32, %c0_i32_0 : i32, i32
  }
  func.func @transform_2(%arg0: i32) -> (i32, i32) {
    %c0_i32 = arith.constant 0 : i32
    %c0_i32_0 = arith.constant 0 : i32
    %c0_i32_1 = arith.constant 0 : i32
    return %c0_i32, %c0_i32_0 : i32, i32
  }
  func.func @transform_3(%arg0: i32) -> (i32, i32) {
    %c0_i32 = arith.constant 0 : i32
    %c0_i32_0 = arith.constant 0 : i32
    %c0_i32_1 = arith.constant 0 : i32
    return %c0_i32, %c0_i32_0 : i32, i32
  }
  func.func @transform_4(%arg0: i32) -> (i32, i32) {
    %c0_i32 = arith.constant 0 : i32
    %c0_i32_0 = arith.constant 0 : i32
    %c0_i32_1 = arith.constant 0 : i32
    return %c0_i32, %c0_i32_0 : i32, i32
  }
  func.func @transform_5(%arg0: i32) -> (i32, i32) {
    %c0_i32 = arith.constant 0 : i32
    %c0_i32_0 = arith.constant 0 : i32
    %c0_i32_1 = arith.constant 0 : i32
    return %c0_i32, %c0_i32_0 : i32, i32
  }
  func.func @transform_6(%arg0: i32) -> (i32, i32) {
    %c0_i32 = arith.constant 0 : i32
    %c0_i32_0 = arith.constant 0 : i32
    return %arg0, %c0_i32 : i32, i32
  }
  func.func @transform_7(%arg0: i32) -> (i32, i32) {
    %c0_i32 = arith.constant 0 : i32
    %c0_i32_0 = arith.constant 0 : i32
    return %arg0, %c0_i32 : i32, i32
  }
  func.func @transform_8(%arg0: i32) -> (i32, i32) {
    %c0_i32 = arith.constant 0 : i32
    %c0_i32_0 = arith.constant 0 : i32
    return %arg0, %c0_i32 : i32, i32
  }
  func.func @transform_9(%arg0: i32) -> (i32, i32) {
    %c0_i32 = arith.constant 0 : i32
    %c0_i32_0 = arith.constant 0 : i32
    return %arg0, %c0_i32 : i32, i32
  }
}

module attributes {stable_mosaic.version = 14 : i64} {
  func.func @_edge_prep_body(%arg0: i32, %arg1: memref<2000x128xf32, #tpu.memory_space<vmem>>, %arg2: memref<128x128xf32, #tpu.memory_space<vmem>>, %arg3: memref<1x128xf32, #tpu.memory_space<vmem>>, %arg4: memref<128x16xf32, #tpu.memory_space<vmem>>, %arg5: memref<2000x128xf32, #tpu.memory_space<vmem>>, %arg6: memref<2000x16xf32, #tpu.memory_space<vmem>>) attributes {dimension_semantics = [#tpu.dimension_semantics<arbitrary>], iteration_bounds = array<i64: 160>, scalar_prefetch = 0 : i64, scratch_operands = 0 : i64, tpu.core_type = #tpu.core_type<tc>, window_params = [{transform_indices = @transform_0, window_bounds = array<i64: 2000, 128>}, {pipeline_mode = #tpu.pipeline_mode<synchronous>, transform_indices = @transform_1, window_bounds = array<i64: 128, 128>}, {pipeline_mode = #tpu.pipeline_mode<synchronous>, transform_indices = @transform_2, window_bounds = array<i64: 1, 128>}, {pipeline_mode = #tpu.pipeline_mode<synchronous>, transform_indices = @transform_3, window_bounds = array<i64: 128, 16>}, {transform_indices = @transform_4, window_bounds = array<i64: 2000, 128>}, {transform_indices = @transform_5, window_bounds = array<i64: 2000, 16>}]} {
    %get3A = arith.constant 0 : index
    %get3A_0 = arith.constant 0 : index
    %get3A_1 = vector.load %arg1[%get3A, %get3A_0] : memref<2000x128xf32, #tpu.memory_space<vmem>>, vector<2000x128xf32>
    %get3A_2 = arith.constant 0 : index
    %get3A_3 = arith.constant 0 : index
    %get3A_4 = vector.load %arg2[%get3A_2, %get3A_3] : memref<128x128xf32, #tpu.memory_space<vmem>>, vector<128x128xf32>
    %dot_general3A = arith.constant dense<0.000000e+00> : vector<2000x128xf32>
    %dot_general3A_5 = tpu.matmul %get3A_1, %get3A_4, %dot_general3A {dimension_numbers = #tpu.dot_dimension_numbers<[1], [0], [0], [1], [0, 0, 1, 1], [], []>, transpose_lhs_hint = false} : vector<2000x128xf32>, vector<128x128xf32>, vector<2000x128xf32> -> vector<2000x128xf32>
    %get3A_6 = arith.constant 0 : index
    %get3A_7 = arith.constant 0 : index
    %get3A_8 = vector.load %arg3[%get3A_6, %get3A_7] : memref<1x128xf32, #tpu.memory_space<vmem>>, vector<1x128xf32>
    %add3A = vector.broadcast %get3A_8 : vector<1x128xf32> to vector<2000x128xf32>
    %add3A_9 = arith.addf %dot_general3A_5, %add3A : vector<2000x128xf32>
    %swap3A = arith.constant 0 : index
    %swap3A_10 = arith.constant 0 : index
    %swap3A_11 = vector.load %arg5[%swap3A, %swap3A_10] : memref<2000x128xf32, #tpu.memory_space<vmem>>, vector<2000x128xf32>
    tpu.vector_store %arg5[%swap3A, %swap3A_10], %add3A_9 {strides = array<i32>} : memref<2000x128xf32, #tpu.memory_space<vmem>>, vector<2000x128xf32>,
    %get3A_12 = arith.constant 0 : index
    %get3A_13 = arith.constant 0 : index
    %get3A_14 = vector.load %arg4[%get3A_12, %get3A_13] : memref<128x16xf32, #tpu.memory_space<vmem>>, vector<128x16xf32>
    %dot_general3A_15 = arith.constant dense<0.000000e+00> : vector<2000x16xf32>
    %dot_general3A_16 = tpu.matmul %add3A_9, %get3A_14, %dot_general3A_15 {dimension_numbers = #tpu.dot_dimension_numbers<[1], [0], [0], [1], [0, 0, 1, 1], [], []>, transpose_lhs_hint = false} : vector<2000x128xf32>, vector<128x16xf32>, vector<2000x16xf32> -> vector<2000x16xf32>
    %swap3A_17 = arith.constant 0 : index
    %swap3A_18 = arith.constant 0 : index
    %swap3A_19 = vector.load %arg6[%swap3A_17, %swap3A_18] : memref<2000x16xf32, #tpu.memory_space<vmem>>, vector<2000x16xf32>
    tpu.vector_store %arg6[%swap3A_17, %swap3A_18], %dot_general3A_16 {strides = array<i32>} : memref<2000x16xf32, #tpu.memory_space<vmem>>, vector<2000x16xf32>,
    return
  }
  func.func @transform_0(%arg0: i32) -> (i32, i32) {
    %c0_i32 = arith.constant 0 : i32
    %c0_i32_0 = arith.constant 0 : i32
    return %arg0, %c0_i32 : i32, i32
  }
  func.func @transform_1(%arg0: i32) -> (i32, i32) {
    %c0_i32 = arith.constant 0 : i32
    %c0_i32_0 = arith.constant 0 : i32
    %c0_i32_1 = arith.constant 0 : i32
    return %c0_i32, %c0_i32_0 : i32, i32
  }
  func.func @transform_2(%arg0: i32) -> (i32, i32) {
    %c0_i32 = arith.constant 0 : i32
    %c0_i32_0 = arith.constant 0 : i32
    %c0_i32_1 = arith.constant 0 : i32
    return %c0_i32, %c0_i32_0 : i32, i32
  }
  func.func @transform_3(%arg0: i32) -> (i32, i32) {
    %c0_i32 = arith.constant 0 : i32
    %c0_i32_0 = arith.constant 0 : i32
    %c0_i32_1 = arith.constant 0 : i32
    return %c0_i32, %c0_i32_0 : i32, i32
  }
  func.func @transform_4(%arg0: i32) -> (i32, i32) {
    %c0_i32 = arith.constant 0 : i32
    %c0_i32_0 = arith.constant 0 : i32
    return %arg0, %c0_i32 : i32, i32
  }
  func.func @transform_5(%arg0: i32) -> (i32, i32) {
    %c0_i32 = arith.constant 0 : i32
    %c0_i32_0 = arith.constant 0 : i32
    return %arg0, %c0_i32 : i32, i32
  }
}

module attributes {stable_mosaic.version = 14 : i64} {
  func.func @_final_body(%arg0: i32, %arg1: memref<2x2000x128xf32, #tpu.memory_space<vmem>>, %arg2: memref<2x2000x16xf32, #tpu.memory_space<vmem>>, %arg3: memref<16x128xf32, #tpu.memory_space<vmem>>, %arg4: memref<2000x128xf32, #tpu.memory_space<vmem>>, %arg5: memref<2000x128xf32, #tpu.memory_space<vmem>>, %arg6: memref<2000x128xf32, #tpu.memory_space<vmem>>) attributes {dimension_semantics = [#tpu.dimension_semantics<arbitrary>], iteration_bounds = array<i64: 5>, scalar_prefetch = 0 : i64, scratch_operands = 0 : i64, tpu.core_type = #tpu.core_type<tc>, window_params = [{transform_indices = @transform_0, window_bounds = array<i64: 2, 2000, 128>}, {transform_indices = @transform_1, window_bounds = array<i64: 2, 2000, 16>}, {pipeline_mode = #tpu.pipeline_mode<synchronous>, transform_indices = @transform_2, window_bounds = array<i64: 16, 128>}, {transform_indices = @transform_3, window_bounds = array<i64: 2000, 128>}, {transform_indices = @transform_4, window_bounds = array<i64: 2000, 128>}, {transform_indices = @transform_5, window_bounds = array<i64: 2000, 128>}]} {
    %get3A = arith.constant 0 : index
    %get3A_0 = arith.constant 0 : index
    %get3A_1 = arith.constant 0 : index
    %get3A_2 = vector.load %arg2[%get3A, %get3A_0, %get3A_1] : memref<2x2000x16xf32, #tpu.memory_space<vmem>>, vector<1x2000x16xf32>
    %get3A_3 = vector.shape_cast %get3A_2 : vector<1x2000x16xf32> to vector<2000x16xf32>
    %get3A_4 = arith.constant 1 : index
    %get3A_5 = arith.constant 0 : index
    %get3A_6 = arith.constant 0 : index
    %get3A_7 = vector.load %arg2[%get3A_4, %get3A_5, %get3A_6] : memref<2x2000x16xf32, #tpu.memory_space<vmem>>, vector<1x2000x16xf32>
    %get3A_8 = vector.shape_cast %get3A_7 : vector<1x2000x16xf32> to vector<2000x16xf32>
    %add3A = arith.addf %get3A_3, %get3A_8 : vector<2000x16xf32>
    %get3A_9 = arith.constant 0 : index
    %get3A_10 = arith.constant 0 : index
    %get3A_11 = vector.load %arg3[%get3A_9, %get3A_10] : memref<16x128xf32, #tpu.memory_space<vmem>>, vector<16x128xf32>
    %dot_general3A = arith.constant dense<0.000000e+00> : vector<2000x128xf32>
    %dot_general3A_12 = tpu.matmul %add3A, %get3A_11, %dot_general3A {dimension_numbers = #tpu.dot_dimension_numbers<[1], [0], [0], [1], [0, 0, 1, 1], [], []>, transpose_lhs_hint = false} : vector<2000x16xf32>, vector<16x128xf32>, vector<2000x128xf32> -> vector<2000x128xf32>
    %gt3A = arith.constant 0.000000e+00 : f32
    %gt3A_13 = vector.broadcast %gt3A : f32 to vector<2000x128xf32>
    %gt3A_14 = arith.cmpf ogt, %dot_general3A_12, %gt3A_13 : vector<2000x128xf32>
    %div3A = arith.constant 1.000000e+00 : f32
    %div3A_15 = vector.broadcast %div3A : f32 to vector<2000x128xf32>
    %div3A_16 = arith.divf %div3A_15, %dot_general3A_12 : vector<2000x128xf32>
    %jit3A = arith.constant 0.000000e+00 : f32
    %broadcast_in_dim3A = vector.broadcast %jit3A : f32 to vector<2000x128xf32>
    %select_n3A = arith.select %gt3A_14, %div3A_16, %broadcast_in_dim3A : vector<2000x128xi1>, vector<2000x128xf32>
    %gt3A_17 = arith.constant 0.000000e+00 : f32
    %gt3A_18 = vector.broadcast %gt3A_17 : f32 to vector<2000x128xf32>
    %gt3A_19 = arith.cmpf ogt, %dot_general3A_12, %gt3A_18 : vector<2000x128xf32>
    %get3A_20 = arith.constant 0 : index
    %get3A_21 = arith.constant 0 : index
    %get3A_22 = vector.load %arg4[%get3A_20, %get3A_21] : memref<2000x128xf32, #tpu.memory_space<vmem>>, vector<2000x128xf32>
    %jit3A_23 = arith.constant 0.000000e+00 : f32
    %broadcast_in_dim3A_24 = vector.broadcast %jit3A_23 : f32 to vector<2000x128xf32>
    %select_n3A_25 = arith.select %gt3A_19, %get3A_22, %broadcast_in_dim3A_24 : vector<2000x128xi1>, vector<2000x128xf32>
    %get3A_26 = arith.constant 0 : index
    %get3A_27 = arith.constant 0 : index
    %get3A_28 = arith.constant 0 : index
    %get3A_29 = vector.load %arg1[%get3A_26, %get3A_27, %get3A_28] : memref<2x2000x128xf32, #tpu.memory_space<vmem>>, vector<1x2000x128xf32>
    %get3A_30 = vector.shape_cast %get3A_29 : vector<1x2000x128xf32> to vector<2000x128xf32>
    %get3A_31 = arith.constant 1 : index
    %get3A_32 = arith.constant 0 : index
    %get3A_33 = arith.constant 0 : index
    %get3A_34 = vector.load %arg1[%get3A_31, %get3A_32, %get3A_33] : memref<2x2000x128xf32, #tpu.memory_space<vmem>>, vector<1x2000x128xf32>
    %get3A_35 = vector.shape_cast %get3A_34 : vector<1x2000x128xf32> to vector<2000x128xf32>
    %add3A_36 = arith.addf %get3A_30, %get3A_35 : vector<2000x128xf32>
    %mul3A = arith.mulf %add3A_36, %select_n3A : vector<2000x128xf32>
    %add3A_37 = arith.addf %mul3A, %select_n3A_25 : vector<2000x128xf32>
    %get3A_38 = arith.constant 0 : index
    %get3A_39 = arith.constant 0 : index
    %get3A_40 = vector.load %arg5[%get3A_38, %get3A_39] : memref<2000x128xf32, #tpu.memory_space<vmem>>, vector<2000x128xf32>
    %add3A_41 = arith.addf %add3A_37, %get3A_40 : vector<2000x128xf32>
    %max3A = arith.constant 0.000000e+00 : f32
    %max3A_42 = vector.broadcast %max3A : f32 to vector<2000x128xf32>
    %max3A_43 = arith.maximumf %add3A_41, %max3A_42 : vector<2000x128xf32>
    %swap3A = arith.constant 0 : index
    %swap3A_44 = arith.constant 0 : index
    %swap3A_45 = vector.load %arg6[%swap3A, %swap3A_44] : memref<2000x128xf32, #tpu.memory_space<vmem>>, vector<2000x128xf32>
    tpu.vector_store %arg6[%swap3A, %swap3A_44], %max3A_43 {strides = array<i32>} : memref<2000x128xf32, #tpu.memory_space<vmem>>, vector<2000x128xf32>,
    return
  }
  func.func @transform_0(%arg0: i32) -> (i32, i32, i32) {
    %c0_i32 = arith.constant 0 : i32
    %c0_i32_0 = arith.constant 0 : i32
    %c0_i32_1 = arith.constant 0 : i32
    return %c0_i32, %arg0, %c0_i32_0 : i32, i32, i32
  }
  func.func @transform_1(%arg0: i32) -> (i32, i32, i32) {
    %c0_i32 = arith.constant 0 : i32
    %c0_i32_0 = arith.constant 0 : i32
    %c0_i32_1 = arith.constant 0 : i32
    return %c0_i32, %arg0, %c0_i32_0 : i32, i32, i32
  }
  func.func @transform_2(%arg0: i32) -> (i32, i32) {
    %c0_i32 = arith.constant 0 : i32
    %c0_i32_0 = arith.constant 0 : i32
    %c0_i32_1 = arith.constant 0 : i32
    return %c0_i32, %c0_i32_0 : i32, i32
  }
  func.func @transform_3(%arg0: i32) -> (i32, i32) {
    %c0_i32 = arith.constant 0 : i32
    %c0_i32_0 = arith.constant 0 : i32
    return %arg0, %c0_i32 : i32, i32
  }
  func.func @transform_4(%arg0: i32) -> (i32, i32) {
    %c0_i32 = arith.constant 0 : i32
    %c0_i32_0 = arith.constant 0 : i32
    return %arg0, %c0_i32 : i32, i32
  }
  func.func @transform_5(%arg0: i32) -> (i32, i32) {
    %c0_i32 = arith.constant 0 : i32
    %c0_i32_0 = arith.constant 0 : i32
    return %arg0, %c0_i32 : i32, i32
  }
}

</mosaic_0001>

<sc_bundles>
// kernel: kernel.10.cloned.1.call-start
scs
__scs_entry_jumppad:
0x0: {  	(pc) =	sbr.rel $0x88, $3  }
0x1: {  	(tag) =	ssettag $0x0;
	lr =	simm.s32 $0x1  }
0x2: {  	[smem:$0x3F9A] =	sst lr;
	_ =	strace $0xD0000000  }
0x3: {  	_ = 	snop  }
0x4: {  	_ = 	snop  }
0x5: {  	_ = 	snop  }
0x6: {  	_ = 	snop  }
0x7: {  	_ = 	snop  }
__scs_overlays_trampoline_lowered:
0x8: {  	[smem:$0x3FA9] =	sst s0  }
0x9: {  	[smem:$0x3FAA] =	sst s1  }
0xa: {  	[smem:$0x3FAB] =	sst s2  }
0xb: {  	[smem:$0x3FAC] =	sst s3  }
0xc: {  	[smem:$0x3FAD] =	sst s4  }
0xd: {  	[smem:$0x3FAE] =	sst s5  }
0xe: {  	[smem:$0x3FAF] =	sst s6  }
0xf: {  	[smem:$0x3FB0] =	sst s7  }
0x10: {  	[smem:$0x3FB1] =	sst s8  }
0x11: {  	[smem:$0x3FB2] =	sst s9;
	s0 =	simm.s32 @!p0 $0x0  }
0x12: {  	s1 =	sld [smem:$0x3F98];
	s0 =	simm.s32 @p0 $0x1  }
0x13: {  	[smem:$0x3FB3] =	sst s0;
	s0 =	simm.s32 @!p1 $0x0  }
0x14: {  	s2 =	sld [smem:$0x3F97];
	s0 =	simm.s32 @p1 $0x1  }
0x15: {  	[smem:$0x3FB4] =	sst s0;
	s0 =	simm.s32 @!p2 $0x0  }
0x16: {  	s3 =	sld [smem:$0x3FDB];
	s0 =	simm.s32 @p2 $0x1  }
0x17: {  	s4 =	simm.s32 $0x1BF5;
	[smem:$0x3FB6] =	sst s0  }
0x18: {  	s0 =	sld [smem:$0x3F99];
	_ =	swait.ge [sflag:s4], $0x0  }
0x19: {  	s7 =	sld [smem:$0x3F9A]  }
0x1a: {  	s8 =	sadd.s32 $0xFFFFE003, lr  }
0x1b: {  	s9 =	sadd.s32 $0xFFFFFEF7, lr;
	s5 =	simm.s32 $0xFFFFFFFF;
	p2 =	slt.u32 s8, $0xFFFFF086  }
0x1c: {  	p1 =	slt.u32 s9, $0xF7A;
	s5 =	simm.s32 @!p2 $0x0  }
0x1d: {  	s5 =	simm.s32 @p1 $0x1;
	p0 =	seq.s32 s7, s2  }
0x1e: {  	s7 =	smul.u32 @!p0 $0xF7A, s2;
	p2 =	seq.s32 @!p0 s5, $0x0  }
0x1f: {  	s9 =	smul.u32 $0xF7A, s1;
	s8 =	simm.s32 @!p0 $0x1BF5;
	p2 =	por !p2, p0  }
0x20: {  	[sflag:s8] =	ssyncset.s32 @!p0 $0xFFFFF086;
	s6 =	sadd.s32 @!p0 s3, s7;
	s7 =	simm.s32 @!p0 $0x108  }
0x21: {  	s3 =	sadd.s32 s3, s9;
	s6 =	sadd.s32 @!p0 $0x88, s6;
	s7 =	simm.s32 @p2 $0x1082  }
0x22: {  	[simem:s7], [sflag:s8] =	dma.local @!p0 [hbm:s6], $0xF7A  }
0x23: {  	s9 =	sor.u32 $0xD0000000, s2;
	s6 =	simm.s32 $0x108;
	_ =	swait.ge @!p0 [sflag:s8], $0x0  }
0x24: {  	s3 =	sadd.s32 $0x88, s3;
	s6 =	simm.s32 @!p1 $0x1082;
	[sflag:s4] =	ssyncset.s32 $0xFFFFF086  }
0x25: {  	[simem:s6], [sflag:s4] =	dma.local [hbm:s3], $0xF7A  }
0x26: {  	[smem:$0x3F9A] =	sst s1;
	(tag) =	ssettag s2;
	_ =	strace s9  }
0x27: {  	s1 =	sld [smem:$0x3FAA]  }
0x28: {  	s2 =	sld [smem:$0x3FAB]  }
0x29: {  	s4 =	sld [smem:$0x3FAD]  }
0x2a: {  	p0 =	seq.s32 s5, $0x0;
	s5 =	sld [smem:$0x3FAE]  }
0x2b: {  	s6 =	sld [smem:$0x3FAF]  }
0x2c: {  	s7 =	sld [smem:$0x3FB0]  }
0x2d: {  	s3 =	simm.s32 $0x108;
	s8 =	sld [smem:$0x3FB1]  }
0x2e: {  	s3 =	simm.s32 @!p0 $0x1082;
	s9 =	sld [smem:$0x3FB2]  }
0x2f: {  	lr =	sadd.s32 s0, s3;
	s0 =	sld [smem:$0x3FA9]  }
0x30: {  	s3 =	sld [smem:$0x3FAC]  }
0x31: {  	[smem:$0x3FB5] =	sst s10  }
0x32: {  	s10 =	sld [smem:$0x3FB3];
	_ =	sdelay $0x3  }
0x33: {  	p0 =	seq.s32 s10, $0x1;
	s10 =	sld [smem:$0x3FB5];
	_ =	sdelay $0x3  }
0x34: {  	[smem:$0x3FB5] =	sst s10  }
0x35: {  	s10 =	sld [smem:$0x3FB4];
	_ =	sdelay $0x3  }
0x36: {  	p1 =	seq.s32 s10, $0x1;
	s10 =	sld [smem:$0x3FB5];
	_ =	sdelay $0x3  }
0x37: {  	[smem:$0x3FB5] =	sst s10  }
0x38: {  	s10 =	sld [smem:$0x3FB6]  }
0x39: {  	_ = 	snop;
	(pc) =	sbr.ind lr, $3  }
0x3a: {  	_ = 	snop  }
0x3b: {  	_ = 	snop  }
0x3c: {  	p2 =	seq.s32 s10, $0x1;
	s10 =	sld [smem:$0x3FB5]  }
0x3d: {  	_ =	shalt  }
0x3e: {  	_ =	shalt  }
0x3f: {  	_ =	shalt  }
0x40: {  	_ =	shalt  }
0x41: {  	_ =	shalt  }
0x42: {  	_ =	shalt  }
0x43: {  	_ =	shalt  }
0x44: {  	_ =	shalt  }
0x45: {  	_ =	shalt  }
0x46: {  	_ =	shalt  }
0x47: {  	_ =	shalt  }
0x48: {  	_ =	shalt  }
0x49: {  	_ =	shalt  }
0x4a: {  	_ =	shalt  }
0x4b: {  	_ =	shalt  }
0x4c: {  	_ =	shalt  }
0x4d: {  	_ =	shalt  }
0x4e: {  	_ =	shalt  }
0x4f: {  	_ =	shalt  }
0x50: {  	_ =	shalt  }
0x51: {  	_ =	shalt  }
0x52: {  	_ =	shalt  }
0x53: {  	_ =	shalt  }
0x54: {  	_ =	shalt  }
0x55: {  	_ =	shalt  }
0x56: {  	_ =	shalt  }
0x57: {  	_ =	shalt  }
0x58: {  	_ =	shalt  }
0x59: {  	_ =	shalt  }
0x5a: {  	_ =	shalt  }
0x5b: {  	_ =	shalt  }
0x5c: {  	_ =	shalt  }
0x5d: {  	_ =	shalt  }
0x5e: {  	_ =	shalt  }
0x5f: {  	_ =	shalt  }
0x60: {  	_ =	shalt  }
0x61: {  	_ =	shalt  }
0x62: {  	_ =	shalt  }
0x63: {  	_ =	shalt  }
0x64: {  	_ =	shalt  }
0x65: {  	_ =	shalt  }
0x66: {  	_ =	shalt  }
0x67: {  	_ =	shalt  }
0x68: {  	_ =	shalt  }
0x69: {  	_ =	shalt  }
0x6a: {  	_ =	shalt  }
0x6b: {  	_ =	shalt  }
0x6c: {  	_ =	shalt  }
0x6d: {  	_ =	shalt  }
0x6e: {  	_ =	shalt  }
0x6f: {  	_ =	shalt  }
0x70: {  	_ =	shalt  }
0x71: {  	_ =	shalt  }
0x72: {  	_ =	shalt  }
0x73: {  	_ =	shalt  }
0x74: {  	_ =	shalt  }
0x75: {  	_ =	shalt  }
0x76: {  	_ =	shalt  }
0x77: {  	_ =	shalt  }
0x78: {  	_ =	shalt  }
0x79: {  	_ =	shalt  }
0x7a: {  	_ =	shalt  }
0x7b: {  	_ =	shalt  }
0x7c: {  	_ =	shalt  }
0x7d: {  	_ =	shalt  }
0x7e: {  	_ =	shalt  }
0x7f: {  	_ =	shalt  }
0x80: {  	_ =	shalt  }
0x81: {  	_ =	shalt  }
0x82: {  	_ =	shalt  }
0x83: {  	_ =	shalt  }
0x84: {  	_ =	shalt  }
0x85: {  	_ =	shalt  }
0x86: {  	_ =	shalt  }
0x87: {  	_ =	shalt  }
.Lfunc_end0:
.L_simem_size_0:
called_computation.1_lowered:
.L_overlay_start_0:
0x88: {  	s2 =	sld [smem:$0x3FD9]  }
0x89: {  	s3 =	sld [smem:$0x3FFE];
	_ =	sdelay $0x1  }
0x8a: {  	s1 =	srdreg.scid  }
0x8b: {  	s0 =	sand.u32 $0x1, s1  }
0x8c: {  	s17 =	sshll.u32 s0, $0xA;
	s2 =	sadd.s32 s3, s2  }
0x8d: {  	s2 =	sadd.s32 s2, s17  }
0x8e: {  	[smem:$0x3FC1] =	sst s2  }
0x8f: {  	_ = 	snop  }
0x90: {  	s2 =	sld [smem:$0x3FD0];
	(tm) =	ssettm $0x1  }
0x91: {  	s18 =	sld [smem:$0x3FFB];
	_ =	sdelay $0x3  }
0x92: {  	_ =	strace s18  }
0x93: {  	s3 =	sld [smem:$0x3FFC];
	_ =	sdelay $0x3  }
0x94: {  	_ =	strace s3  }
0x95: {  	s3 =	sld [smem:$0x3FFD];
	_ =	sdelay $0x3  }
0x96: {  	_ =	strace s3  }
0x97: {  	_ =	strace $0x8FFFFFFF  }
0x98: {  	s19 =	sld [smem:$0x3FDB];
	_ =	sdelay $0x1  }
0x99: {  	s4 =	simm.s32 $_scs_section_size  }
0x9a: {  	s5 =	simm.s32 $_size__tile_overlayer_lowered;
	s6 =	simm.s32 $_tile_overlayer_lowered  }
0x9b: {  	s22 =	simm.s32 $0x1BFF;
	s21 =	sshll.u32 s6, $0x1;
	s3 =	sadd.s32 s4, s19  }
0x9c: {  	s7 =	simm.s32 $0x0;
	s20 =	sshll.u32 s5, $0x1;
	s5 =	sadd.s32 s21, s3  }
0x9d: {  	[timem:s7], [sflag:s22] =	dma.local [hbm:s5], s20  }
0x9e: {  	_ =	swait.ge [sflag:s22], s20  }
0x9f: {  	s4 =	ssub.s32 $0x0, s20;
	[sflag:s22] =	ssyncset.done $0x0  }
0xa0: {  	[sflag:s22] =	ssyncadd.s32 s4;
	_ =	sdelay $0x1  }
0xa1: {  	s23 =	simm.s32 $0x1B8B  }
0xa2: {  	_ =	swait.ge [sflag:s23], $0x1  }
0xa3: {  	[sflag:s23] =	ssyncset.done $0x0  }
0xa4: {  	s25 =	simm.s32 $0x1B8E;
	s24 =	sld [smem:$0x3FFE];
	[sflag:s23] =	ssyncadd.s32 $0xFFFFFFFF  }
0xa5: {  	s26 =	simm.s32 $execute0_lowered;
	[smem:$0x3FD2] =	sst s25  }
0xa6: {  	s5 =	sshll.u32 s26, $0x1;
	_ =	strace $0x80000049;
	[dreg:$0x1] =	wrdreg $0xFFFFFFFF  }
0xa7: {  	s28 =	simm.s32 $_size_execute0_lowered;
	s3 =	sadd.s32 s3, s5;
	[dreg:$0x0] =	wrdreg $0x0  }
0xa8: {  	s5 =	sshll.u32 s28, $0x1;
	[dreg:$0x2] =	wrdreg s3  }
0xa9: {  	[dreg:$0x3] =	wrdreg s5  }
0xaa: {  	[dreg:$0x4] =	wrdreg $0xC0  }
0xab: {  	_ =	task [dreg:s7], $0x5FFFF  }
0xac: {  	[dreg:$0x1] =	wrdreg $0xFFFFFFFF  }
0xad: {  	[dreg:$0x0] =	wrdreg $0x60  }
0xae: {  	[dreg:$0x2] =	wrdreg s24  }
0xaf: {  	[dreg:$0x3] =	wrdreg s2  }
0xb0: {  	[dreg:$0x4] =	wrdreg $0x5500  }
0xb1: {  	[dreg:$0x5] =	wrdreg $0x9  }
0xb2: {  	_ =	task.clear_ibuf [dreg:s7], $0x6FFFF;
	_ =	strace $0x90000049  }
0xb3: {  	s29 =	simm.s32 $0x9;
	_ =	strace $0x8000004B  }
0xb4: {  	_ =	swait.ge [sflag:s29], $0x1  }
0xb5: {  	[sflag:s29] =	ssyncadd.s32 $0xFFFFFFFF  }
0xb6: {  	_ =	strace $0x9000004B  }
0xb7: {  	_ =	sfence  }
0xb8: {  	s30 =	sld [smem:$0x0];
	_ =	sdelay $0x2  }
0xb9: {  	s31 =	sshll.u32 s1, $0xD;
	s1 =	sshrl.u32 s1, $0x2  }
0xba: {  	s3 =	sand.u32 $0x4000, s31;
	s1 =	sadd.s32 s1, s30  }
0xbb: {  	s0 =	sor.u32 s3, s0;
	s1 =	sshll.u32 s1, $0x11  }
0xbc: {  	s0 =	sor.u32 s1, s0  }
0xbd: {  	s0 =	sadd.s32 $0x8F2B, s0  }
0xbe: {  	[sflag:s0] =	ssyncadd.remote.s32 $0x1  }
0xbf: {  	_ =	sfence.sel $0xFFFF  }
0xc0: {  	[dreg:$0x0] =	wrdreg $0xFFFFFFFF;
	(pc) =	sbr.abs _section_cstart, $3  }
0xc1: {  	[dreg:$0x1] =	wrdreg $0xFFFFFFFF  }
0xc2: {  	_ =	task.clear_ibuf [dreg:s7], $0x2FFFF;
	_ =	strace $0x9FFFFFFF  }
0xc3: {  	(tm) =	ssettm $0x7FFFFFFF  }
tec
execute0_lowered:
.L_overlay_start_1:
0x0: {  	(tag) =	ssettag $0x1  }
0x1: {  	s3 =	rddreg [dreg:$0x0];
	s0 =	srdreg.scid  }
0x2: {  	s16 =	stileid.u32;
	s4 =	rddreg [dreg:$0x1]  }
0x3: {  	s1 =	rddreg [dreg:$0x2];
	s2 =	simm.s32 $0x0;
	s6 =	smul.u32 $0x4E20, s16  }
0x4: {  	s5 =	sand.u32 $0x1, s0;
	s0 =	rddreg [dreg:$0x3];
	s28 =	smul.u32 $0x9C40, s16  }
0x5: {  	[smem:$0x7FF] =	sst s2;
	s8 =	smul.u32 $0xA000, s16;
	s17 =	sadd.s32 $0x25800, s1  }
0x6: {  	s18 =	sadd.s32 $0x25D00, s1;
	s19 =	sadd.s32 $0x26200, s1;
	s20 =	sadd.s32 $0x26700, s1  }
0x7: {  	s21 =	sadd.s32 $0x26C00, s1;
	p0 =	seq.s32 s16, $0xF;
	s7 =	smul.u32 $0x2710, s5  }
0x8: {  	p1 =	sne.s32 s16, $0x0;
	s16 =	simm.s32 $0x1;
	_ =	strace $0x8000004A  }
0x9: {  	s29 =	ssub.s32 $0x2, s5;
	s13 =	smul.u32 $0x4E20, s5;
	s6 =	sadd.s32 s7, s6  }
0xa: {  	s15 =	sadd.s32 s28, s3;
	s30 =	sshrl.u32 s29, $0x1;
	s6 =	sshrl.u32 s6, $0x3  }
0xb: {  	s31 =	sshrl.u32 s8, $0x2;
	s14 =	sadd.s32 s6, s3;
	s6 =	ssub.s32 s29, s30  }
0xc: {  	s3 =	sadd.s32 s4, s13;
	s4 =	sadd.s32 s31, s1;
	s13 =	sadd.s32 s13, s15  }
0xd: {  	s15 =	simm.s32 $0x50;
	s5 =	smax.u32 s6, $0x1;
	s6 =	sadd.s32 $0x500, s4  }
0xe: {  	s7 =	sadd.s32 $0xA00, s4;
	s8 =	sadd.s32 $0xF00, s4;
	s9 =	sadd.s32 $0x1400, s4  }
0xf: {  	s10 =	sadd.s32 $0x1900, s4;
	s11 =	sadd.s32 $0x1E00, s4;
	s12 =	sadd.s32 $0x2300, s4  }
0x10: {  	s13 =	sadd.s32 $0x46C00, s13;
	s14 =	sadd.s32 $0x3CE00, s14;
	s8 =	smov.u32 @p0 s17  }
0x11: {  	s9 =	smov.u32 @p0 s18;
	s10 =	smov.u32 @p0 s19;
	s11 =	smov.u32 @p0 s20  }
0x12: {  	v0 =	vimm.f32 $0.0e+00;
	s12 =	smov.u32 @p0 s21;
	s17 =	sshrl.u32 @!p1 s1, $0x3;
	s18 =	simm.s32 $0x0  }
.LBB2_1:
0x13: {  	s19 =	simm.s32 $0x40;
	s20 =	simm.s32 $0x0  }
.LBB2_2:
0x14: {  	p2 =	sne.s32 s19, $0x13C0;
	[tilespmem:s20+$0x50] =	vst v0;
	s20 =	smov.u32 s19;
	s19 =	sadd.s32 $0x40, s19  }
.Ltmp0:
0x15: {  	(pc) =	sbr.rel @p2 .LBB2_2-.Ltmp0, $2  }
0x16: {  	_ =	sdelay $0x2  }
0x17: {  	s20 =	sshra.s32 s20, $0x2  }
0x18: {  	[tilespmem:s20+$0x50] =	vst v0;
	s19 =	simm.s32 @!p0 $0x50;
	s20 =	simm.s32 @!p0 $0x1  }
0x19: {  	[spmem:s4] =	stream.linear.scatter @!p0 [tilespmem:s19], [sflag:$0x1], $0x500, $0x38;
	[tilespmem:$0x2C60] =	vst v63  }
0x1a: {  	_ =	swait.ge @!p0 [sflag:s20], $0x500  }
0x1b: {  	[sflag:s20] =	ssyncset.done @!p0 $0x0  }
0x1c: {  	[sflag:s20] =	ssyncadd.s32 @!p0 $0xFFFFFB00  }
0x1d: {  	[spmem:s6] =	stream.linear.scatter @!p0 [tilespmem:s19], [sflag:$0x1], $0x500, $0x38;
	[tilespmem:$0x2C60] =	vst v63  }
0x1e: {  	_ =	swait.ge @!p0 [sflag:s20], $0x500  }
0x1f: {  	[sflag:s20] =	ssyncset.done @!p0 $0x0  }
0x20: {  	[sflag:s20] =	ssyncadd.s32 @!p0 $0xFFFFFB00  }
0x21: {  	[spmem:s7] =	stream.linear.scatter @!p0 [tilespmem:s19], [sflag:$0x1], $0x500, $0x38;
	[tilespmem:$0x2C60] =	vst v63  }
0x22: {  	_ =	swait.ge @!p0 [sflag:s20], $0x500  }
0x23: {  	[sflag:s20] =	ssyncset.done @!p0 $0x0  }
0x24: {  	[sflag:s20] =	ssyncadd.s32 @!p0 $0xFFFFFB00  }
0x25: {  	[spmem:s8] =	stream.linear.scatter [tilespmem:s15], [sflag:$0x1], $0x500, $0x38;
	[tilespmem:$0x2C60] =	vst v63  }
0x26: {  	_ =	swait.ge [sflag:s16], $0x500  }
0x27: {  	[sflag:s16] =	ssyncset.done $0x0  }
0x28: {  	[sflag:s16] =	ssyncadd.s32 $0xFFFFFB00  }
0x29: {  	[spmem:s9] =	stream.linear.scatter [tilespmem:s15], [sflag:$0x1], $0x500, $0x38;
	[tilespmem:$0x2C60] =	vst v63  }
0x2a: {  	_ =	swait.ge [sflag:s16], $0x500  }
0x2b: {  	[sflag:s16] =	ssyncset.done $0x0  }
0x2c: {  	[sflag:s16] =	ssyncadd.s32 $0xFFFFFB00  }
0x2d: {  	[spmem:s10] =	stream.linear.scatter [tilespmem:s15], [sflag:$0x1], $0x500, $0x38;
	[tilespmem:$0x2C60] =	vst v63  }
0x2e: {  	_ =	swait.ge [sflag:s16], $0x500  }
0x2f: {  	[sflag:s16] =	ssyncset.done $0x0  }
0x30: {  	[sflag:s16] =	ssyncadd.s32 $0xFFFFFB00  }
0x31: {  	[spmem:s11] =	stream.linear.scatter [tilespmem:s15], [sflag:$0x1], $0x500, $0x38;
	[tilespmem:$0x2C60] =	vst v63  }
0x32: {  	_ =	swait.ge [sflag:s16], $0x500  }
0x33: {  	[sflag:s16] =	ssyncset.done $0x0  }
0x34: {  	[sflag:s16] =	ssyncadd.s32 $0xFFFFFB00  }
0x35: {  	[spmem:s12] =	stream.linear.scatter [tilespmem:s15], [sflag:$0x1], $0x500, $0x38;
	[tilespmem:$0x2C60] =	vst v63  }
0x36: {  	_ =	swait.ge [sflag:s16], $0x500  }
0x37: {  	[sflag:s16] =	ssyncset.done $0x0  }
0x38: {  	[sflag:s16] =	ssyncadd.s32 $0xFFFFFB00  }
0x39: {  	s31 =	sadd.s32 $0x0, s14;
	[bflag:$0x0] =	sbarrier.arrive $0xFFFF  }
0x3a: {  	[tilespmem:s2], [sflag:$0x1] =	stream.linear.gather [hbm4b:s31+s2], $0x50, $0x38;
	[tilespmem:$0x2C60] =	vst v63  }
0x3b: {  	_ =	swait.ge [sflag:s16], $0x50  }
0x3c: {  	[sflag:s16] =	ssyncset.done $0x0  }
0x3d: {  	[sflag:s16] =	ssyncadd.s32 $0xFFFFFFB0  }
0x3e: {  	[tilespmem:s15], [sflag:$0x1] =	stream.linear.gather [hbm4b:s13+s2], $0x500, $0x38;
	[tilespmem:$0x2C60] =	vst v63  }
0x3f: {  	_ =	swait.ge [sflag:s16], $0x500  }
0x40: {  	[sflag:s16] =	ssyncset.done $0x0  }
0x41: {  	[sflag:s16] =	ssyncadd.s32 $0xFFFFFB00  }
0x42: {  	[spmem:s1] =	stream.indirect.scatter.add.f32 [tilespmem:s15], [sflag:$0x1], $0x10, s2, s15, $0xb8;
	[tilespmem:$0x2C60] =	vst v63  }
0x43: {  	s21 =	simm.s32 $0x14;
	_ =	swait.ge [sflag:s16], $0x500  }
0x44: {  	s19 =	sadd.s32 $0xA0, s13;
	s20 =	simm.s32 $0xA;
	[sflag:s16] =	ssyncset.done $0x0  }
.LBB2_4:
0x45: {  	s22 =	sadd.s32 s20, s14  }
0x46: {  	[sflag:s16] =	ssyncadd.s32 $0xFFFFFB00;
	s20 =	smov.u32 s21;
	s23 =	sadd.s32 $0xA, s21  }
0x47: {  	[tilespmem:s2], [sflag:$0x1] =	stream.linear.gather [hbm4b:s22+s2], $0x50, $0x38;
	[tilespmem:$0x2C60] =	vst v63  }
0x48: {  	p2 =	sne.s32 s21, $0x4D8;
	_ =	swait.ge [sflag:s16], $0x50  }
0x49: {  	[sflag:s16] =	ssyncset.done $0x0  }
0x4a: {  	[sflag:s16] =	ssyncadd.s32 $0xFFFFFFB0  }
0x4b: {  	[tilespmem:s15], [sflag:$0x1] =	stream.linear.gather [hbm4b:s19+s2], $0x500, $0x38;
	[tilespmem:$0x2C60] =	vst v63  }
0x4c: {  	_ =	swait.ge [sflag:s16], $0x500  }
.Ltmp1:
0x4d: {  	[sflag:s16] =	ssyncset.done $0x0;
	(pc) =	sbr.rel @p2 .LBB2_4-.Ltmp1, $4  }
0x4e: {  	[sflag:s16] =	ssyncadd.s32 $0xFFFFFB00  }
0x4f: {  	[spmem:s1] =	stream.indirect.scatter.add.f32 [tilespmem:s15], [sflag:$0x1], $0x10, s2, s15, $0xb8;
	[tilespmem:$0x2C60] =	vst v63  }
0x50: {  	_ =	swait.ge [sflag:s16], $0x500  }
0x51: {  	s21 =	smov.u32 s23;
	s19 =	sadd.s32 $0xA0, s19;
	[sflag:s16] =	ssyncset.done $0x0  }
0x52: {  	s20 =	sadd.s32 s20, s14;
	[sflag:s16] =	ssyncadd.s32 $0xFFFFFB00  }
0x53: {  	[tilespmem:s2], [sflag:$0x1] =	stream.linear.gather [hbm4b:s20+s2], $0x50, $0x38;
	[tilespmem:$0x2C60] =	vst v63  }
0x54: {  	_ =	swait.ge [sflag:s16], $0x50  }
0x55: {  	[sflag:s16] =	ssyncset.done $0x0  }
0x56: {  	[sflag:s16] =	ssyncadd.s32 $0xFFFFFFB0  }
0x57: {  	[tilespmem:s15], [sflag:$0x1] =	stream.linear.gather [hbm4b:s19+s2], $0x500, $0x38;
	[tilespmem:$0x2C60] =	vst v63  }
0x58: {  	_ =	swait.ge [sflag:s16], $0x500  }
0x59: {  	[sflag:s16] =	ssyncset.done $0x0  }
0x5a: {  	[sflag:s16] =	ssyncadd.s32 $0xFFFFFB00  }
0x5b: {  	[spmem:s1] =	stream.indirect.scatter.add.f32 [tilespmem:s15], [sflag:$0x1], $0x10, s2, s15, $0xb8;
	[tilespmem:$0x2C60] =	vst v63  }
0x5c: {  	_ =	swait.ge [sflag:s16], $0x500  }
0x5d: {  	[sflag:s16] =	ssyncset.done $0x0  }
0x5e: {  	s18 =	sadd.s32 $0x1, s18;
	[sflag:s16] =	ssyncadd.s32 $0xFFFFFB00  }
0x5f: {  	p2 =	sne.s32 s18, s5;
	s19 =	simm.s32 @!p1 $0x1C01;
	[bflag:$0x0] =	sbarrier.arrive $0xFFFF  }
0x60: {  	[hbm:s3], [sflag:s19] =	dma.local @!p1 [spmem:s17], $0x4E20  }
.Ltmp2:
0x61: {  	_ = 	snop;
	(pc) =	sbr.rel @p2 .LBB2_1-.Ltmp2, $4  }
0x62: {  	s19 =	simm.s32 @!p1 $0x1  }
0x63: {  	_ =	swait.ge @!p1 [sflag:s19], $0x4E20  }
0x64: {  	[sflag:s19] =	ssyncset.done @!p1 $0x0  }
0x65: {  	[sflag:s19] =	ssyncadd.s32 @!p1 $0xFFFFB1E0  }
0x66: {  	_ =	sfence.sel $0x180000  }
0x67: {  	[bflag:$0x0] =	sbarrier.arrive $0xFFFF  }
0x68: {  	_ =	strace $0x9000004A  }
0x69: {  	s0 =	sadd.s32 @!p1 $0x100000, s0;
	[bflag:$0x2] =	sbarrier.arrive $0xFFFF  }
0x6a: {  	[sflag:s0] =	ssyncadd.tile.s32 @!p1 $0x1;
	_ =	shalt  }
.Lfunc_end2:
_tile_overlayer_lowered:
.L_overlay_start_2:
0x6b: {  	(tag) =	ssettag $0x2  }
0x6c: {  	s0 =	rddreg [dreg:$0x0];
	s2 =	stileid.u32  }
0x6d: {  	s1 =	rddreg [dreg:$0x1];
	p0 =	sne.s32 s2, $0x0  }
0x6e: {  	s3 =	rddreg [dreg:$0x2];
	[bflag:$0x3] =	sbarrier.arrive $0xFFFF;
	s2 =	simm.s32 @!p0 $0x1C01  }
0x6f: {  	[timem:s3], [sflag:s2] =	dma.local @!p0 [hbm:s0], s1  }
0x70: {  	s0 =	simm.s32 @!p0 $0x1  }
0x71: {  	_ =	swait.ge @!p0 [sflag:s0], s1  }
0x72: {  	s1 =	ssub.s32 @!p0 $0x0, s1;
	[sflag:s0] =	ssyncset.done @!p0 $0x0  }
0x73: {  	[sflag:s0] =	ssyncadd.s32 @!p0 s1  }
0x74: {  	[bflag:$0x3] =	sbarrier.arrive $0xFFFF  }
0x75: {  	_ =	shalt  }

// kernel: kernel.7.cloned.1.call-start
scs
__scs_entry_jumppad:
0x0: {  	(pc) =	sbr.rel $0x88, $3  }
0x1: {  	(tag) =	ssettag $0x0;
	lr =	simm.s32 $0x1  }
0x2: {  	[smem:$0x3F9A] =	sst lr;
	_ =	strace $0xD0000000  }
0x3: {  	_ = 	snop  }
0x4: {  	_ = 	snop  }
0x5: {  	_ = 	snop  }
0x6: {  	_ = 	snop  }
0x7: {  	_ = 	snop  }
__scs_overlays_trampoline_lowered:
0x8: {  	[smem:$0x3FA9] =	sst s0  }
0x9: {  	[smem:$0x3FAA] =	sst s1  }
0xa: {  	[smem:$0x3FAB] =	sst s2  }
0xb: {  	[smem:$0x3FAC] =	sst s3  }
0xc: {  	[smem:$0x3FAD] =	sst s4  }
0xd: {  	[smem:$0x3FAE] =	sst s5  }
0xe: {  	[smem:$0x3FAF] =	sst s6  }
0xf: {  	[smem:$0x3FB0] =	sst s7  }
0x10: {  	[smem:$0x3FB1] =	sst s8  }
0x11: {  	[smem:$0x3FB2] =	sst s9;
	s0 =	simm.s32 @!p0 $0x0  }
0x12: {  	s1 =	sld [smem:$0x3F98];
	s0 =	simm.s32 @p0 $0x1  }
0x13: {  	[smem:$0x3FB3] =	sst s0;
	s0 =	simm.s32 @!p1 $0x0  }
0x14: {  	s2 =	sld [smem:$0x3F97];
	s0 =	simm.s32 @p1 $0x1  }
0x15: {  	[smem:$0x3FB4] =	sst s0;
	s0 =	simm.s32 @!p2 $0x0  }
0x16: {  	s3 =	sld [smem:$0x3FDB];
	s0 =	simm.s32 @p2 $0x1  }
0x17: {  	s4 =	simm.s32 $0x1BF5;
	[smem:$0x3FB6] =	sst s0  }
0x18: {  	s0 =	sld [smem:$0x3F99];
	_ =	swait.ge [sflag:s4], $0x0  }
0x19: {  	s7 =	sld [smem:$0x3F9A]  }
0x1a: {  	s8 =	sadd.s32 $0xFFFFE003, lr  }
0x1b: {  	s9 =	sadd.s32 $0xFFFFFEF7, lr;
	s5 =	simm.s32 $0xFFFFFFFF;
	p2 =	slt.u32 s8, $0xFFFFF086  }
0x1c: {  	p1 =	slt.u32 s9, $0xF7A;
	s5 =	simm.s32 @!p2 $0x0  }
0x1d: {  	s5 =	simm.s32 @p1 $0x1;
	p0 =	seq.s32 s7, s2  }
0x1e: {  	s7 =	smul.u32 @!p0 $0xF7A, s2;
	p2 =	seq.s32 @!p0 s5, $0x0  }
0x1f: {  	s9 =	smul.u32 $0xF7A, s1;
	s8 =	simm.s32 @!p0 $0x1BF5;
	p2 =	por !p2, p0  }
0x20: {  	[sflag:s8] =	ssyncset.s32 @!p0 $0xFFFFF086;
	s6 =	sadd.s32 @!p0 s3, s7;
	s7 =	simm.s32 @!p0 $0x108  }
0x21: {  	s3 =	sadd.s32 s3, s9;
	s6 =	sadd.s32 @!p0 $0x88, s6;
	s7 =	simm.s32 @p2 $0x1082  }
0x22: {  	[simem:s7], [sflag:s8] =	dma.local @!p0 [hbm:s6], $0xF7A  }
0x23: {  	s9 =	sor.u32 $0xD0000000, s2;
	s6 =	simm.s32 $0x108;
	_ =	swait.ge @!p0 [sflag:s8], $0x0  }
0x24: {  	s3 =	sadd.s32 $0x88, s3;
	s6 =	simm.s32 @!p1 $0x1082;
	[sflag:s4] =	ssyncset.s32 $0xFFFFF086  }
0x25: {  	[simem:s6], [sflag:s4] =	dma.local [hbm:s3], $0xF7A  }
0x26: {  	[smem:$0x3F9A] =	sst s1;
	(tag) =	ssettag s2;
	_ =	strace s9  }
0x27: {  	s1 =	sld [smem:$0x3FAA]  }
0x28: {  	s2 =	sld [smem:$0x3FAB]  }
0x29: {  	s4 =	sld [smem:$0x3FAD]  }
0x2a: {  	p0 =	seq.s32 s5, $0x0;
	s5 =	sld [smem:$0x3FAE]  }
0x2b: {  	s6 =	sld [smem:$0x3FAF]  }
0x2c: {  	s7 =	sld [smem:$0x3FB0]  }
0x2d: {  	s3 =	simm.s32 $0x108;
	s8 =	sld [smem:$0x3FB1]  }
0x2e: {  	s3 =	simm.s32 @!p0 $0x1082;
	s9 =	sld [smem:$0x3FB2]  }
0x2f: {  	lr =	sadd.s32 s0, s3;
	s0 =	sld [smem:$0x3FA9]  }
0x30: {  	s3 =	sld [smem:$0x3FAC]  }
0x31: {  	[smem:$0x3FB5] =	sst s10  }
0x32: {  	s10 =	sld [smem:$0x3FB3];
	_ =	sdelay $0x3  }
0x33: {  	p0 =	seq.s32 s10, $0x1;
	s10 =	sld [smem:$0x3FB5];
	_ =	sdelay $0x3  }
0x34: {  	[smem:$0x3FB5] =	sst s10  }
0x35: {  	s10 =	sld [smem:$0x3FB4];
	_ =	sdelay $0x3  }
0x36: {  	p1 =	seq.s32 s10, $0x1;
	s10 =	sld [smem:$0x3FB5];
	_ =	sdelay $0x3  }
0x37: {  	[smem:$0x3FB5] =	sst s10  }
0x38: {  	s10 =	sld [smem:$0x3FB6]  }
0x39: {  	_ = 	snop;
	(pc) =	sbr.ind lr, $3  }
0x3a: {  	_ = 	snop  }
0x3b: {  	_ = 	snop  }
0x3c: {  	p2 =	seq.s32 s10, $0x1;
	s10 =	sld [smem:$0x3FB5]  }
0x3d: {  	_ =	shalt  }
0x3e: {  	_ =	shalt  }
0x3f: {  	_ =	shalt  }
0x40: {  	_ =	shalt  }
0x41: {  	_ =	shalt  }
0x42: {  	_ =	shalt  }
0x43: {  	_ =	shalt  }
0x44: {  	_ =	shalt  }
0x45: {  	_ =	shalt  }
0x46: {  	_ =	shalt  }
0x47: {  	_ =	shalt  }
0x48: {  	_ =	shalt  }
0x49: {  	_ =	shalt  }
0x4a: {  	_ =	shalt  }
0x4b: {  	_ =	shalt  }
0x4c: {  	_ =	shalt  }
0x4d: {  	_ =	shalt  }
0x4e: {  	_ =	shalt  }
0x4f: {  	_ =	shalt  }
0x50: {  	_ =	shalt  }
0x51: {  	_ =	shalt  }
0x52: {  	_ =	shalt  }
0x53: {  	_ =	shalt  }
0x54: {  	_ =	shalt  }
0x55: {  	_ =	shalt  }
0x56: {  	_ =	shalt  }
0x57: {  	_ =	shalt  }
0x58: {  	_ =	shalt  }
0x59: {  	_ =	shalt  }
0x5a: {  	_ =	shalt  }
0x5b: {  	_ =	shalt  }
0x5c: {  	_ =	shalt  }
0x5d: {  	_ =	shalt  }
0x5e: {  	_ =	shalt  }
0x5f: {  	_ =	shalt  }
0x60: {  	_ =	shalt  }
0x61: {  	_ =	shalt  }
0x62: {  	_ =	shalt  }
0x63: {  	_ =	shalt  }
0x64: {  	_ =	shalt  }
0x65: {  	_ =	shalt  }
0x66: {  	_ =	shalt  }
0x67: {  	_ =	shalt  }
0x68: {  	_ =	shalt  }
0x69: {  	_ =	shalt  }
0x6a: {  	_ =	shalt  }
0x6b: {  	_ =	shalt  }
0x6c: {  	_ =	shalt  }
0x6d: {  	_ =	shalt  }
0x6e: {  	_ =	shalt  }
0x6f: {  	_ =	shalt  }
0x70: {  	_ =	shalt  }
0x71: {  	_ =	shalt  }
0x72: {  	_ =	shalt  }
0x73: {  	_ =	shalt  }
0x74: {  	_ =	shalt  }
0x75: {  	_ =	shalt  }
0x76: {  	_ =	shalt  }
0x77: {  	_ =	shalt  }
0x78: {  	_ =	shalt  }
0x79: {  	_ =	shalt  }
0x7a: {  	_ =	shalt  }
0x7b: {  	_ =	shalt  }
0x7c: {  	_ =	shalt  }
0x7d: {  	_ =	shalt  }
0x7e: {  	_ =	shalt  }
0x7f: {  	_ =	shalt  }
0x80: {  	_ =	shalt  }
0x81: {  	_ =	shalt  }
0x82: {  	_ =	shalt  }
0x83: {  	_ =	shalt  }
0x84: {  	_ =	shalt  }
0x85: {  	_ =	shalt  }
0x86: {  	_ =	shalt  }
0x87: {  	_ =	shalt  }
.Lfunc_end0:
.L_simem_size_0:
called_computation_lowered:
.L_overlay_start_0:
0x88: {  	s2 =	sld [smem:$0x3FD9]  }
0x89: {  	s3 =	sld [smem:$0x3FFE];
	_ =	sdelay $0x1  }
0x8a: {  	s1 =	srdreg.scid  }
0x8b: {  	s0 =	sand.u32 $0x1, s1  }
0x8c: {  	s17 =	sshll.u32 s0, $0xA;
	s2 =	sadd.s32 s3, s2  }
0x8d: {  	s2 =	sadd.s32 s2, s17  }
0x8e: {  	[smem:$0x3FC1] =	sst s2  }
0x8f: {  	_ = 	snop  }
0x90: {  	s2 =	sld [smem:$0x3FD0];
	(tm) =	ssettm $0x1  }
0x91: {  	s18 =	sld [smem:$0x3FFB];
	_ =	sdelay $0x3  }
0x92: {  	_ =	strace s18  }
0x93: {  	s3 =	sld [smem:$0x3FFC];
	_ =	sdelay $0x3  }
0x94: {  	_ =	strace s3  }
0x95: {  	s3 =	sld [smem:$0x3FFD];
	_ =	sdelay $0x3  }
0x96: {  	_ =	strace s3  }
0x97: {  	_ =	strace $0x8FFFFFFF  }
0x98: {  	s19 =	sld [smem:$0x3FDB];
	_ =	sdelay $0x1  }
0x99: {  	s4 =	simm.s32 $_scs_section_size  }
0x9a: {  	s5 =	simm.s32 $_size__tile_overlayer_lowered;
	s6 =	simm.s32 $_tile_overlayer_lowered  }
0x9b: {  	s22 =	simm.s32 $0x1BFF;
	s21 =	sshll.u32 s6, $0x1;
	s3 =	sadd.s32 s4, s19  }
0x9c: {  	s7 =	simm.s32 $0x0;
	s20 =	sshll.u32 s5, $0x1;
	s5 =	sadd.s32 s21, s3  }
0x9d: {  	[timem:s7], [sflag:s22] =	dma.local [hbm:s5], s20  }
0x9e: {  	_ =	swait.ge [sflag:s22], s20  }
0x9f: {  	s4 =	ssub.s32 $0x0, s20;
	[sflag:s22] =	ssyncset.done $0x0  }
0xa0: {  	[sflag:s22] =	ssyncadd.s32 s4;
	_ =	sdelay $0x1  }
0xa1: {  	s23 =	simm.s32 $0x1B8B  }
0xa2: {  	_ =	swait.ge [sflag:s23], $0x1  }
0xa3: {  	[sflag:s23] =	ssyncset.done $0x0  }
0xa4: {  	s25 =	simm.s32 $0x1B8E;
	s24 =	sld [smem:$0x3FFE];
	[sflag:s23] =	ssyncadd.s32 $0xFFFFFFFF  }
0xa5: {  	s26 =	simm.s32 $execute0_lowered;
	[smem:$0x3FD2] =	sst s25  }
0xa6: {  	s5 =	sshll.u32 s26, $0x1;
	_ =	strace $0x80000046;
	[dreg:$0x1] =	wrdreg $0xFFFFFFFF  }
0xa7: {  	s28 =	simm.s32 $_size_execute0_lowered;
	s3 =	sadd.s32 s3, s5;
	[dreg:$0x0] =	wrdreg $0x0  }
0xa8: {  	s5 =	sshll.u32 s28, $0x1;
	[dreg:$0x2] =	wrdreg s3  }
0xa9: {  	[dreg:$0x3] =	wrdreg s5  }
0xaa: {  	[dreg:$0x4] =	wrdreg $0xC0  }
0xab: {  	_ =	task [dreg:s7], $0x5FFFF  }
0xac: {  	[dreg:$0x1] =	wrdreg $0xFFFFFFFF  }
0xad: {  	[dreg:$0x0] =	wrdreg $0x60  }
0xae: {  	[dreg:$0x2] =	wrdreg s24  }
0xaf: {  	[dreg:$0x3] =	wrdreg s2  }
0xb0: {  	[dreg:$0x4] =	wrdreg $0x87A00  }
0xb1: {  	[dreg:$0x5] =	wrdreg $0x9  }
0xb2: {  	_ =	task.clear_ibuf [dreg:s7], $0x6FFFF;
	_ =	strace $0x90000046  }
0xb3: {  	s29 =	simm.s32 $0x9;
	_ =	strace $0x80000048  }
0xb4: {  	_ =	swait.ge [sflag:s29], $0x1  }
0xb5: {  	[sflag:s29] =	ssyncadd.s32 $0xFFFFFFFF  }
0xb6: {  	_ =	strace $0x90000048  }
0xb7: {  	_ =	sfence  }
0xb8: {  	s30 =	sld [smem:$0x0];
	_ =	sdelay $0x2  }
0xb9: {  	s31 =	sshll.u32 s1, $0xD;
	s1 =	sshrl.u32 s1, $0x2  }
0xba: {  	s3 =	sand.u32 $0x4000, s31;
	s1 =	sadd.s32 s1, s30  }
0xbb: {  	s0 =	sor.u32 s3, s0;
	s1 =	sshll.u32 s1, $0x11  }
0xbc: {  	s0 =	sor.u32 s1, s0  }
0xbd: {  	s0 =	sadd.s32 $0x8F2B, s0  }
0xbe: {  	[sflag:s0] =	ssyncadd.remote.s32 $0x1  }
0xbf: {  	_ =	sfence.sel $0xFFFF  }
0xc0: {  	[dreg:$0x0] =	wrdreg $0xFFFFFFFF;
	(pc) =	sbr.abs _section_cstart, $3  }
0xc1: {  	[dreg:$0x1] =	wrdreg $0xFFFFFFFF  }
0xc2: {  	_ =	task.clear_ibuf [dreg:s7], $0x2FFFF;
	_ =	strace $0x9FFFFFFF  }
0xc3: {  	(tm) =	ssettm $0x7FFFFFFF  }
tec
execute0_lowered:
.L_overlay_start_1:
0x0: {  	(tag) =	ssettag $0x1  }
0x1: {  	s0 =	rddreg [dreg:$0x0]  }
0x2: {  	s2 =	rddreg [dreg:$0x1]  }
0x3: {  	s3 =	rddreg [dreg:$0x2]  }
0x4: {  	s1 =	srdreg.scid;
	s15 =	stileid.u32;
	s4 =	simm.s32 $0x0  }
0x5: {  	s28 =	simm.s32 $0x78;
	s1 =	sand.u32 $0x1, s1;
	s5 =	sshll.u32 s15, $0x1  }
0x6: {  	[smem:$0x7FF] =	sst s4;
	s6 =	sadd.s32 $0x33000, s0;
	s10 =	smul.u32 $0x14000, s15  }
0x7: {  	s7 =	sadd.s32 $0x3CE00, s0;
	s11 =	sadd.s32 $0xE3000, s0;
	s13 =	smul.u32 $0x50000, s15  }
0x8: {  	p0 =	seq.s32 s15, $0xF;
	s8 =	sor.u32 s1, s5;
	s9 =	smul.u32 $0x138800, s1  }
0x9: {  	s23 =	sadd.s32 $0x46C00, s0;
	s1 =	ssub.s32 $0x2, s1;
	s5 =	smul.u32 $0x2710, s8  }
0xa: {  	_ =	strace $0x80000047;
	s12 =	sshrl.u32 s1, $0x1;
	s30 =	smul.u32 $0x27100, s8  }
0xb: {  	s13 =	sshrl.u32 s13, $0x2;
	s8 =	smul.u32 $0x4E20, s8;
	s1 =	ssub.s32 s1, s12  }
0xc: {  	s14 =	sadd.s32 s10, s9;
	s9 =	sshrl.u32 s9, $0x3;
	s31 =	sadd.s32 s13, s3  }
0xd: {  	s13 =	sadd.s32 $0x12E800, s3;
	s14 =	sshrl.u32 s14, $0x3;
	s9 =	sadd.s32 s11, s9  }
0xe: {  	s16 =	sadd.s32 $0x8C00, s31;
	s17 =	sadd.s32 $0xA000, s31;
	s18 =	sadd.s32 $0xB400, s31  }
0xf: {  	s19 =	sadd.s32 $0xC800, s31;
	s20 =	sadd.s32 $0xDC00, s31;
	s21 =	sadd.s32 $0xF000, s31  }
0x10: {  	s22 =	sadd.s32 $0x10400, s31;
	s15 =	sadd.s32 $0x11800, s31;
	s1 =	smax.u32 s1, $0x1  }
0x11: {  	s25 =	sadd.s32 $0x1400, s31;
	s26 =	sadd.s32 $0x2800, s31;
	[dreg:$0x5] =	wrdreg s31  }
0x12: {  	s29 =	sadd.s32 $0x3C00, s31;
	s14 =	sadd.s32 s11, s14;
	[dreg:$0x16] =	wrdreg s1  }
0x13: {  	s11 =	sadd.s32 $0x12D400, s3;
	s17 =	smov.u32 @p0 s13;
	[dreg:$0x18] =	wrdreg s25  }
0x14: {  	s13 =	sadd.s32 $0x131000, s3;
	s9 =	sadd.s32 $0x25800, s9;
	[dreg:$0x19] =	wrdreg s26  }
0x15: {  	[dreg:$0x1a] =	wrdreg s29;
	s1 =	simm.s32 $0x5FA0;
	s25 =	simm.s32 $0x3  }
0x16: {  	s26 =	simm.s32 $0x28;
	[dreg:$0x4] =	wrdreg s14;
	s16 =	smov.u32 @p0 s11  }
0x17: {  	s11 =	sadd.s32 $0x12FC00, s3;
	[dreg:$0x7] =	wrdreg s17;
	s19 =	smov.u32 @p0 s13  }
0x18: {  	s13 =	sadd.s32 $0x133800, s3;
	[dreg:$0x15] =	wrdreg s9;
	s14 =	simm.s32 $0x5D20  }
0x19: {  	[dreg:$0x6] =	wrdreg s16;
	s18 =	smov.u32 @p0 s11;
	s11 =	sadd.s32 $0x132400, s3  }
0x1a: {  	[dreg:$0x9] =	wrdreg s19;
	s21 =	smov.u32 @p0 s13;
	s13 =	sadd.s32 $0x136000, s3  }
0x1b: {  	s16 =	sadd.s32 $0x12C00, s31;
	s19 =	sadd.s32 $0x2E000, s0;
	[dreg:$0x8] =	wrdreg s18  }
0x1c: {  	s20 =	smov.u32 @p0 s11;
	s11 =	sadd.s32 $0x134C00, s3;
	[dreg:$0xb] =	wrdreg s21  }
0x1d: {  	s15 =	smov.u32 @p0 s13;
	s21 =	sadd.s32 $0x515000, s0;
	[dreg:$0xa] =	wrdreg s20  }
0x1e: {  	s22 =	smov.u32 @p0 s11;
	[dreg:$0xd] =	wrdreg s15;
	s11 =	sadd.s32 $0x137400, s3  }
0x1f: {  	s20 =	sadd.s32 $0x29000, s0;
	s18 =	sadd.s32 s21, s30;
	[dreg:$0xc] =	wrdreg s22  }
0x20: {  	s15 =	sshrl.u32 s5, $0x3;
	s30 =	sadd.s32 $0x5000, s31;
	[dreg:$0x11] =	wrdreg s18  }
0x21: {  	s16 =	smov.u32 @p0 s11;
	s22 =	sadd.s32 $0x9F7000, s0;
	[dreg:$0x1b] =	wrdreg s30  }
0x22: {  	s17 =	sadd.s32 s7, s15;
	s0 =	sadd.s32 s10, s3;
	[dreg:$0xe] =	wrdreg s16  }
0x23: {  	s10 =	sadd.s32 $0x7800, s31;
	s31 =	sadd.s32 $0x6400, s31;
	[dreg:$0x10] =	wrdreg s17  }
0x24: {  	s11 =	simm.s32 $0x0;
	s16 =	sadd.s32 s6, s15;
	[dreg:$0x1c] =	wrdreg s31  }
0x25: {  	s18 =	simm.s32 $0x0;
	s24 =	sadd.s32 s22, s8;
	[dreg:$0xf] =	wrdreg s16  }
0x26: {  	s8 =	sadd.s32 $0x12C000, s3;
	s0 =	sshrl.u32 @!p0 s0, $0x3;
	[dreg:$0x12] =	wrdreg s24  }
0x27: {  	s15 =	simm.s32 $0x1;
	[dreg:$0x13] =	wrdreg s8;
	s10 =	smov.u32 @p0 s8  }
0x28: {  	[dreg:$0x17] =	wrdreg s0;
	s8 =	sadd.s32 $0x28, s5;
	s24 =	sadd.s32 $0x50, s5  }
0x29: {  	v0 =	vimm.f32 $0.0e+00;
	s16 =	simm.s32 $0x2;
	[dreg:$0x14] =	wrdreg s10;
	s10 =	simm.s32 $0x50  }
.LBB2_1:
0x2a: {  	[dreg:$0x1d] =	wrdreg s11;
	s0 =	simm.s32 $0x70;
	s9 =	simm.s32 $0x3C0  }
.LBB2_2:
0x2b: {  	p1 =	sne.s32 s9, $0x4FC0;
	[tilespmem:s0+$0x5FA0] =	vst v0  }
0x2c: {  	[tilespmem:s0+$0x5F30] =	vst v0  }
0x2d: {  	[tilespmem:s0+$0x5F40] =	vst v0  }
.Ltmp0:
0x2e: {  	[tilespmem:s0+$0x5F50] =	vst v0;
	(pc) =	sbr.rel @p1 .LBB2_2-.Ltmp0, $4  }
0x2f: {  	[tilespmem:s0+$0x5F60] =	vst v0  }
0x30: {  	[tilespmem:s0+$0x5F70] =	vst v0  }
0x31: {  	[tilespmem:s0+$0x5F80] =	vst v0  }
0x32: {  	[tilespmem:s0+$0x5F90] =	vst v0;
	s0 =	sshra.s32 s9, $0x2;
	s9 =	sadd.s32 $0x200, s9  }
0x33: {  	[tilespmem:s0+$0x5FA0] =	vst v0  }
0x34: {  	[tilespmem:s0+$0x5F30] =	vst v0  }
0x35: {  	[tilespmem:s0+$0x5F40] =	vst v0  }
0x36: {  	[tilespmem:s0+$0x5F50] =	vst v0  }
0x37: {  	[tilespmem:s0+$0x5F60] =	vst v0  }
0x38: {  	[tilespmem:s0+$0x5F70] =	vst v0  }
0x39: {  	[tilespmem:s0+$0x5F80] =	vst v0  }
0x3a: {  	[tilespmem:s0+$0x5F90] =	vst v0;
	s0 =	simm.s32 @!p0 $0x5FA0;
	s9 =	rddreg [dreg:$0x5]  }
0x3b: {  	[spmem:s9] =	stream.linear.scatter @!p0 [tilespmem:s0], [sflag:$0x3], $0x1400, $0x38;
	[tilespmem:$0x1C020] =	vst v63  }
0x3c: {  	s9 =	simm.s32 @!p0 $0x3  }
0x3d: {  	_ =	swait.ge @!p0 [sflag:s9], $0x1400  }
0x3e: {  	[sflag:s9] =	ssyncset.done @!p0 $0x0  }
0x3f: {  	s11 =	rddreg [dreg:$0x18];
	[sflag:s9] =	ssyncadd.s32 @!p0 $0xFFFFEC00  }
0x40: {  	[spmem:s11] =	stream.linear.scatter @!p0 [tilespmem:s0], [sflag:$0x3], $0x1400, $0x38;
	[tilespmem:$0x1C020] =	vst v63  }
0x41: {  	_ =	swait.ge @!p0 [sflag:s9], $0x1400  }
0x42: {  	[sflag:s9] =	ssyncset.done @!p0 $0x0  }
0x43: {  	s11 =	rddreg [dreg:$0x19];
	[sflag:s9] =	ssyncadd.s32 @!p0 $0xFFFFEC00  }
0x44: {  	[spmem:s11] =	stream.linear.scatter @!p0 [tilespmem:s0], [sflag:$0x3], $0x1400, $0x38;
	[tilespmem:$0x1C020] =	vst v63  }
0x45: {  	_ =	swait.ge @!p0 [sflag:s9], $0x1400  }
0x46: {  	[sflag:s9] =	ssyncset.done @!p0 $0x0  }
0x47: {  	s11 =	rddreg [dreg:$0x1a];
	[sflag:s9] =	ssyncadd.s32 @!p0 $0xFFFFEC00  }
0x48: {  	[spmem:s11] =	stream.linear.scatter @!p0 [tilespmem:s0], [sflag:$0x3], $0x1400, $0x38;
	[tilespmem:$0x1C020] =	vst v63  }
0x49: {  	_ =	swait.ge @!p0 [sflag:s9], $0x1400  }
0x4a: {  	[sflag:s9] =	ssyncset.done @!p0 $0x0  }
0x4b: {  	s11 =	rddreg [dreg:$0x1b];
	[sflag:s9] =	ssyncadd.s32 @!p0 $0xFFFFEC00  }
0x4c: {  	[spmem:s11] =	stream.linear.scatter @!p0 [tilespmem:s0], [sflag:$0x3], $0x1400, $0x38;
	[tilespmem:$0x1C020] =	vst v63  }
0x4d: {  	_ =	swait.ge @!p0 [sflag:s9], $0x1400  }
0x4e: {  	[sflag:s9] =	ssyncset.done @!p0 $0x0  }
0x4f: {  	s11 =	rddreg [dreg:$0x1c];
	[sflag:s9] =	ssyncadd.s32 @!p0 $0xFFFFEC00  }
0x50: {  	[spmem:s11] =	stream.linear.scatter @!p0 [tilespmem:s0], [sflag:$0x3], $0x1400, $0x38;
	[tilespmem:$0x1C020] =	vst v63  }
0x51: {  	_ =	swait.ge @!p0 [sflag:s9], $0x1400  }
0x52: {  	[sflag:s9] =	ssyncset.done @!p0 $0x0  }
0x53: {  	s12 =	rddreg [dreg:$0x14];
	[sflag:s9] =	ssyncadd.s32 @!p0 $0xFFFFEC00  }
0x54: {  	[spmem:s12] =	stream.linear.scatter [tilespmem:s1], [sflag:$0x3], $0x1400, $0x38;
	[tilespmem:$0x1C020] =	vst v63  }
0x55: {  	_ =	swait.ge [sflag:s25], $0x1400  }
0x56: {  	[sflag:s25] =	ssyncset.done $0x0  }
0x57: {  	s13 =	rddreg [dreg:$0x6];
	[sflag:s25] =	ssyncadd.s32 $0xFFFFEC00  }
0x58: {  	[spmem:s13] =	stream.linear.scatter [tilespmem:s1], [sflag:$0x3], $0x1400, $0x38;
	[tilespmem:$0x1C020] =	vst v63  }
0x59: {  	_ =	swait.ge [sflag:s25], $0x1400  }
0x5a: {  	[sflag:s25] =	ssyncset.done $0x0  }
0x5b: {  	s17 =	rddreg [dreg:$0x7];
	[sflag:s25] =	ssyncadd.s32 $0xFFFFEC00  }
0x5c: {  	[spmem:s17] =	stream.linear.scatter [tilespmem:s1], [sflag:$0x3], $0x1400, $0x38;
	[tilespmem:$0x1C020] =	vst v63  }
0x5d: {  	_ =	swait.ge [sflag:s25], $0x1400  }
0x5e: {  	[sflag:s25] =	ssyncset.done $0x0  }
0x5f: {  	s29 =	rddreg [dreg:$0x8];
	[sflag:s25] =	ssyncadd.s32 $0xFFFFEC00  }
0x60: {  	[spmem:s29] =	stream.linear.scatter [tilespmem:s1], [sflag:$0x3], $0x1400, $0x38;
	[tilespmem:$0x1C020] =	vst v63  }
0x61: {  	_ =	swait.ge [sflag:s25], $0x1400  }
0x62: {  	[sflag:s25] =	ssyncset.done $0x0  }
0x63: {  	s31 =	rddreg [dreg:$0x9];
	[sflag:s25] =	ssyncadd.s32 $0xFFFFEC00  }
0x64: {  	[spmem:s31] =	stream.linear.scatter [tilespmem:s1], [sflag:$0x3], $0x1400, $0x38;
	[tilespmem:$0x1C020] =	vst v63  }
0x65: {  	_ =	swait.ge [sflag:s25], $0x1400  }
0x66: {  	[sflag:s25] =	ssyncset.done $0x0  }
0x67: {  	s9 =	rddreg [dreg:$0xa];
	[sflag:s25] =	ssyncadd.s32 $0xFFFFEC00  }
0x68: {  	[spmem:s9] =	stream.linear.scatter [tilespmem:s1], [sflag:$0x3], $0x1400, $0x38;
	[tilespmem:$0x1C020] =	vst v63  }
0x69: {  	_ =	swait.ge [sflag:s25], $0x1400  }
0x6a: {  	[sflag:s25] =	ssyncset.done $0x0  }
0x6b: {  	s11 =	rddreg [dreg:$0xb];
	[sflag:s25] =	ssyncadd.s32 $0xFFFFEC00  }
0x6c: {  	[spmem:s11] =	stream.linear.scatter [tilespmem:s1], [sflag:$0x3], $0x1400, $0x38;
	[tilespmem:$0x1C020] =	vst v63  }
0x6d: {  	_ =	swait.ge [sflag:s25], $0x1400  }
0x6e: {  	[sflag:s25] =	ssyncset.done $0x0  }
0x6f: {  	s12 =	rddreg [dreg:$0xc];
	[sflag:s25] =	ssyncadd.s32 $0xFFFFEC00  }
0x70: {  	[spmem:s12] =	stream.linear.scatter [tilespmem:s1], [sflag:$0x3], $0x1400, $0x38;
	[tilespmem:$0x1C020] =	vst v63  }
0x71: {  	_ =	swait.ge [sflag:s25], $0x1400  }
0x72: {  	[sflag:s25] =	ssyncset.done $0x0  }
0x73: {  	s13 =	rddreg [dreg:$0xd];
	[sflag:s25] =	ssyncadd.s32 $0xFFFFEC00  }
0x74: {  	[spmem:s13] =	stream.linear.scatter [tilespmem:s1], [sflag:$0x3], $0x1400, $0x38;
	[tilespmem:$0x1C020] =	vst v63  }
0x75: {  	_ =	swait.ge [sflag:s25], $0x1400  }
0x76: {  	[sflag:s25] =	ssyncset.done $0x0  }
0x77: {  	s17 =	rddreg [dreg:$0xe];
	[sflag:s25] =	ssyncadd.s32 $0xFFFFEC00  }
0x78: {  	[spmem:s17] =	stream.linear.scatter [tilespmem:s1], [sflag:$0x3], $0x1400, $0x38;
	[tilespmem:$0x1C020] =	vst v63  }
0x79: {  	_ =	swait.ge [sflag:s25], $0x1400  }
0x7a: {  	[sflag:s25] =	ssyncset.done $0x0  }
0x7b: {  	[sflag:s25] =	ssyncadd.s32 $0xFFFFEC00  }
0x7c: {  	[bflag:$0x0] =	sbarrier.arrive $0xFFFF  }
0x7d: {  	s29 =	rddreg [dreg:$0xf]  }
0x7e: {  	[tilespmem:s18], [sflag:$0x3] =	stream.linear.gather [hbm4b:s29+s18], $0x28, $0x38;
	[tilespmem:$0x1C020] =	vst v63  }
0x7f: {  	_ =	swait.ge [sflag:s25], $0x28  }
0x80: {  	[sflag:s25] =	ssyncset.done $0x0  }
0x81: {  	s31 =	rddreg [dreg:$0x10];
	[sflag:s25] =	ssyncadd.s32 $0xFFFFFFD8  }
0x82: {  	[tilespmem:s10], [sflag:$0x3] =	stream.linear.gather [hbm4b:s31+s18], $0x28, $0x38;
	[tilespmem:$0x1C020] =	vst v63  }
0x83: {  	_ =	swait.ge [sflag:s25], $0x28  }
0x84: {  	[sflag:s25] =	ssyncset.done $0x0  }
0x85: {  	s9 =	simm.s32 $0xA0;
	[sflag:s25] =	ssyncadd.s32 $0xFFFFFFD8  }
0x86: {  	[tilespmem:s9], [sflag:$0x1] =	stream.indirect.gather [hbm4b:s2+s26], $0x80, s18, s26, $0xb8;
	[tilespmem:$0x1C020] =	vst v63  }
0x87: {  	s11 =	simm.s32 $0x28A0  }
0x88: {  	[tilespmem:s11], [sflag:$0x1] =	stream.indirect.gather [hbm4b:s19+s26], $0x10, s18, s26, $0xb8;
	[tilespmem:$0x1C020] =	vst v63  }
0x89: {  	s12 =	simm.s32 $0x2DA0  }
0x8a: {  	[tilespmem:s12], [sflag:$0x1] =	stream.indirect.gather [hbm4b:s20+s26], $0x10, s10, s26, $0xb8;
	[tilespmem:$0x1C020] =	vst v63  }
0x8b: {  	s17 =	simm.s32 $0x32A0;
	s13 =	rddreg [dreg:$0x11]  }
0x8c: {  	[tilespmem:s17], [sflag:$0x1] =	stream.linear.gather [hbm4b:s13+s18], $0x1400, $0x38;
	[tilespmem:$0x1C020] =	vst v63  }
0x8d: {  	s30 =	simm.s32 $0x0;
	s31 =	simm.s32 $0x5AA0;
	s29 =	rddreg [dreg:$0x12]  }
0x8e: {  	[tilespmem:s31], [sflag:$0x1] =	stream.linear.gather [hbm4b:s29+s18], $0x280, $0x38;
	[tilespmem:$0x1C020] =	vst v63  }
.LBB2_4:
0x8f: {  	s29 =	smul.u32 $0x50, s30;
	_ =	sdelay $0x1  }
0x90: {  	s0 =	sadd.s32 s29, s8  }
0x91: {  	s9 =	sshrl.u32 s0, $0x3  }
0x92: {  	s12 =	sadd.s32 s6, s9  }
0x93: {  	[tilespmem:s26], [sflag:$0x3] =	stream.linear.gather [hbm4b:s12+s18], $0x28, $0x38;
	[tilespmem:$0x1C020] =	vst v63  }
0x94: {  	_ =	swait.ge [sflag:s25], $0x28  }
0x95: {  	[sflag:s25] =	ssyncset.done $0x0  }
0x96: {  	s9 =	sadd.s32 s7, s9;
	[sflag:s25] =	ssyncadd.s32 $0xFFFFFFD8  }
0x97: {  	[tilespmem:s28], [sflag:$0x3] =	stream.linear.gather [hbm4b:s9+s18], $0x28, $0x38;
	[tilespmem:$0x1C020] =	vst v63  }
0x98: {  	_ =	swait.ge [sflag:s25], $0x28  }
0x99: {  	[sflag:s25] =	ssyncset.done $0x0  }
0x9a: {  	s17 =	simm.s32 $0x14A0;
	[sflag:s25] =	ssyncadd.s32 $0xFFFFFFD8  }
0x9b: {  	[tilespmem:s17], [sflag:$0x2] =	stream.indirect.gather [hbm4b:s2+s26], $0x80, s26, s26, $0xb8;
	[tilespmem:$0x1C020] =	vst v63  }
0x9c: {  	s11 =	simm.s32 $0x2B20;
	s13 =	sshll.u32 s0, $0x4  }
0x9d: {  	[tilespmem:s11], [sflag:$0x2] =	stream.indirect.gather [hbm4b:s19+s26], $0x10, s26, s26, $0xb8;
	[tilespmem:$0x1C020] =	vst v63  }
0x9e: {  	s12 =	simm.s32 $0x3020;
	s9 =	sand.u32 $0x1FFFFF80, s13  }
0x9f: {  	[tilespmem:s12], [sflag:$0x2] =	stream.indirect.gather [hbm4b:s20+s26], $0x10, s28, s26, $0xb8;
	[tilespmem:$0x1C020] =	vst v63  }
0xa0: {  	s0 =	sshll.u32 s0, $0x1;
	s9 =	sadd.s32 s21, s9;
	s11 =	simm.s32 $0x46A0  }
0xa1: {  	[tilespmem:s11], [sflag:$0x2] =	stream.linear.gather [hbm4b:s9+s18], $0x1400, $0x38;
	[tilespmem:$0x1C020] =	vst v63  }
0xa2: {  	s9 =	sand.u32 $0x1FFFFFF0, s0  }
0xa3: {  	s0 =	sadd.s32 s22, s9  }
0xa4: {  	[tilespmem:s14], [sflag:$0x2] =	stream.linear.gather [hbm4b:s0+s18], $0x280, $0x38;
	[tilespmem:$0x1C020] =	vst v63  }
0xa5: {  	_ =	swait.ge [sflag:s15], $0x1400  }
0xa6: {  	[sflag:s15] =	ssyncset.done $0x0  }
0xa7: {  	[sflag:s15] =	ssyncadd.s32 $0xFFFFEC00  }
0xa8: {  	_ =	swait.ge [sflag:s15], $0x280  }
0xa9: {  	[sflag:s15] =	ssyncset.done $0x0  }
0xaa: {  	[sflag:s15] =	ssyncadd.s32 $0xFFFFFD80  }
0xab: {  	_ =	swait.ge [sflag:s15], $0x280  }
0xac: {  	[sflag:s15] =	ssyncset.done $0x0  }
0xad: {  	[sflag:s15] =	ssyncadd.s32 $0xFFFFFD80  }
0xae: {  	_ =	swait.ge [sflag:s15], $0x1400  }
0xaf: {  	[sflag:s15] =	ssyncset.done $0x0  }
0xb0: {  	[sflag:s15] =	ssyncadd.s32 $0xFFFFEC00  }
0xb1: {  	_ =	swait.ge [sflag:s15], $0x280  }
0xb2: {  	[sflag:s15] =	ssyncset.done $0x0  }
0xb3: {  	s17 =	simm.s32 $0x0;
	[sflag:s15] =	ssyncadd.s32 $0xFFFFFD80  }
0xb4: {  	v1 =	vld [tilespmem:s17+$0x28A0]  }
0xb5: {  	v2 =	vld [tilespmem:s17+$0x2DA0];
	_ =	sdelay $0x1  }
0xb6: {  	v3 =	vld [tilespmem:s17+$0x5AA0];
	_ =	sdelay $0x2  }
0xb7: {  	v1 =	vadd.f32 v2, v1;
	_ =	sdelay $0x1  }
0xb8: {  	v1 =	vadd.f32 v3, v1;
	_ =	sdelay $0x1  }
0xb9: {  	v2 =	vmul.f32 $9.999999770e-03, v1  }
0xba: {  	vm0 =	vge.f32 v1, $0.0e+00  }
0xbb: {  	v1 =	vsel vm0, v1, v2  }
0xbc: {  	v1 =	vmul.f32 $1.442695020e+00, v1;
	_ =	sdelay $0x1  }
0xbd: {  	(erf) = vpow2.f32 v1;
	_ =	sdelay $0x8  }
0xbe: {  	v1 =	vpop (erf)  }
0xbf: {  	s12 =	simm.s32 $0xE0;
	[tilespmem:s17+$0x5AA0] =	vst v1  }
0xc0: {  	s31 =	simm.s32 $0x32E0;
	v2 =	vld [tilespmem:s12+$0xFFFFFFC0]  }
0xc1: {  	v3 =	vld [tilespmem:s31+$0xFFFFFFC0];
	_ =	sdelay $0x4  }
0xc2: {  	v4 =	vbroadcast v1, $0x0;
	v2 =	vadd.f32 v3, v2;
	_ =	sdelay $0x1  }
0xc3: {  	v2 =	vmul.f32 v4, v2  }
0xc4: {  	s13 =	simm.s32 $0x5FE0  }
0xc5: {  	[tilespmem:s13+$0xFFFFFFC0] =	vst v2  }
0xc6: {  	v2 =	vld [tilespmem:s12+$0xFFFFFFD0]  }
0xc7: {  	v3 =	vld [tilespmem:s31+$0xFFFFFFD0];
	_ =	sdelay $0x4  }
0xc8: {  	v58 =	vbroadcast v1, $0x1;
	v2 =	vadd.f32 v3, v2;
	_ =	sdelay $0x1  }
0xc9: {  	v2 =	vmul.f32 v2, v58;
	_ =	sdelay $0x1  }
0xca: {  	[tilespmem:s13+$0xFFFFFFD0] =	vst v2  }
0xcb: {  	v2 =	vld [tilespmem:s12+$0xFFFFFFE0]  }
0xcc: {  	v3 =	vld [tilespmem:s31+$0xFFFFFFE0];
	_ =	sdelay $0x4  }
0xcd: {  	v59 =	vbroadcast v1, $0x2;
	v2 =	vadd.f32 v3, v2;
	_ =	sdelay $0x1  }
0xce: {  	v2 =	vmul.f32 v2, v59;
	_ =	sdelay $0x1  }
0xcf: {  	[tilespmem:s13+$0xFFFFFFE0] =	vst v2  }
0xd0: {  	v2 =	vld [tilespmem:s12+$0xFFFFFFF0]  }
0xd1: {  	v3 =	vld [tilespmem:s31+$0xFFFFFFF0];
	_ =	sdelay $0x4  }
0xd2: {  	v60 =	vbroadcast v1, $0x3;
	v2 =	vadd.f32 v3, v2;
	_ =	sdelay $0x1  }
0xd3: {  	v2 =	vmul.f32 v2, v60;
	_ =	sdelay $0x1  }
0xd4: {  	[tilespmem:s13+$0xFFFFFFF0] =	vst v2  }
0xd5: {  	v2 =	vld [tilespmem:s12+$0x0]  }
0xd6: {  	v3 =	vld [tilespmem:s31+$0x0];
	_ =	sdelay $0x4  }
0xd7: {  	v61 =	vbroadcast v1, $0x4;
	v2 =	vadd.f32 v3, v2;
	_ =	sdelay $0x1  }
0xd8: {  	v2 =	vmul.f32 v2, v61;
	_ =	sdelay $0x1  }
0xd9: {  	[tilespmem:s13+$0x0] =	vst v2  }
0xda: {  	v2 =	vld [tilespmem:s12+$0x10]  }
0xdb: {  	v3 =	vld [tilespmem:s31+$0x10];
	_ =	sdelay $0x4  }
0xdc: {  	v62 =	vbroadcast v1, $0x5;
	v2 =	vadd.f32 v3, v2;
	_ =	sdelay $0x1  }
0xdd: {  	v2 =	vmul.f32 v2, v62;
	_ =	sdelay $0x1  }
0xde: {  	[tilespmem:s13+$0x10] =	vst v2  }
0xdf: {  	v2 =	vld [tilespmem:s12+$0x20]  }
0xe0: {  	v3 =	vld [tilespmem:s31+$0x20];
	_ =	sdelay $0x4  }
0xe1: {  	v63 =	vbroadcast v1, $0x6;
	v2 =	vadd.f32 v3, v2;
	_ =	sdelay $0x1  }
0xe2: {  	v2 =	vmul.f32 v2, v63;
	_ =	sdelay $0x1  }
0xe3: {  	[tilespmem:s13+$0x20] =	vst v2  }
0xe4: {  	s0 =	simm.s32 $0x5FE0;
	s17 =	simm.s32 $0x40;
	v1 =	vbroadcast v1, $0x7;
	v2 =	vld [tilespmem:s12+$0x30]  }
.LBB2_5:
0xe5: {  	v3 =	vld [tilespmem:s31+$0x30];
	s13 =	sadd.s32 $0x80, s13;
	s31 =	sadd.s32 $0x80, s31;
	s12 =	sadd.s32 $0x80, s12  }
0xe6: {  	p1 =	sne.s32 s17, $0x9C0;
	s11 =	smov.u32 s17;
	s17 =	sadd.s32 $0x40, s17  }
0xe7: {  	_ =	sdelay $0x2  }
0xe8: {  	v2 =	vadd.f32 v3, v2;
	_ =	sdelay $0x1  }
0xe9: {  	v1 =	vmul.f32 v2, v1;
	_ =	sdelay $0x1  }
0xea: {  	s11 =	sshra.s32 s11, $0x2;
	[tilespmem:s0+$0x30] =	vst v1;
	s0 =	smov.u32 s13  }
0xeb: {  	v1 =	vld [tilespmem:s11+$0x28A0]  }
0xec: {  	v2 =	vld [tilespmem:s11+$0x2DA0]  }
0xed: {  	v3 =	vld [tilespmem:s11+$0x5AA0];
	_ =	sdelay $0x3  }
0xee: {  	v1 =	vadd.f32 v2, v1;
	_ =	sdelay $0x1  }
0xef: {  	v1 =	vadd.f32 v3, v1;
	_ =	sdelay $0x1  }
0xf0: {  	vm0 =	vge.f32 v1, $0.0e+00;
	v2 =	vmul.f32 $9.999999770e-03, v1;
	_ =	sdelay $0x1  }
0xf1: {  	v1 =	vsel vm0, v1, v2  }
0xf2: {  	v1 =	vmul.f32 $1.442695020e+00, v1;
	_ =	sdelay $0x1  }
0xf3: {  	(erf) = vpow2.f32 v1;
	_ =	sdelay $0x8  }
0xf4: {  	v1 =	vpop (erf)  }
0xf5: {  	[tilespmem:s11+$0x5AA0] =	vst v1  }
0xf6: {  	v2 =	vld [tilespmem:s12+$0xFFFFFFC0]  }
0xf7: {  	v3 =	vld [tilespmem:s31+$0xFFFFFFC0];
	_ =	sdelay $0x2  }
0xf8: {  	v4 =	vbroadcast v1, $0x0;
	_ =	sdelay $0x1  }
0xf9: {  	v2 =	vadd.f32 v3, v2;
	_ =	sdelay $0x1  }
0xfa: {  	v2 =	vmul.f32 v4, v2;
	_ =	sdelay $0x1  }
0xfb: {  	[tilespmem:s13+$0xFFFFFFC0] =	vst v2  }
0xfc: {  	v2 =	vld [tilespmem:s12+$0xFFFFFFD0]  }
0xfd: {  	v3 =	vld [tilespmem:s31+$0xFFFFFFD0];
	_ =	sdelay $0x1  }
0xfe: {  	v4 =	vbroadcast v1, $0x1;
	_ =	sdelay $0x2  }
0xff: {  	v2 =	vadd.f32 v3, v2;
	_ =	sdelay $0x1  }
0x100: {  	v2 =	vmul.f32 v2, v4;
	_ =	sdelay $0x1  }
0x101: {  	[tilespmem:s13+$0xFFFFFFD0] =	vst v2  }
0x102: {  	v2 =	vld [tilespmem:s12+$0xFFFFFFE0]  }
0x103: {  	v3 =	vld [tilespmem:s31+$0xFFFFFFE0]  }
0x104: {  	v4 =	vbroadcast v1, $0x2;
	_ =	sdelay $0x3  }
0x105: {  	v2 =	vadd.f32 v3, v2;
	_ =	sdelay $0x1  }
0x106: {  	v2 =	vmul.f32 v2, v4;
	_ =	sdelay $0x1  }
0x107: {  	[tilespmem:s13+$0xFFFFFFE0] =	vst v2  }
0x108: {  	v2 =	vld [tilespmem:s12+$0xFFFFFFF0]  }
0x109: {  	v4 =	vbroadcast v1, $0x3;
	v3 =	vld [tilespmem:s31+$0xFFFFFFF0];
	_ =	sdelay $0x4  }
0x10a: {  	v2 =	vadd.f32 v3, v2;
	_ =	sdelay $0x1  }
0x10b: {  	v2 =	vmul.f32 v2, v4;
	_ =	sdelay $0x1  }
0x10c: {  	[tilespmem:s13+$0xFFFFFFF0] =	vst v2  }
0x10d: {  	v3 =	vbroadcast v1, $0x4;
	v2 =	vld [tilespmem:s12+$0x0]  }
0x10e: {  	v4 =	vld [tilespmem:s31+$0x0];
	_ =	sdelay $0x4  }
0x10f: {  	v2 =	vadd.f32 v4, v2;
	_ =	sdelay $0x1  }
0x110: {  	v2 =	vmul.f32 v2, v3;
	_ =	sdelay $0x1  }
0x111: {  	[tilespmem:s13+$0x0] =	vst v2;
	v2 =	vbroadcast v1, $0x5  }
0x112: {  	v3 =	vld [tilespmem:s12+$0x10]  }
0x113: {  	v4 =	vld [tilespmem:s31+$0x10];
	_ =	sdelay $0x4  }
0x114: {  	v3 =	vadd.f32 v4, v3;
	_ =	sdelay $0x1  }
0x115: {  	v2 =	vmul.f32 v3, v2  }
0x116: {  	v3 =	vbroadcast v1, $0x6  }
0x117: {  	[tilespmem:s13+$0x10] =	vst v2  }
0x118: {  	v2 =	vld [tilespmem:s12+$0x20]  }
0x119: {  	v4 =	vld [tilespmem:s31+$0x20];
	_ =	sdelay $0x4  }
0x11a: {  	v2 =	vadd.f32 v4, v2  }
.Ltmp1:
0x11b: {  	(pc) =	sbr.rel @p1 .LBB2_5-.Ltmp1, $3  }
0x11c: {  	v1 =	vbroadcast v1, $0x7;
	v2 =	vmul.f32 v2, v3;
	_ =	sdelay $0x1  }
0x11d: {  	[tilespmem:s13+$0x20] =	vst v2  }
0x11e: {  	v2 =	vld [tilespmem:s12+$0x30]  }
0x11f: {  	v3 =	vld [tilespmem:s31+$0x30];
	_ =	sdelay $0x4  }
0x120: {  	v2 =	vadd.f32 v3, v2;
	_ =	sdelay $0x1  }
0x121: {  	s11 =	sadd.s32 s5, s29;
	v1 =	vmul.f32 v2, v1  }
0x122: {  	s11 =	sshll.u32 s11, $0x1  }
0x123: {  	s17 =	simm.s32 $0x5AA0;
	s13 =	sadd.s32 s23, s11;
	[tilespmem:s0+$0x30] =	vst v1  }
0x124: {  	[hbm4b:s13+s4] =	stream.linear.scatter [tilespmem:s17], [sflag:$0x3], $0x280, $0x38;
	[tilespmem:$0x1C020] =	vst v63  }
0x125: {  	_ =	swait.ge [sflag:s25], $0x280  }
0x126: {  	[sflag:s25] =	ssyncset.done $0x0  }
0x127: {  	p1 =	seq.s32 s30, $0x7C;
	[sflag:s25] =	ssyncadd.s32 $0xFFFFFD80  }
0x128: {  	[spmem:s3] =	stream.indirect.scatter.add.f32 [tilespmem:s1], [sflag:$0x3], $0x80, s10, s26, $0xb8;
	[tilespmem:$0x1C020] =	vst v63  }
0x129: {  	s0 =	sadd.s32 @!p1 s29, s24;
	_ =	swait.ge [sflag:s25], $0x1400  }
0x12a: {  	s11 =	sshrl.u32 @!p1 s0, $0x3;
	[sflag:s25] =	ssyncset.done $0x0  }
0x12b: {  	s13 =	simm.s32 @!p1 $0x0;
	s12 =	sadd.s32 @!p1 s6, s11;
	[sflag:s25] =	ssyncadd.s32 $0xFFFFEC00  }
0x12c: {  	[tilespmem:s13], [sflag:$0x3] =	stream.linear.gather @!p1 [hbm4b:s12+s13], $0x28, $0x38;
	[tilespmem:$0x1C020] =	vst v63  }
0x12d: {  	s12 =	simm.s32 @!p1 $0x3  }
0x12e: {  	_ =	swait.ge @!p1 [sflag:s12], $0x28  }
0x12f: {  	[sflag:s12] =	ssyncset.done @!p1 $0x0  }
0x130: {  	s17 =	simm.s32 @!p1 $0x50;
	s11 =	sadd.s32 @!p1 s7, s11;
	[sflag:s12] =	ssyncadd.s32 @!p1 $0xFFFFFFD8  }
0x131: {  	[tilespmem:s17], [sflag:$0x3] =	stream.linear.gather @!p1 [hbm4b:s11+s13], $0x28, $0x38;
	[tilespmem:$0x1C020] =	vst v63  }
0x132: {  	_ =	swait.ge @!p1 [sflag:s12], $0x28  }
0x133: {  	[sflag:s12] =	ssyncset.done @!p1 $0x0  }
0x134: {  	s11 =	simm.s32 @!p1 $0x28;
	[sflag:s12] =	ssyncadd.s32 @!p1 $0xFFFFFFD8;
	s12 =	simm.s32 @!p1 $0xA0  }
0x135: {  	[tilespmem:s12], [sflag:$0x1] =	stream.indirect.gather @!p1 [hbm4b:s2+s11], $0x80, s13, s11, $0xb8;
	[tilespmem:$0x1C020] =	vst v63  }
0x136: {  	s12 =	simm.s32 @!p1 $0x28A0  }
0x137: {  	[tilespmem:s12], [sflag:$0x1] =	stream.indirect.gather @!p1 [hbm4b:s19+s11], $0x10, s13, s11, $0xb8;
	[tilespmem:$0x1C020] =	vst v63  }
0x138: {  	s12 =	simm.s32 @!p1 $0x2DA0  }
0x139: {  	[tilespmem:s12], [sflag:$0x1] =	stream.indirect.gather @!p1 [hbm4b:s20+s11], $0x10, s17, s11, $0xb8;
	[tilespmem:$0x1C020] =	vst v63  }
0x13a: {  	s11 =	sshll.u32 @!p1 s0, $0x4  }
0x13b: {  	s0 =	sshll.u32 @!p1 s0, $0x1;
	s11 =	sand.u32 @!p1 $0x1FFFFF00, s11  }
0x13c: {  	s12 =	simm.s32 @!p1 $0x32A0;
	s0 =	sand.u32 @!p1 $0x1FFFFFE0, s0;
	s11 =	sadd.s32 @!p1 s21, s11  }
0x13d: {  	[tilespmem:s12], [sflag:$0x1] =	stream.linear.gather @!p1 [hbm4b:s11+s13], $0x1400, $0x38;
	[tilespmem:$0x1C020] =	vst v63  }
0x13e: {  	s0 =	sadd.s32 @!p1 s22, s0;
	s11 =	simm.s32 @!p1 $0x5AA0  }
0x13f: {  	[tilespmem:s11], [sflag:$0x1] =	stream.linear.gather @!p1 [hbm4b:s0+s13], $0x280, $0x38;
	[tilespmem:$0x1C020] =	vst v63  }
0x140: {  	_ =	swait.ge [sflag:s16], $0x1400  }
0x141: {  	[sflag:s16] =	ssyncset.done $0x0  }
0x142: {  	[sflag:s16] =	ssyncadd.s32 $0xFFFFEC00  }
0x143: {  	_ =	swait.ge [sflag:s16], $0x280  }
0x144: {  	[sflag:s16] =	ssyncset.done $0x0  }
0x145: {  	[sflag:s16] =	ssyncadd.s32 $0xFFFFFD80  }
0x146: {  	_ =	swait.ge [sflag:s16], $0x280  }
0x147: {  	[sflag:s16] =	ssyncset.done $0x0  }
0x148: {  	[sflag:s16] =	ssyncadd.s32 $0xFFFFFD80  }
0x149: {  	_ =	swait.ge [sflag:s16], $0x1400  }
0x14a: {  	[sflag:s16] =	ssyncset.done $0x0  }
0x14b: {  	[sflag:s16] =	ssyncadd.s32 $0xFFFFEC00  }
0x14c: {  	_ =	swait.ge [sflag:s16], $0x280  }
0x14d: {  	[sflag:s16] =	ssyncset.done $0x0  }
0x14e: {  	s31 =	simm.s32 $0x0;
	[sflag:s16] =	ssyncadd.s32 $0xFFFFFD80  }
0x14f: {  	v1 =	vld [tilespmem:s31+$0x2B20]  }
0x150: {  	v2 =	vld [tilespmem:s31+$0x3020];
	_ =	sdelay $0x1  }
0x151: {  	v3 =	vld [tilespmem:s31+$0x5D20];
	_ =	sdelay $0x2  }
0x152: {  	v1 =	vadd.f32 v2, v1;
	_ =	sdelay $0x1  }
0x153: {  	v1 =	vadd.f32 v3, v1;
	_ =	sdelay $0x1  }
0x154: {  	v2 =	vmul.f32 $9.999999770e-03, v1  }
0x155: {  	vm0 =	vge.f32 v1, $0.0e+00  }
0x156: {  	v1 =	vsel vm0, v1, v2  }
0x157: {  	v1 =	vmul.f32 $1.442695020e+00, v1;
	_ =	sdelay $0x1  }
0x158: {  	(erf) = vpow2.f32 v1;
	_ =	sdelay $0x8  }
0x159: {  	v1 =	vpop (erf)  }
0x15a: {  	s12 =	simm.s32 $0x1510;
	[tilespmem:s31+$0x5D20] =	vst v1  }
0x15b: {  	s29 =	simm.s32 $0x4710;
	v2 =	vld [tilespmem:s12+$0xFFFFFF90]  }
0x15c: {  	v3 =	vld [tilespmem:s29+$0xFFFFFF90];
	_ =	sdelay $0x4  }
0x15d: {  	v4 =	vbroadcast v1, $0x0;
	v2 =	vadd.f32 v3, v2;
	_ =	sdelay $0x1  }
0x15e: {  	v2 =	vmul.f32 v4, v2  }
0x15f: {  	s13 =	simm.s32 $0x7410  }
0x160: {  	[tilespmem:s13+$0xFFFFFF90] =	vst v2  }
0x161: {  	v2 =	vld [tilespmem:s12+$0xFFFFFFA0]  }
0x162: {  	v3 =	vld [tilespmem:s29+$0xFFFFFFA0];
	_ =	sdelay $0x4  }
0x163: {  	v58 =	vbroadcast v1, $0x1;
	v2 =	vadd.f32 v3, v2;
	_ =	sdelay $0x1  }
0x164: {  	v2 =	vmul.f32 v2, v58;
	_ =	sdelay $0x1  }
0x165: {  	[tilespmem:s13+$0xFFFFFFA0] =	vst v2  }
0x166: {  	v2 =	vld [tilespmem:s12+$0xFFFFFFB0]  }
0x167: {  	v3 =	vld [tilespmem:s29+$0xFFFFFFB0];
	_ =	sdelay $0x4  }
0x168: {  	v59 =	vbroadcast v1, $0x2;
	v2 =	vadd.f32 v3, v2;
	_ =	sdelay $0x1  }
0x169: {  	v2 =	vmul.f32 v2, v59;
	_ =	sdelay $0x1  }
0x16a: {  	[tilespmem:s13+$0xFFFFFFB0] =	vst v2  }
0x16b: {  	v2 =	vld [tilespmem:s12+$0xFFFFFFC0]  }
0x16c: {  	v3 =	vld [tilespmem:s29+$0xFFFFFFC0];
	_ =	sdelay $0x4  }
0x16d: {  	v60 =	vbroadcast v1, $0x3;
	v2 =	vadd.f32 v3, v2;
	_ =	sdelay $0x1  }
0x16e: {  	v2 =	vmul.f32 v2, v60;
	_ =	sdelay $0x1  }
0x16f: {  	[tilespmem:s13+$0xFFFFFFC0] =	vst v2  }
0x170: {  	v2 =	vld [tilespmem:s12+$0xFFFFFFD0]  }
0x171: {  	v3 =	vld [tilespmem:s29+$0xFFFFFFD0];
	_ =	sdelay $0x4  }
0x172: {  	v61 =	vbroadcast v1, $0x4;
	v2 =	vadd.f32 v3, v2;
	_ =	sdelay $0x1  }
0x173: {  	v2 =	vmul.f32 v2, v61;
	_ =	sdelay $0x1  }
0x174: {  	[tilespmem:s13+$0xFFFFFFD0] =	vst v2  }
0x175: {  	v2 =	vld [tilespmem:s12+$0xFFFFFFE0]  }
0x176: {  	v3 =	vld [tilespmem:s29+$0xFFFFFFE0];
	_ =	sdelay $0x4  }
0x177: {  	v62 =	vbroadcast v1, $0x5;
	v2 =	vadd.f32 v3, v2;
	_ =	sdelay $0x1  }
0x178: {  	v2 =	vmul.f32 v2, v62;
	_ =	sdelay $0x1  }
0x179: {  	[tilespmem:s13+$0xFFFFFFE0] =	vst v2  }
0x17a: {  	v2 =	vld [tilespmem:s12+$0xFFFFFFF0]  }
0x17b: {  	v3 =	vld [tilespmem:s29+$0xFFFFFFF0];
	_ =	sdelay $0x4  }
0x17c: {  	v63 =	vbroadcast v1, $0x6;
	v2 =	vadd.f32 v3, v2;
	_ =	sdelay $0x1  }
0x17d: {  	v2 =	vmul.f32 v2, v63;
	_ =	sdelay $0x1  }
0x17e: {  	[tilespmem:s13+$0xFFFFFFF0] =	vst v2  }
0x17f: {  	s17 =	simm.s32 $0x40;
	s0 =	simm.s32 $0x7410;
	v1 =	vbroadcast v1, $0x7;
	v2 =	vld [tilespmem:s12+$0x0]  }
.LBB2_7:
0x180: {  	v3 =	vld [tilespmem:s29+$0x0];
	s13 =	sadd.s32 $0x80, s13;
	s29 =	sadd.s32 $0x80, s29;
	s12 =	sadd.s32 $0x80, s12  }
0x181: {  	p1 =	sne.s32 s17, $0x9C0;
	s11 =	smov.u32 s17;
	s17 =	sadd.s32 $0x40, s17  }
0x182: {  	_ =	sdelay $0x2  }
0x183: {  	v2 =	vadd.f32 v3, v2;
	_ =	sdelay $0x1  }
0x184: {  	v1 =	vmul.f32 v2, v1;
	_ =	sdelay $0x1  }
0x185: {  	s11 =	sshra.s32 s11, $0x2;
	[tilespmem:s0+$0x0] =	vst v1;
	s0 =	smov.u32 s13  }
0x186: {  	v1 =	vld [tilespmem:s11+$0x2B20]  }
0x187: {  	v2 =	vld [tilespmem:s11+$0x3020]  }
0x188: {  	v3 =	vld [tilespmem:s11+$0x5D20];
	_ =	sdelay $0x3  }
0x189: {  	v1 =	vadd.f32 v2, v1;
	_ =	sdelay $0x1  }
0x18a: {  	v1 =	vadd.f32 v3, v1;
	_ =	sdelay $0x1  }
0x18b: {  	vm0 =	vge.f32 v1, $0.0e+00;
	v2 =	vmul.f32 $9.999999770e-03, v1;
	_ =	sdelay $0x1  }
0x18c: {  	v1 =	vsel vm0, v1, v2  }
0x18d: {  	v1 =	vmul.f32 $1.442695020e+00, v1;
	_ =	sdelay $0x1  }
0x18e: {  	(erf) = vpow2.f32 v1;
	_ =	sdelay $0x8  }
0x18f: {  	v1 =	vpop (erf)  }
0x190: {  	[tilespmem:s11+$0x5D20] =	vst v1  }
0x191: {  	v2 =	vld [tilespmem:s12+$0xFFFFFF90]  }
0x192: {  	v3 =	vld [tilespmem:s29+$0xFFFFFF90];
	_ =	sdelay $0x2  }
0x193: {  	v4 =	vbroadcast v1, $0x0;
	_ =	sdelay $0x1  }
0x194: {  	v2 =	vadd.f32 v3, v2;
	_ =	sdelay $0x1  }
0x195: {  	v2 =	vmul.f32 v4, v2;
	_ =	sdelay $0x1  }
0x196: {  	[tilespmem:s13+$0xFFFFFF90] =	vst v2  }
0x197: {  	v2 =	vld [tilespmem:s12+$0xFFFFFFA0]  }
0x198: {  	v3 =	vld [tilespmem:s29+$0xFFFFFFA0];
	_ =	sdelay $0x1  }
0x199: {  	v4 =	vbroadcast v1, $0x1;
	_ =	sdelay $0x2  }
0x19a: {  	v2 =	vadd.f32 v3, v2;
	_ =	sdelay $0x1  }
0x19b: {  	v2 =	vmul.f32 v2, v4;
	_ =	sdelay $0x1  }
0x19c: {  	[tilespmem:s13+$0xFFFFFFA0] =	vst v2  }
0x19d: {  	v2 =	vld [tilespmem:s12+$0xFFFFFFB0]  }
0x19e: {  	v3 =	vld [tilespmem:s29+$0xFFFFFFB0]  }
0x19f: {  	v4 =	vbroadcast v1, $0x2;
	_ =	sdelay $0x3  }
0x1a0: {  	v2 =	vadd.f32 v3, v2;
	_ =	sdelay $0x1  }
0x1a1: {  	v2 =	vmul.f32 v2, v4;
	_ =	sdelay $0x1  }
0x1a2: {  	[tilespmem:s13+$0xFFFFFFB0] =	vst v2  }
0x1a3: {  	v2 =	vld [tilespmem:s12+$0xFFFFFFC0]  }
0x1a4: {  	v4 =	vbroadcast v1, $0x3;
	v3 =	vld [tilespmem:s29+$0xFFFFFFC0];
	_ =	sdelay $0x4  }
0x1a5: {  	v2 =	vadd.f32 v3, v2;
	_ =	sdelay $0x1  }
0x1a6: {  	v2 =	vmul.f32 v2, v4;
	_ =	sdelay $0x1  }
0x1a7: {  	[tilespmem:s13+$0xFFFFFFC0] =	vst v2  }
0x1a8: {  	v3 =	vbroadcast v1, $0x4;
	v2 =	vld [tilespmem:s12+$0xFFFFFFD0]  }
0x1a9: {  	v4 =	vld [tilespmem:s29+$0xFFFFFFD0];
	_ =	sdelay $0x4  }
0x1aa: {  	v2 =	vadd.f32 v4, v2;
	_ =	sdelay $0x1  }
0x1ab: {  	v2 =	vmul.f32 v2, v3;
	_ =	sdelay $0x1  }
0x1ac: {  	[tilespmem:s13+$0xFFFFFFD0] =	vst v2;
	v2 =	vbroadcast v1, $0x5  }
0x1ad: {  	v3 =	vld [tilespmem:s12+$0xFFFFFFE0]  }
0x1ae: {  	v4 =	vld [tilespmem:s29+$0xFFFFFFE0];
	_ =	sdelay $0x4  }
0x1af: {  	v3 =	vadd.f32 v4, v3;
	_ =	sdelay $0x1  }
0x1b0: {  	v2 =	vmul.f32 v3, v2  }
0x1b1: {  	v3 =	vbroadcast v1, $0x6  }
0x1b2: {  	[tilespmem:s13+$0xFFFFFFE0] =	vst v2  }
0x1b3: {  	v2 =	vld [tilespmem:s12+$0xFFFFFFF0]  }
0x1b4: {  	v4 =	vld [tilespmem:s29+$0xFFFFFFF0];
	_ =	sdelay $0x4  }
0x1b5: {  	v2 =	vadd.f32 v4, v2  }
.Ltmp2:
0x1b6: {  	(pc) =	sbr.rel @p1 .LBB2_7-.Ltmp2, $3  }
0x1b7: {  	v1 =	vbroadcast v1, $0x7;
	v2 =	vmul.f32 v2, v3;
	_ =	sdelay $0x1  }
0x1b8: {  	[tilespmem:s13+$0xFFFFFFF0] =	vst v2  }
0x1b9: {  	v2 =	vld [tilespmem:s12+$0x0]  }
0x1ba: {  	v3 =	vld [tilespmem:s29+$0x0];
	_ =	sdelay $0x4  }
0x1bb: {  	v2 =	vadd.f32 v3, v2;
	_ =	sdelay $0x1  }
0x1bc: {  	v1 =	vmul.f32 v2, v1;
	_ =	sdelay $0x1  }
0x1bd: {  	s29 =	sadd.s32 s23, s9;
	[tilespmem:s0+$0x0] =	vst v1  }
0x1be: {  	[hbm4b:s29+s4] =	stream.linear.scatter [tilespmem:s14], [sflag:$0x3], $0x280, $0x38;
	[tilespmem:$0x1C020] =	vst v63  }
0x1bf: {  	s30 =	sadd.s32 $0x1, s30;
	_ =	swait.ge [sflag:s25], $0x280  }
0x1c0: {  	p1 =	sne.s32 s30, $0x7D;
	[sflag:s25] =	ssyncset.done $0x0  }
.Ltmp3:
0x1c1: {  	s31 =	simm.s32 $0x73A0;
	[sflag:s25] =	ssyncadd.s32 $0xFFFFFD80;
	(pc) =	sbr.rel @p1 .LBB2_4-.Ltmp3, $4  }
0x1c2: {  	[spmem:s3] =	stream.indirect.scatter.add.f32 [tilespmem:s31], [sflag:$0x3], $0x80, s28, s26, $0xb8;
	[tilespmem:$0x1C020] =	vst v63  }
0x1c3: {  	_ =	swait.ge [sflag:s25], $0x1400  }
0x1c4: {  	[sflag:s25] =	ssyncset.done $0x0  }
0x1c5: {  	[sflag:s25] =	ssyncadd.s32 $0xFFFFEC00  }
0x1c6: {  	[bflag:$0x0] =	sbarrier.arrive $0xFFFF  }
0x1c7: {  	s0 =	rddreg [dreg:$0x13]  }
0x1c8: {  	s9 =	simm.s32 @p0 $0x1FC3;
	s11 =	rddreg [dreg:$0x15];
	s0 =	sshrl.u32 @p0 s0, $0x3  }
0x1c9: {  	[hbm:s11], [sflag:s9] =	dma.local @p0 [spmem:s0], $0x1900  }
0x1ca: {  	s0 =	simm.s32 @p0 $0x3  }
0x1cb: {  	s9 =	stileid.u32;
	_ =	swait.ge @p0 [sflag:s0], $0x1900  }
0x1cc: {  	s9 =	sshll.u32 @!p0 s9, $0x6;
	[sflag:s0] =	ssyncset.done @p0 $0x0;
	s11 =	rddreg [dreg:$0x17]  }
0x1cd: {  	[sflag:s0] =	ssyncadd.s32 @p0 $0xFFFFE700;
	s0 =	sor.u32 @!p0 $0x1C03, s9;
	s9 =	rddreg [dreg:$0x4]  }
0x1ce: {  	[hbm:s9], [sflag:s0] =	dma.local @!p0 [spmem:s11], $0x2800  }
0x1cf: {  	s0 =	simm.s32 @!p0 $0x3  }
0x1d0: {  	_ =	swait.ge @!p0 [sflag:s0], $0x2800  }
0x1d1: {  	s30 =	rddreg [dreg:$0x1d]  }
0x1d2: {  	s31 =	rddreg [dreg:$0x16];
	s11 =	sadd.s32 $0x1, s30  }
0x1d3: {  	p1 =	sne.s32 s11, s31  }
.Ltmp4:
0x1d4: {  	_ = 	snop;
	(pc) =	sbr.rel @p1 .LBB2_1-.Ltmp4, $3  }
0x1d5: {  	_ =	sdelay $0x1  }
0x1d6: {  	[sflag:s0] =	ssyncset.done @!p0 $0x0  }
0x1d7: {  	[sflag:s0] =	ssyncadd.s32 @!p0 $0xFFFFD800  }
0x1d8: {  	_ =	sfence.sel $0x180000  }
0x1d9: {  	[bflag:$0x0] =	sbarrier.arrive $0xFFFF  }
0x1da: {  	_ =	strace $0x90000047  }
0x1db: {  	s0 =	stileid.u32;
	[bflag:$0x2] =	sbarrier.arrive $0xFFFF  }
0x1dc: {  	p0 =	sne.s32 s0, $0x0;
	s0 =	rddreg [dreg:$0x3]  }
0x1dd: {  	s0 =	sadd.s32 @!p0 $0x100000, s0  }
0x1de: {  	[sflag:s0] =	ssyncadd.tile.s32 @!p0 $0x1;
	_ =	shalt  }
.Lfunc_end2:
_tile_overlayer_lowered:
.L_overlay_start_2:
0x1df: {  	(tag) =	ssettag $0x2  }
0x1e0: {  	s0 =	rddreg [dreg:$0x0];
	s2 =	stileid.u32  }
0x1e1: {  	s1 =	rddreg [dreg:$0x1];
	p0 =	sne.s32 s2, $0x0  }
0x1e2: {  	s3 =	rddreg [dreg:$0x2];
	[bflag:$0x3] =	sbarrier.arrive $0xFFFF;
	s2 =	simm.s32 @!p0 $0x1C03  }
0x1e3: {  	[timem:s3], [sflag:s2] =	dma.local @!p0 [hbm:s0], s1  }
0x1e4: {  	s0 =	simm.s32 @!p0 $0x3  }
0x1e5: {  	_ =	swait.ge @!p0 [sflag:s0], s1  }
0x1e6: {  	s1 =	ssub.s32 @!p0 $0x0, s1;
	[sflag:s0] =	ssyncset.done @!p0 $0x0  }
0x1e7: {  	[sflag:s0] =	ssyncadd.s32 @!p0 s1  }
0x1e8: {  	[bflag:$0x3] =	sbarrier.arrive $0xFFFF  }
0x1e9: {  	_ =	shalt  }

</sc_bundles>
